<compile_context>
chip_gen: v7x
topology: tpu7x:2x2x1
jax: 0.10.2.dev20260603
libtpu: 0.0.44.dev20260713+nightly
codegen_flags: <defaults>
</compile_context>

<pallas_src>
import functools

import jax
import jax.numpy as jnp
from jax import lax
from jax.experimental import pallas as pl
from jax.experimental.pallas import tpu as pltpu
from jax.experimental.pallas import tpu_sc as plsc

_NC = 2
_NS = 16
_NW = _NC * _NS

_K = 25


def _sc_gather_body(nchunks, idx_hbm, table_hbm, out_hbm, idx_v, rows_v, sem):
    wid = lax.axis_index("s") * _NC + lax.axis_index("c")
    base = wid * (nchunks * _K)

    def chunk(g, carry):
        r0 = base + g * _K
        pltpu.sync_copy(idx_hbm.at[pl.ds(r0, _K)], idx_v)
        copies = [
            pltpu.async_copy(table_hbm.at[idx_v.at[j]], rows_v.at[j], sem)
            for j in range(_K)
        ]
        for cp in copies:
            cp.wait()
        pltpu.sync_copy(rows_v, out_hbm.at[pl.ds(r0, _K)])
        return carry

    lax.fori_loop(0, nchunks, chunk, 0)


def _sc_gather(idx2d, table4):
    nrows = idx2d.shape[0]
    assert nrows % (_NW * _K) == 0
    nchunks = nrows // (_NW * _K)
    mesh = plsc.VectorSubcoreMesh(core_axis_name="c", subcore_axis_name="s")
    return pl.kernel(
        functools.partial(_sc_gather_body, nchunks),
        out_type=jax.ShapeDtypeStruct((nrows, 128, 8), jnp.float32),
        mesh=mesh,
        compiler_params=pltpu.CompilerParams(use_tc_tiling_on_sc=False),
        scratch_types=[
            pltpu.VMEM((_K, 128), jnp.int32),
            pltpu.VMEM((_K, 128, 8), jnp.float32),
            pltpu.SemaphoreType.DMA,
        ],
    )(idx2d, table4)


def _tc_math_body(cut_ref, c0_ref, c1_ref, dist_ref, diff_ref, cnt_ref):
    i = pl.program_id(0)
    c0 = c0_ref[0]
    c1 = c1_ref[0]
    d4 = c0 - c1

    l32 = lax.broadcasted_iota(jnp.int32, (128, 16), 0)
    g32 = lax.broadcasted_iota(jnp.int32, (128, 16), 1)
    sel_d2 = (l32 // 8 == g32).astype(jnp.float32)
    d2 = jnp.dot(d4 * d4, sel_d2, preferred_element_type=jnp.float32, precision=lax.Precision.HIGHEST)
    dist = jnp.sqrt(d2)
    dist_ref[...] = dist

    l96 = lax.broadcasted_iota(jnp.int32, (128, 48), 0)
    j96 = lax.broadcasted_iota(jnp.int32, (128, 48), 1)
    sel_pack = (l96 == 8 * (j96 // 3) + j96 % 3).astype(jnp.float32)
    diff_ref[...] = jnp.dot(d4, sel_pack, preferred_element_type=jnp.float32, precision=lax.Precision.HIGHEST)

    cnt = jnp.sum((dist <= cut_ref[0, 0]).astype(jnp.int32))

    @pl.when(i == 0)
    def _():
        cnt_ref[0, 0] = 0

    cnt_ref[0, 0] = cnt_ref[0, 0] + cnt


def _tc_math(cut_arr, rows_tc, n_pairs):
    q = n_pairs // 16
    rb = 2000
    assert q % rb == 0
    grid = q // rb
    return pl.pallas_call(
        _tc_math_body,
        grid=(grid,),
        in_specs=[
            pl.BlockSpec(memory_space=pltpu.SMEM),
            pl.BlockSpec((1, rb, 128), lambda i: (0, i, 0)),
            pl.BlockSpec((1, rb, 128), lambda i: (1, i, 0)),
        ],
        out_specs=[
            pl.BlockSpec((rb, 16), lambda i: (i, 0)),
            pl.BlockSpec((rb, 48), lambda i: (i, 0)),
            pl.BlockSpec(memory_space=pltpu.SMEM),
        ],
        out_shape=[
            jax.ShapeDtypeStruct((q, 16), jnp.float32),
            jax.ShapeDtypeStruct((q, 48), jnp.float32),
            jax.ShapeDtypeStruct((1, 1), jnp.int32),
        ],
    )(cut_arr, rows_tc, rows_tc)


def kernel(coordinates, input_neighbor_indices, cutoff):
    coords = coordinates.reshape(-1, 3)
    idx = input_neighbor_indices
    n_pairs = idx.shape[1]

    table8 = jnp.pad(coords, ((0, 0), (0, 5)))
    idx2d = idx.reshape(2 * n_pairs // 128, 128)

    rows = _sc_gather(idx2d, table8)
    rows_tc = rows.reshape(2, n_pairs // 16, 128)

    cut_arr = jnp.full((1, 1), cutoff, jnp.float32)
    dist32, diff96, cnt = _tc_math(cut_arr, rows_tc, n_pairs)
    dist = dist32.reshape(n_pairs)
    diff = diff96.reshape(n_pairs, 3)

    def fast(operands):
        idx_, dist_, diff_ = operands
        return idx_, dist_, diff_

    def slow(operands):
        idx_, dist_, diff_ = operands
        keep = dist_ <= jnp.float32(cutoff)
        in_cut = jnp.nonzero(keep, size=n_pairs, fill_value=0)[0]
        return (
            jnp.take(idx_, in_cut, axis=1),
            jnp.take(dist_, in_cut),
            jnp.take(diff_, in_cut, axis=0),
        )

    return lax.cond(cnt[0, 0] == n_pairs, fast, slow, (idx, dist, diff))

# --- scband reference (transcript-rebuilt; emitter-appended) ---
"""Pipeline reference for scband-neighborlist-40295383171534 (READ-ONLY COPY).

The authoritative reference and input builder live on the scoring server;
editing this copy changes nothing except your own understanding.
"""

import jax, jax.numpy as jnp
import numpy as np

N = 100000
E = 6400000

def setup_inputs(seed: int = 0) -> dict:
    key = jax.random.key(seed)
    k1, k2, k3 = jax.random.split(key, 3)
    coordinates = jax.random.normal(k1, (N, 3), dtype=jnp.float32)
    # candidate neighbor pairs; avoid self-pairs (i,i) so distances are never exactly 0
    idx0 = jax.random.randint(k2, (E,), 0, N)
    off = jax.random.randint(k3, (E,), 1, N)
    idx1 = (idx0 + off) % N
    input_neighbor_indices = jnp.stack([idx0, idx1]).astype(jnp.int32)
    return {"coordinates": coordinates, "input_neighbor_indices": input_neighbor_indices, "cutoff": 1000}

def reference(coordinates, input_neighbor_indices, cutoff):
    # Neighborlist._screen_with_cutoff with shift_values=None, mask=None
    coords = coordinates.reshape(-1, 3)
    idx = input_neighbor_indices
    # screening pass uses detached coordinates in the original (no grad anyway in fwd)
    c0 = jnp.take(coords, idx[0], axis=0)
    c1 = jnp.take(coords, idx[1], axis=0)
    diff = c0 - c1
    dist = jnp.linalg.norm(diff, axis=-1)
    in_cutoff = jnp.nonzero(dist <= cutoff, size=idx.shape[1], fill_value=0)[0]
    screened_idx = jnp.take(idx, in_cutoff, axis=1)
    # recompute diff vectors / distances from (non-detached) coordinates
    c0s = jnp.take(coords, screened_idx[0], axis=0)
    c1s = jnp.take(coords, screened_idx[1], axis=0)
    screened_diff_vectors = c0s - c1s
    screened_distances = jnp.linalg.norm(screened_diff_vectors, axis=-1)
    # NeighborData(indices, distances, diff_vectors)
    return (screened_idx, screened_distances, screened_diff_vectors)

if __name__ == "__main__":
    import jax
    _d = setup_inputs()
    print(jax.jit(kernel)(*tuple(_d.values())))

</pallas_src>

<mosaic_0001>
#map = affine_map<(d0, d1) -> (0, 0)>
#map1 = affine_map<(d0, d1) -> (0, 0, 0)>
module attributes {stable_mosaic.version = 14 : i64} {
  func.func @_sc_gather_body(%arg0: i32, %arg1: i32, %arg2: memref<100000x128xi32, #tpu.memory_space<hbm>>, %arg3: memref<100000x8xf32, #tpu.memory_space<hbm>>, %arg4: memref<100000x128x8xf32, #tpu.memory_space<hbm>>, %arg5: memref<25x128xi32, #tpu.memory_space<vmem>>, %arg6: memref<25x128x8xf32, #tpu.memory_space<vmem>>, %arg7: memref<!tpu.dma_semaphore, #tpu.memory_space<semaphore_mem>>) attributes {dimension_semantics = [#tpu.dimension_semantics<core_parallel>, #tpu.dimension_semantics<subcore_parallel>], iteration_bounds = array<i64: 2, 16>, scalar_prefetch = 0 : i64, scratch_operands = 3 : i64, tpu.core_type = #tpu.core_type<sc_vector_subcore>, window_params = [{transform_indices = #map}, {transform_indices = #map}, {transform_indices = #map1}]} {
    %mul3A = arith.constant 2 : i32
    %mul3A_0 = arith.muli %arg1, %mul3A : i32
    %add3A = arith.addi %mul3A_0, %arg0 : i32
    %mul3A_1 = arith.constant 3125 : i32
    %mul3A_2 = arith.muli %add3A, %mul3A_1 : i32
    %scan3A = arith.constant 0 : i32
    %scan3A_3 = arith.constant 0 : i32
    %scan3A_4 = arith.constant 125 : i32
    %scan3A_5 = arith.addi %scan3A_3, %scan3A_4 : i32
    %scan3A_6 = arith.constant 1 : i32
    scf.for %scan3A_8 = %scan3A_3 to %scan3A_5 step %scan3A_6  : i32 {
      %mul3A_9 = arith.constant 25 : i32
      %mul3A_10 = arith.muli %scan3A_8, %mul3A_9 : i32
      %add3A_11 = arith.addi %mul3A_2, %mul3A_10 : i32
      "tpu.region"() ({
        %run_scoped3A = tpu.sem_alloc : memref<!tpu.dma_semaphore, #tpu.memory_space<semaphore_mem>>
        %dma_start3A_610 = arith.constant 0 : i32
        %dma_start3A_611 = tpu.memref_slice %arg2[%add3A_11, %dma_start3A_610] : memref<100000x128xi32, #tpu.memory_space<hbm>> -> memref<25x128xi32, #tpu.memory_space<hbm>>
        %dma_start3A_612 = arith.constant 0 : i32
        %dma_start3A_613 = tpu.memref_slice %arg2[%add3A_11, %dma_start3A_612] : memref<100000x128xi32, #tpu.memory_space<hbm>> -> memref<25x128xi32, #tpu.memory_space<hbm>>
        tpu.enqueue_dma source(%dma_start3A_613 : memref<25x128xi32, #tpu.memory_space<hbm>>) target(%arg5 : memref<25x128xi32, #tpu.memory_space<vmem>>) target_semaphore(%run_scoped3A : memref<!tpu.dma_semaphore, #tpu.memory_space<semaphore_mem>>)
        %dma_wait3A_614 = arith.constant 0 : i32
        %dma_wait3A_615 = tpu.memref_slice %arg2[%add3A_11, %dma_wait3A_614] : memref<100000x128xi32, #tpu.memory_space<hbm>> -> memref<25x128xi32, #tpu.memory_space<hbm>>
        %dma_wait3A_616 = arith.constant 0 : i32
        %dma_wait3A_617 = tpu.memref_slice %arg2[%add3A_11, %dma_wait3A_616] : memref<100000x128xi32, #tpu.memory_space<hbm>> -> memref<25x128xi32, #tpu.memory_space<hbm>>
        tpu.wait_dma2 semaphore(%run_scoped3A : memref<!tpu.dma_semaphore, #tpu.memory_space<semaphore_mem>>) src(%dma_wait3A_617 : memref<25x128xi32, #tpu.memory_space<hbm>>) dst(%arg5 : memref<25x128xi32, #tpu.memory_space<vmem>>)
        tpu.yield
      }) : () -> ()
      %dma_start3A = arith.constant 0 : i32
      %dma_start3A_12 = arith.constant 0 : i32
      %dma_start3A_13 = arith.constant 0 : i32
      %dma_start3A_14 = arith.constant 0 : i32
      %dma_start3A_15 = tpu.memref_slice %arg6[%dma_start3A_12, %dma_start3A_13, %dma_start3A_14] : memref<25x128x8xf32, #tpu.memory_space<vmem>> -> memref<1x128x8xf32, #tpu.memory_space<vmem>>
      %dma_start3A_16 = tpu.memref_squeeze %dma_start3A_15 : memref<1x128x8xf32, #tpu.memory_space<vmem>> -> memref<128x8xf32, #tpu.memory_space<vmem>>
      %dma_start3A_17 = arith.constant 0 : i32
      %dma_start3A_18 = tpu.memref_slice %arg5[%dma_start3A, %dma_start3A_17] : memref<25x128xi32, #tpu.memory_space<vmem>> -> memref<1x128xi32, #tpu.memory_space<vmem>>
      %dma_start3A_19 = tpu.memref_squeeze %dma_start3A_18 : memref<1x128xi32, #tpu.memory_space<vmem>> -> memref<128xi32, #tpu.memory_space<vmem>>
      %dma_start3A_20 = arith.constant 0 : i32
      %dma_start3A_21 = arith.constant 0 : i32
      %dma_start3A_22 = tpu.memref_slice %arg3[%dma_start3A_20, %dma_start3A_21] : memref<100000x8xf32, #tpu.memory_space<hbm>> -> memref<100000x8xf32, #tpu.memory_space<hbm>>
      tpu.enqueue_indirect_dma source(%dma_start3A_22 : memref<100000x8xf32, #tpu.memory_space<hbm>>) target(%dma_start3A_16 : memref<128x8xf32, #tpu.memory_space<vmem>>) offsets(%dma_start3A_19 : memref<128xi32, #tpu.memory_space<vmem>>) semaphore(%arg7 : memref<!tpu.dma_semaphore, #tpu.memory_space<semaphore_mem>>)
      %dma_start3A_23 = arith.constant 1 : i32
      %dma_start3A_24 = arith.constant 1 : i32
      %dma_start3A_25 = arith.constant 0 : i32
      %dma_start3A_26 = arith.constant 0 : i32
      %dma_start3A_27 = tpu.memref_slice %arg6[%dma_start3A_24, %dma_start3A_25, %dma_start3A_26] : memref<25x128x8xf32, #tpu.memory_space<vmem>> -> memref<1x128x8xf32, #tpu.memory_space<vmem>>
      %dma_start3A_28 = tpu.memref_squeeze %dma_start3A_27 : memref<1x128x8xf32, #tpu.memory_space<vmem>> -> memref<128x8xf32, #tpu.memory_space<vmem>>
      %dma_start3A_29 = arith.constant 0 : i32
      %dma_start3A_30 = tpu.memref_slice %arg5[%dma_start3A_23, %dma_start3A_29] : memref<25x128xi32, #tpu.memory_space<vmem>> -> memref<1x128xi32, #tpu.memory_space<vmem>>
      %dma_start3A_31 = tpu.memref_squeeze %dma_start3A_30 : memref<1x128xi32, #tpu.memory_space<vmem>> -> memref<128xi32, #tpu.memory_space<vmem>>
      %dma_start3A_32 = arith.constant 0 : i32
      %dma_start3A_33 = arith.constant 0 : i32
      %dma_start3A_34 = tpu.memref_slice %arg3[%dma_start3A_32, %dma_start3A_33] : memref<100000x8xf32, #tpu.memory_space<hbm>> -> memref<100000x8xf32, #tpu.memory_space<hbm>>
      tpu.enqueue_indirect_dma source(%dma_start3A_34 : memref<100000x8xf32, #tpu.memory_space<hbm>>) target(%dma_start3A_28 : memref<128x8xf32, #tpu.memory_space<vmem>>) offsets(%dma_start3A_31 : memref<128xi32, #tpu.memory_space<vmem>>) semaphore(%arg7 : memref<!tpu.dma_semaphore, #tpu.memory_space<semaphore_mem>>)
      %dma_start3A_35 = arith.constant 2 : i32
      %dma_start3A_36 = arith.constant 2 : i32
      %dma_start3A_37 = arith.constant 0 : i32
      %dma_start3A_38 = arith.constant 0 : i32
      %dma_start3A_39 = tpu.memref_slice %arg6[%dma_start3A_36, %dma_start3A_37, %dma_start3A_38] : memref<25x128x8xf32, #tpu.memory_space<vmem>> -> memref<1x128x8xf32, #tpu.memory_space<vmem>>
      %dma_start3A_40 = tpu.memref_squeeze %dma_start3A_39 : memref<1x128x8xf32, #tpu.memory_space<vmem>> -> memref<128x8xf32, #tpu.memory_space<vmem>>
      %dma_start3A_41 = arith.constant 0 : i32
      %dma_start3A_42 = tpu.memref_slice %arg5[%dma_start3A_35, %dma_start3A_41] : memref<25x128xi32, #tpu.memory_space<vmem>> -> memref<1x128xi32, #tpu.memory_space<vmem>>
      %dma_start3A_43 = tpu.memref_squeeze %dma_start3A_42 : memref<1x128xi32, #tpu.memory_space<vmem>> -> memref<128xi32, #tpu.memory_space<vmem>>
      %dma_start3A_44 = arith.constant 0 : i32
      %dma_start3A_45 = arith.constant 0 : i32
      %dma_start3A_46 = tpu.memref_slice %arg3[%dma_start3A_44, %dma_start3A_45] : memref<100000x8xf32, #tpu.memory_space<hbm>> -> memref<100000x8xf32, #tpu.memory_space<hbm>>
      tpu.enqueue_indirect_dma source(%dma_start3A_46 : memref<100000x8xf32, #tpu.memory_space<hbm>>) target(%dma_start3A_40 : memref<128x8xf32, #tpu.memory_space<vmem>>) offsets(%dma_start3A_43 : memref<128xi32, #tpu.memory_space<vmem>>) semaphore(%arg7 : memref<!tpu.dma_semaphore, #tpu.memory_space<semaphore_mem>>)
      %dma_start3A_47 = arith.constant 3 : i32
      %dma_start3A_48 = arith.constant 3 : i32
      %dma_start3A_49 = arith.constant 0 : i32
      %dma_start3A_50 = arith.constant 0 : i32
      %dma_start3A_51 = tpu.memref_slice %arg6[%dma_start3A_48, %dma_start3A_49, %dma_start3A_50] : memref<25x128x8xf32, #tpu.memory_space<vmem>> -> memref<1x128x8xf32, #tpu.memory_space<vmem>>
      %dma_start3A_52 = tpu.memref_squeeze %dma_start3A_51 : memref<1x128x8xf32, #tpu.memory_space<vmem>> -> memref<128x8xf32, #tpu.memory_space<vmem>>
      %dma_start3A_53 = arith.constant 0 : i32
      %dma_start3A_54 = tpu.memref_slice %arg5[%dma_start3A_47, %dma_start3A_53] : memref<25x128xi32, #tpu.memory_space<vmem>> -> memref<1x128xi32, #tpu.memory_space<vmem>>
      %dma_start3A_55 = tpu.memref_squeeze %dma_start3A_54 : memref<1x128xi32, #tpu.memory_space<vmem>> -> memref<128xi32, #tpu.memory_space<vmem>>
      %dma_start3A_56 = arith.constant 0 : i32
      %dma_start3A_57 = arith.constant 0 : i32
      %dma_start3A_58 = tpu.memref_slice %arg3[%dma_start3A_56, %dma_start3A_57] : memref<100000x8xf32, #tpu.memory_space<hbm>> -> memref<100000x8xf32, #tpu.memory_space<hbm>>
      tpu.enqueue_indirect_dma source(%dma_start3A_58 : memref<100000x8xf32, #tpu.memory_space<hbm>>) target(%dma_start3A_52 : memref<128x8xf32, #tpu.memory_space<vmem>>) offsets(%dma_start3A_55 : memref<128xi32, #tpu.memory_space<vmem>>) semaphore(%arg7 : memref<!tpu.dma_semaphore, #tpu.memory_space<semaphore_mem>>)
      %dma_start3A_59 = arith.constant 4 : i32
      %dma_start3A_60 = arith.constant 4 : i32
      %dma_start3A_61 = arith.constant 0 : i32
      %dma_start3A_62 = arith.constant 0 : i32
      %dma_start3A_63 = tpu.memref_slice %arg6[%dma_start3A_60, %dma_start3A_61, %dma_start3A_62] : memref<25x128x8xf32, #tpu.memory_space<vmem>> -> memref<1x128x8xf32, #tpu.memory_space<vmem>>
      %dma_start3A_64 = tpu.memref_squeeze %dma_start3A_63 : memref<1x128x8xf32, #tpu.memory_space<vmem>> -> memref<128x8xf32, #tpu.memory_space<vmem>>
      %dma_start3A_65 = arith.constant 0 : i32
      %dma_start3A_66 = tpu.memref_slice %arg5[%dma_start3A_59, %dma_start3A_65] : memref<25x128xi32, #tpu.memory_space<vmem>> -> memref<1x128xi32, #tpu.memory_space<vmem>>
      %dma_start3A_67 = tpu.memref_squeeze %dma_start3A_66 : memref<1x128xi32, #tpu.memory_space<vmem>> -> memref<128xi32, #tpu.memory_space<vmem>>
      %dma_start3A_68 = arith.constant 0 : i32
      %dma_start3A_69 = arith.constant 0 : i32
      %dma_start3A_70 = tpu.memref_slice %arg3[%dma_start3A_68, %dma_start3A_69] : memref<100000x8xf32, #tpu.memory_space<hbm>> -> memref<100000x8xf32, #tpu.memory_space<hbm>>
      tpu.enqueue_indirect_dma source(%dma_start3A_70 : memref<100000x8xf32, #tpu.memory_space<hbm>>) target(%dma_start3A_64 : memref<128x8xf32, #tpu.memory_space<vmem>>) offsets(%dma_start3A_67 : memref<128xi32, #tpu.memory_space<vmem>>) semaphore(%arg7 : memref<!tpu.dma_semaphore, #tpu.memory_space<semaphore_mem>>)
      %dma_start3A_71 = arith.constant 5 : i32
      %dma_start3A_72 = arith.constant 5 : i32
      %dma_start3A_73 = arith.constant 0 : i32
      %dma_start3A_74 = arith.constant 0 : i32
      %dma_start3A_75 = tpu.memref_slice %arg6[%dma_start3A_72, %dma_start3A_73, %dma_start3A_74] : memref<25x128x8xf32, #tpu.memory_space<vmem>> -> memref<1x128x8xf32, #tpu.memory_space<vmem>>
      %dma_start3A_76 = tpu.memref_squeeze %dma_start3A_75 : memref<1x128x8xf32, #tpu.memory_space<vmem>> -> memref<128x8xf32, #tpu.memory_space<vmem>>
      %dma_start3A_77 = arith.constant 0 : i32
      %dma_start3A_78 = tpu.memref_slice %arg5[%dma_start3A_71, %dma_start3A_77] : memref<25x128xi32, #tpu.memory_space<vmem>> -> memref<1x128xi32, #tpu.memory_space<vmem>>
      %dma_start3A_79 = tpu.memref_squeeze %dma_start3A_78 : memref<1x128xi32, #tpu.memory_space<vmem>> -> memref<128xi32, #tpu.memory_space<vmem>>
      %dma_start3A_80 = arith.constant 0 : i32
      %dma_start3A_81 = arith.constant 0 : i32
      %dma_start3A_82 = tpu.memref_slice %arg3[%dma_start3A_80, %dma_start3A_81] : memref<100000x8xf32, #tpu.memory_space<hbm>> -> memref<100000x8xf32, #tpu.memory_space<hbm>>
      tpu.enqueue_indirect_dma source(%dma_start3A_82 : memref<100000x8xf32, #tpu.memory_space<hbm>>) target(%dma_start3A_76 : memref<128x8xf32, #tpu.memory_space<vmem>>) offsets(%dma_start3A_79 : memref<128xi32, #tpu.memory_space<vmem>>) semaphore(%arg7 : memref<!tpu.dma_semaphore, #tpu.memory_space<semaphore_mem>>)
      %dma_start3A_83 = arith.constant 6 : i32
      %dma_start3A_84 = arith.constant 6 : i32
      %dma_start3A_85 = arith.constant 0 : i32
      %dma_start3A_86 = arith.constant 0 : i32
      %dma_start3A_87 = tpu.memref_slice %arg6[%dma_start3A_84, %dma_start3A_85, %dma_start3A_86] : memref<25x128x8xf32, #tpu.memory_space<vmem>> -> memref<1x128x8xf32, #tpu.memory_space<vmem>>
      %dma_start3A_88 = tpu.memref_squeeze %dma_start3A_87 : memref<1x128x8xf32, #tpu.memory_space<vmem>> -> memref<128x8xf32, #tpu.memory_space<vmem>>
      %dma_start3A_89 = arith.constant 0 : i32
      %dma_start3A_90 = tpu.memref_slice %arg5[%dma_start3A_83, %dma_start3A_89] : memref<25x128xi32, #tpu.memory_space<vmem>> -> memref<1x128xi32, #tpu.memory_space<vmem>>
      %dma_start3A_91 = tpu.memref_squeeze %dma_start3A_90 : memref<1x128xi32, #tpu.memory_space<vmem>> -> memref<128xi32, #tpu.memory_space<vmem>>
      %dma_start3A_92 = arith.constant 0 : i32
      %dma_start3A_93 = arith.constant 0 : i32
      %dma_start3A_94 = tpu.memref_slice %arg3[%dma_start3A_92, %dma_start3A_93] : memref<100000x8xf32, #tpu.memory_space<hbm>> -> memref<100000x8xf32, #tpu.memory_space<hbm>>
      tpu.enqueue_indirect_dma source(%dma_start3A_94 : memref<100000x8xf32, #tpu.memory_space<hbm>>) target(%dma_start3A_88 : memref<128x8xf32, #tpu.memory_space<vmem>>) offsets(%dma_start3A_91 : memref<128xi32, #tpu.memory_space<vmem>>) semaphore(%arg7 : memref<!tpu.dma_semaphore, #tpu.memory_space<semaphore_mem>>)
      %dma_start3A_95 = arith.constant 7 : i32
      %dma_start3A_96 = arith.constant 7 : i32
      %dma_start3A_97 = arith.constant 0 : i32
      %dma_start3A_98 = arith.constant 0 : i32
      %dma_start3A_99 = tpu.memref_slice %arg6[%dma_start3A_96, %dma_start3A_97, %dma_start3A_98] : memref<25x128x8xf32, #tpu.memory_space<vmem>> -> memref<1x128x8xf32, #tpu.memory_space<vmem>>
      %dma_start3A_100 = tpu.memref_squeeze %dma_start3A_99 : memref<1x128x8xf32, #tpu.memory_space<vmem>> -> memref<128x8xf32, #tpu.memory_space<vmem>>
      %dma_start3A_101 = arith.constant 0 : i32
      %dma_start3A_102 = tpu.memref_slice %arg5[%dma_start3A_95, %dma_start3A_101] : memref<25x128xi32, #tpu.memory_space<vmem>> -> memref<1x128xi32, #tpu.memory_space<vmem>>
      %dma_start3A_103 = tpu.memref_squeeze %dma_start3A_102 : memref<1x128xi32, #tpu.memory_space<vmem>> -> memref<128xi32, #tpu.memory_space<vmem>>
      %dma_start3A_104 = arith.constant 0 : i32
      %dma_start3A_105 = arith.constant 0 : i32
      %dma_start3A_106 = tpu.memref_slice %arg3[%dma_start3A_104, %dma_start3A_105] : memref<100000x8xf32, #tpu.memory_space<hbm>> -> memref<100000x8xf32, #tpu.memory_space<hbm>>
      tpu.enqueue_indirect_dma source(%dma_start3A_106 : memref<100000x8xf32, #tpu.memory_space<hbm>>) target(%dma_start3A_100 : memref<128x8xf32, #tpu.memory_space<vmem>>) offsets(%dma_start3A_103 : memref<128xi32, #tpu.memory_space<vmem>>) semaphore(%arg7 : memref<!tpu.dma_semaphore, #tpu.memory_space<semaphore_mem>>)
      %dma_start3A_107 = arith.constant 8 : i32
      %dma_start3A_108 = arith.constant 8 : i32
      %dma_start3A_109 = arith.constant 0 : i32
      %dma_start3A_110 = arith.constant 0 : i32
      %dma_start3A_111 = tpu.memref_slice %arg6[%dma_start3A_108, %dma_start3A_109, %dma_start3A_110] : memref<25x128x8xf32, #tpu.memory_space<vmem>> -> memref<1x128x8xf32, #tpu.memory_space<vmem>>
      %dma_start3A_112 = tpu.memref_squeeze %dma_start3A_111 : memref<1x128x8xf32, #tpu.memory_space<vmem>> -> memref<128x8xf32, #tpu.memory_space<vmem>>
      %dma_start3A_113 = arith.constant 0 : i32
      %dma_start3A_114 = tpu.memref_slice %arg5[%dma_start3A_107, %dma_start3A_113] : memref<25x128xi32, #tpu.memory_space<vmem>> -> memref<1x128xi32, #tpu.memory_space<vmem>>
      %dma_start3A_115 = tpu.memref_squeeze %dma_start3A_114 : memref<1x128xi32, #tpu.memory_space<vmem>> -> memref<128xi32, #tpu.memory_space<vmem>>
      %dma_start3A_116 = arith.constant 0 : i32
      %dma_start3A_117 = arith.constant 0 : i32
      %dma_start3A_118 = tpu.memref_slice %arg3[%dma_start3A_116, %dma_start3A_117] : memref<100000x8xf32, #tpu.memory_space<hbm>> -> memref<100000x8xf32, #tpu.memory_space<hbm>>
      tpu.enqueue_indirect_dma source(%dma_start3A_118 : memref<100000x8xf32, #tpu.memory_space<hbm>>) target(%dma_start3A_112 : memref<128x8xf32, #tpu.memory_space<vmem>>) offsets(%dma_start3A_115 : memref<128xi32, #tpu.memory_space<vmem>>) semaphore(%arg7 : memref<!tpu.dma_semaphore, #tpu.memory_space<semaphore_mem>>)
      %dma_start3A_119 = arith.constant 9 : i32
      %dma_start3A_120 = arith.constant 9 : i32
      %dma_start3A_121 = arith.constant 0 : i32
      %dma_start3A_122 = arith.constant 0 : i32
      %dma_start3A_123 = tpu.memref_slice %arg6[%dma_start3A_120, %dma_start3A_121, %dma_start3A_122] : memref<25x128x8xf32, #tpu.memory_space<vmem>> -> memref<1x128x8xf32, #tpu.memory_space<vmem>>
      %dma_start3A_124 = tpu.memref_squeeze %dma_start3A_123 : memref<1x128x8xf32, #tpu.memory_space<vmem>> -> memref<128x8xf32, #tpu.memory_space<vmem>>
      %dma_start3A_125 = arith.constant 0 : i32
      %dma_start3A_126 = tpu.memref_slice %arg5[%dma_start3A_119, %dma_start3A_125] : memref<25x128xi32, #tpu.memory_space<vmem>> -> memref<1x128xi32, #tpu.memory_space<vmem>>
      %dma_start3A_127 = tpu.memref_squeeze %dma_start3A_126 : memref<1x128xi32, #tpu.memory_space<vmem>> -> memref<128xi32, #tpu.memory_space<vmem>>
      %dma_start3A_128 = arith.constant 0 : i32
      %dma_start3A_129 = arith.constant 0 : i32
      %dma_start3A_130 = tpu.memref_slice %arg3[%dma_start3A_128, %dma_start3A_129] : memref<100000x8xf32, #tpu.memory_space<hbm>> -> memref<100000x8xf32, #tpu.memory_space<hbm>>
      tpu.enqueue_indirect_dma source(%dma_start3A_130 : memref<100000x8xf32, #tpu.memory_space<hbm>>) target(%dma_start3A_124 : memref<128x8xf32, #tpu.memory_space<vmem>>) offsets(%dma_start3A_127 : memref<128xi32, #tpu.memory_space<vmem>>) semaphore(%arg7 : memref<!tpu.dma_semaphore, #tpu.memory_space<semaphore_mem>>)
      %dma_start3A_131 = arith.constant 10 : i32
      %dma_start3A_132 = arith.constant 10 : i32
      %dma_start3A_133 = arith.constant 0 : i32
      %dma_start3A_134 = arith.constant 0 : i32
      %dma_start3A_135 = tpu.memref_slice %arg6[%dma_start3A_132, %dma_start3A_133, %dma_start3A_134] : memref<25x128x8xf32, #tpu.memory_space<vmem>> -> memref<1x128x8xf32, #tpu.memory_space<vmem>>
      %dma_start3A_136 = tpu.memref_squeeze %dma_start3A_135 : memref<1x128x8xf32, #tpu.memory_space<vmem>> -> memref<128x8xf32, #tpu.memory_space<vmem>>
      %dma_start3A_137 = arith.constant 0 : i32
      %dma_start3A_138 = tpu.memref_slice %arg5[%dma_start3A_131, %dma_start3A_137] : memref<25x128xi32, #tpu.memory_space<vmem>> -> memref<1x128xi32, #tpu.memory_space<vmem>>
      %dma_start3A_139 = tpu.memref_squeeze %dma_start3A_138 : memref<1x128xi32, #tpu.memory_space<vmem>> -> memref<128xi32, #tpu.memory_space<vmem>>
      %dma_start3A_140 = arith.constant 0 : i32
      %dma_start3A_141 = arith.constant 0 : i32
      %dma_start3A_142 = tpu.memref_slice %arg3[%dma_start3A_140, %dma_start3A_141] : memref<100000x8xf32, #tpu.memory_space<hbm>> -> memref<100000x8xf32, #tpu.memory_space<hbm>>
      tpu.enqueue_indirect_dma source(%dma_start3A_142 : memref<100000x8xf32, #tpu.memory_space<hbm>>) target(%dma_start3A_136 : memref<128x8xf32, #tpu.memory_space<vmem>>) offsets(%dma_start3A_139 : memref<128xi32, #tpu.memory_space<vmem>>) semaphore(%arg7 : memref<!tpu.dma_semaphore, #tpu.memory_space<semaphore_mem>>)
      %dma_start3A_143 = arith.constant 11 : i32
      %dma_start3A_144 = arith.constant 11 : i32
      %dma_start3A_145 = arith.constant 0 : i32
      %dma_start3A_146 = arith.constant 0 : i32
      %dma_start3A_147 = tpu.memref_slice %arg6[%dma_start3A_144, %dma_start3A_145, %dma_start3A_146] : memref<25x128x8xf32, #tpu.memory_space<vmem>> -> memref<1x128x8xf32, #tpu.memory_space<vmem>>
      %dma_start3A_148 = tpu.memref_squeeze %dma_start3A_147 : memref<1x128x8xf32, #tpu.memory_space<vmem>> -> memref<128x8xf32, #tpu.memory_space<vmem>>
      %dma_start3A_149 = arith.constant 0 : i32
      %dma_start3A_150 = tpu.memref_slice %arg5[%dma_start3A_143, %dma_start3A_149] : memref<25x128xi32, #tpu.memory_space<vmem>> -> memref<1x128xi32, #tpu.memory_space<vmem>>
      %dma_start3A_151 = tpu.memref_squeeze %dma_start3A_150 : memref<1x128xi32, #tpu.memory_space<vmem>> -> memref<128xi32, #tpu.memory_space<vmem>>
      %dma_start3A_152 = arith.constant 0 : i32
      %dma_start3A_153 = arith.constant 0 : i32
      %dma_start3A_154 = tpu.memref_slice %arg3[%dma_start3A_152, %dma_start3A_153] : memref<100000x8xf32, #tpu.memory_space<hbm>> -> memref<100000x8xf32, #tpu.memory_space<hbm>>
      tpu.enqueue_indirect_dma source(%dma_start3A_154 : memref<100000x8xf32, #tpu.memory_space<hbm>>) target(%dma_start3A_148 : memref<128x8xf32, #tpu.memory_space<vmem>>) offsets(%dma_start3A_151 : memref<128xi32, #tpu.memory_space<vmem>>) semaphore(%arg7 : memref<!tpu.dma_semaphore, #tpu.memory_space<semaphore_mem>>)
      %dma_start3A_155 = arith.constant 12 : i32
      %dma_start3A_156 = arith.constant 12 : i32
      %dma_start3A_157 = arith.constant 0 : i32
      %dma_start3A_158 = arith.constant 0 : i32
      %dma_start3A_159 = tpu.memref_slice %arg6[%dma_start3A_156, %dma_start3A_157, %dma_start3A_158] : memref<25x128x8xf32, #tpu.memory_space<vmem>> -> memref<1x128x8xf32, #tpu.memory_space<vmem>>
      %dma_start3A_160 = tpu.memref_squeeze %dma_start3A_159 : memref<1x128x8xf32, #tpu.memory_space<vmem>> -> memref<128x8xf32, #tpu.memory_space<vmem>>
      %dma_start3A_161 = arith.constant 0 : i32
      %dma_start3A_162 = tpu.memref_slice %arg5[%dma_start3A_155, %dma_start3A_161] : memref<25x128xi32, #tpu.memory_space<vmem>> -> memref<1x128xi32, #tpu.memory_space<vmem>>
      %dma_start3A_163 = tpu.memref_squeeze %dma_start3A_162 : memref<1x128xi32, #tpu.memory_space<vmem>> -> memref<128xi32, #tpu.memory_space<vmem>>
      %dma_start3A_164 = arith.constant 0 : i32
      %dma_start3A_165 = arith.constant 0 : i32
      %dma_start3A_166 = tpu.memref_slice %arg3[%dma_start3A_164, %dma_start3A_165] : memref<100000x8xf32, #tpu.memory_space<hbm>> -> memref<100000x8xf32, #tpu.memory_space<hbm>>
      tpu.enqueue_indirect_dma source(%dma_start3A_166 : memref<100000x8xf32, #tpu.memory_space<hbm>>) target(%dma_start3A_160 : memref<128x8xf32, #tpu.memory_space<vmem>>) offsets(%dma_start3A_163 : memref<128xi32, #tpu.memory_space<vmem>>) semaphore(%arg7 : memref<!tpu.dma_semaphore, #tpu.memory_space<semaphore_mem>>)
      %dma_start3A_167 = arith.constant 13 : i32
      %dma_start3A_168 = arith.constant 13 : i32
      %dma_start3A_169 = arith.constant 0 : i32
      %dma_start3A_170 = arith.constant 0 : i32
      %dma_start3A_171 = tpu.memref_slice %arg6[%dma_start3A_168, %dma_start3A_169, %dma_start3A_170] : memref<25x128x8xf32, #tpu.memory_space<vmem>> -> memref<1x128x8xf32, #tpu.memory_space<vmem>>
      %dma_start3A_172 = tpu.memref_squeeze %dma_start3A_171 : memref<1x128x8xf32, #tpu.memory_space<vmem>> -> memref<128x8xf32, #tpu.memory_space<vmem>>
      %dma_start3A_173 = arith.constant 0 : i32
      %dma_start3A_174 = tpu.memref_slice %arg5[%dma_start3A_167, %dma_start3A_173] : memref<25x128xi32, #tpu.memory_space<vmem>> -> memref<1x128xi32, #tpu.memory_space<vmem>>
      %dma_start3A_175 = tpu.memref_squeeze %dma_start3A_174 : memref<1x128xi32, #tpu.memory_space<vmem>> -> memref<128xi32, #tpu.memory_space<vmem>>
      %dma_start3A_176 = arith.constant 0 : i32
      %dma_start3A_177 = arith.constant 0 : i32
      %dma_start3A_178 = tpu.memref_slice %arg3[%dma_start3A_176, %dma_start3A_177] : memref<100000x8xf32, #tpu.memory_space<hbm>> -> memref<100000x8xf32, #tpu.memory_space<hbm>>
      tpu.enqueue_indirect_dma source(%dma_start3A_178 : memref<100000x8xf32, #tpu.memory_space<hbm>>) target(%dma_start3A_172 : memref<128x8xf32, #tpu.memory_space<vmem>>) offsets(%dma_start3A_175 : memref<128xi32, #tpu.memory_space<vmem>>) semaphore(%arg7 : memref<!tpu.dma_semaphore, #tpu.memory_space<semaphore_mem>>)
      %dma_start3A_179 = arith.constant 14 : i32
      %dma_start3A_180 = arith.constant 14 : i32
      %dma_start3A_181 = arith.constant 0 : i32
      %dma_start3A_182 = arith.constant 0 : i32
      %dma_start3A_183 = tpu.memref_slice %arg6[%dma_start3A_180, %dma_start3A_181, %dma_start3A_182] : memref<25x128x8xf32, #tpu.memory_space<vmem>> -> memref<1x128x8xf32, #tpu.memory_space<vmem>>
      %dma_start3A_184 = tpu.memref_squeeze %dma_start3A_183 : memref<1x128x8xf32, #tpu.memory_space<vmem>> -> memref<128x8xf32, #tpu.memory_space<vmem>>
      %dma_start3A_185 = arith.constant 0 : i32
      %dma_start3A_186 = tpu.memref_slice %arg5[%dma_start3A_179, %dma_start3A_185] : memref<25x128xi32, #tpu.memory_space<vmem>> -> memref<1x128xi32, #tpu.memory_space<vmem>>
      %dma_start3A_187 = tpu.memref_squeeze %dma_start3A_186 : memref<1x128xi32, #tpu.memory_space<vmem>> -> memref<128xi32, #tpu.memory_space<vmem>>
      %dma_start3A_188 = arith.constant 0 : i32
      %dma_start3A_189 = arith.constant 0 : i32
      %dma_start3A_190 = tpu.memref_slice %arg3[%dma_start3A_188, %dma_start3A_189] : memref<100000x8xf32, #tpu.memory_space<hbm>> -> memref<100000x8xf32, #tpu.memory_space<hbm>>
      tpu.enqueue_indirect_dma source(%dma_start3A_190 : memref<100000x8xf32, #tpu.memory_space<hbm>>) target(%dma_start3A_184 : memref<128x8xf32, #tpu.memory_space<vmem>>) offsets(%dma_start3A_187 : memref<128xi32, #tpu.memory_space<vmem>>) semaphore(%arg7 : memref<!tpu.dma_semaphore, #tpu.memory_space<semaphore_mem>>)
      %dma_start3A_191 = arith.constant 15 : i32
      %dma_start3A_192 = arith.constant 15 : i32
      %dma_start3A_193 = arith.constant 0 : i32
      %dma_start3A_194 = arith.constant 0 : i32
      %dma_start3A_195 = tpu.memref_slice %arg6[%dma_start3A_192, %dma_start3A_193, %dma_start3A_194] : memref<25x128x8xf32, #tpu.memory_space<vmem>> -> memref<1x128x8xf32, #tpu.memory_space<vmem>>
      %dma_start3A_196 = tpu.memref_squeeze %dma_start3A_195 : memref<1x128x8xf32, #tpu.memory_space<vmem>> -> memref<128x8xf32, #tpu.memory_space<vmem>>
      %dma_start3A_197 = arith.constant 0 : i32
      %dma_start3A_198 = tpu.memref_slice %arg5[%dma_start3A_191, %dma_start3A_197] : memref<25x128xi32, #tpu.memory_space<vmem>> -> memref<1x128xi32, #tpu.memory_space<vmem>>
      %dma_start3A_199 = tpu.memref_squeeze %dma_start3A_198 : memref<1x128xi32, #tpu.memory_space<vmem>> -> memref<128xi32, #tpu.memory_space<vmem>>
      %dma_start3A_200 = arith.constant 0 : i32
      %dma_start3A_201 = arith.constant 0 : i32
      %dma_start3A_202 = tpu.memref_slice %arg3[%dma_start3A_200, %dma_start3A_201] : memref<100000x8xf32, #tpu.memory_space<hbm>> -> memref<100000x8xf32, #tpu.memory_space<hbm>>
      tpu.enqueue_indirect_dma source(%dma_start3A_202 : memref<100000x8xf32, #tpu.memory_space<hbm>>) target(%dma_start3A_196 : memref<128x8xf32, #tpu.memory_space<vmem>>) offsets(%dma_start3A_199 : memref<128xi32, #tpu.memory_space<vmem>>) semaphore(%arg7 : memref<!tpu.dma_semaphore, #tpu.memory_space<semaphore_mem>>)
      %dma_start3A_203 = arith.constant 16 : i32
      %dma_start3A_204 = arith.constant 16 : i32
      %dma_start3A_205 = arith.constant 0 : i32
      %dma_start3A_206 = arith.constant 0 : i32
      %dma_start3A_207 = tpu.memref_slice %arg6[%dma_start3A_204, %dma_start3A_205, %dma_start3A_206] : memref<25x128x8xf32, #tpu.memory_space<vmem>> -> memref<1x128x8xf32, #tpu.memory_space<vmem>>
      %dma_start3A_208 = tpu.memref_squeeze %dma_start3A_207 : memref<1x128x8xf32, #tpu.memory_space<vmem>> -> memref<128x8xf32, #tpu.memory_space<vmem>>
      %dma_start3A_209 = arith.constant 0 : i32
      %dma_start3A_210 = tpu.memref_slice %arg5[%dma_start3A_203, %dma_start3A_209] : memref<25x128xi32, #tpu.memory_space<vmem>> -> memref<1x128xi32, #tpu.memory_space<vmem>>
      %dma_start3A_211 = tpu.memref_squeeze %dma_start3A_210 : memref<1x128xi32, #tpu.memory_space<vmem>> -> memref<128xi32, #tpu.memory_space<vmem>>
      %dma_start3A_212 = arith.constant 0 : i32
      %dma_start3A_213 = arith.constant 0 : i32
      %dma_start3A_214 = tpu.memref_slice %arg3[%dma_start3A_212, %dma_start3A_213] : memref<100000x8xf32, #tpu.memory_space<hbm>> -> memref<100000x8xf32, #tpu.memory_space<hbm>>
      tpu.enqueue_indirect_dma source(%dma_start3A_214 : memref<100000x8xf32, #tpu.memory_space<hbm>>) target(%dma_start3A_208 : memref<128x8xf32, #tpu.memory_space<vmem>>) offsets(%dma_start3A_211 : memref<128xi32, #tpu.memory_space<vmem>>) semaphore(%arg7 : memref<!tpu.dma_semaphore, #tpu.memory_space<semaphore_mem>>)
      %dma_start3A_215 = arith.constant 17 : i32
      %dma_start3A_216 = arith.constant 17 : i32
      %dma_start3A_217 = arith.constant 0 : i32
      %dma_start3A_218 = arith.constant 0 : i32
      %dma_start3A_219 = tpu.memref_slice %arg6[%dma_start3A_216, %dma_start3A_217, %dma_start3A_218] : memref<25x128x8xf32, #tpu.memory_space<vmem>> -> memref<1x128x8xf32, #tpu.memory_space<vmem>>
      %dma_start3A_220 = tpu.memref_squeeze %dma_start3A_219 : memref<1x128x8xf32, #tpu.memory_space<vmem>> -> memref<128x8xf32, #tpu.memory_space<vmem>>
      %dma_start3A_221 = arith.constant 0 : i32
      %dma_start3A_222 = tpu.memref_slice %arg5[%dma_start3A_215, %dma_start3A_221] : memref<25x128xi32, #tpu.memory_space<vmem>> -> memref<1x128xi32, #tpu.memory_space<vmem>>
      %dma_start3A_223 = tpu.memref_squeeze %dma_start3A_222 : memref<1x128xi32, #tpu.memory_space<vmem>> -> memref<128xi32, #tpu.memory_space<vmem>>
      %dma_start3A_224 = arith.constant 0 : i32
      %dma_start3A_225 = arith.constant 0 : i32
      %dma_start3A_226 = tpu.memref_slice %arg3[%dma_start3A_224, %dma_start3A_225] : memref<100000x8xf32, #tpu.memory_space<hbm>> -> memref<100000x8xf32, #tpu.memory_space<hbm>>
      tpu.enqueue_indirect_dma source(%dma_start3A_226 : memref<100000x8xf32, #tpu.memory_space<hbm>>) target(%dma_start3A_220 : memref<128x8xf32, #tpu.memory_space<vmem>>) offsets(%dma_start3A_223 : memref<128xi32, #tpu.memory_space<vmem>>) semaphore(%arg7 : memref<!tpu.dma_semaphore, #tpu.memory_space<semaphore_mem>>)
      %dma_start3A_227 = arith.constant 18 : i32
      %dma_start3A_228 = arith.constant 18 : i32
      %dma_start3A_229 = arith.constant 0 : i32
      %dma_start3A_230 = arith.constant 0 : i32
      %dma_start3A_231 = tpu.memref_slice %arg6[%dma_start3A_228, %dma_start3A_229, %dma_start3A_230] : memref<25x128x8xf32, #tpu.memory_space<vmem>> -> memref<1x128x8xf32, #tpu.memory_space<vmem>>
      %dma_start3A_232 = tpu.memref_squeeze %dma_start3A_231 : memref<1x128x8xf32, #tpu.memory_space<vmem>> -> memref<128x8xf32, #tpu.memory_space<vmem>>
      %dma_start3A_233 = arith.constant 0 : i32
      %dma_start3A_234 = tpu.memref_slice %arg5[%dma_start3A_227, %dma_start3A_233] : memref<25x128xi32, #tpu.memory_space<vmem>> -> memref<1x128xi32, #tpu.memory_space<vmem>>
      %dma_start3A_235 = tpu.memref_squeeze %dma_start3A_234 : memref<1x128xi32, #tpu.memory_space<vmem>> -> memref<128xi32, #tpu.memory_space<vmem>>
      %dma_start3A_236 = arith.constant 0 : i32
      %dma_start3A_237 = arith.constant 0 : i32
      %dma_start3A_238 = tpu.memref_slice %arg3[%dma_start3A_236, %dma_start3A_237] : memref<100000x8xf32, #tpu.memory_space<hbm>> -> memref<100000x8xf32, #tpu.memory_space<hbm>>
      tpu.enqueue_indirect_dma source(%dma_start3A_238 : memref<100000x8xf32, #tpu.memory_space<hbm>>) target(%dma_start3A_232 : memref<128x8xf32, #tpu.memory_space<vmem>>) offsets(%dma_start3A_235 : memref<128xi32, #tpu.memory_space<vmem>>) semaphore(%arg7 : memref<!tpu.dma_semaphore, #tpu.memory_space<semaphore_mem>>)
      %dma_start3A_239 = arith.constant 19 : i32
      %dma_start3A_240 = arith.constant 19 : i32
      %dma_start3A_241 = arith.constant 0 : i32
      %dma_start3A_242 = arith.constant 0 : i32
      %dma_start3A_243 = tpu.memref_slice %arg6[%dma_start3A_240, %dma_start3A_241, %dma_start3A_242] : memref<25x128x8xf32, #tpu.memory_space<vmem>> -> memref<1x128x8xf32, #tpu.memory_space<vmem>>
      %dma_start3A_244 = tpu.memref_squeeze %dma_start3A_243 : memref<1x128x8xf32, #tpu.memory_space<vmem>> -> memref<128x8xf32, #tpu.memory_space<vmem>>
      %dma_start3A_245 = arith.constant 0 : i32
      %dma_start3A_246 = tpu.memref_slice %arg5[%dma_start3A_239, %dma_start3A_245] : memref<25x128xi32, #tpu.memory_space<vmem>> -> memref<1x128xi32, #tpu.memory_space<vmem>>
      %dma_start3A_247 = tpu.memref_squeeze %dma_start3A_246 : memref<1x128xi32, #tpu.memory_space<vmem>> -> memref<128xi32, #tpu.memory_space<vmem>>
      %dma_start3A_248 = arith.constant 0 : i32
      %dma_start3A_249 = arith.constant 0 : i32
      %dma_start3A_250 = tpu.memref_slice %arg3[%dma_start3A_248, %dma_start3A_249] : memref<100000x8xf32, #tpu.memory_space<hbm>> -> memref<100000x8xf32, #tpu.memory_space<hbm>>
      tpu.enqueue_indirect_dma source(%dma_start3A_250 : memref<100000x8xf32, #tpu.memory_space<hbm>>) target(%dma_start3A_244 : memref<128x8xf32, #tpu.memory_space<vmem>>) offsets(%dma_start3A_247 : memref<128xi32, #tpu.memory_space<vmem>>) semaphore(%arg7 : memref<!tpu.dma_semaphore, #tpu.memory_space<semaphore_mem>>)
      %dma_start3A_251 = arith.constant 20 : i32
      %dma_start3A_252 = arith.constant 20 : i32
      %dma_start3A_253 = arith.constant 0 : i32
      %dma_start3A_254 = arith.constant 0 : i32
      %dma_start3A_255 = tpu.memref_slice %arg6[%dma_start3A_252, %dma_start3A_253, %dma_start3A_254] : memref<25x128x8xf32, #tpu.memory_space<vmem>> -> memref<1x128x8xf32, #tpu.memory_space<vmem>>
      %dma_start3A_256 = tpu.memref_squeeze %dma_start3A_255 : memref<1x128x8xf32, #tpu.memory_space<vmem>> -> memref<128x8xf32, #tpu.memory_space<vmem>>
      %dma_start3A_257 = arith.constant 0 : i32
      %dma_start3A_258 = tpu.memref_slice %arg5[%dma_start3A_251, %dma_start3A_257] : memref<25x128xi32, #tpu.memory_space<vmem>> -> memref<1x128xi32, #tpu.memory_space<vmem>>
      %dma_start3A_259 = tpu.memref_squeeze %dma_start3A_258 : memref<1x128xi32, #tpu.memory_space<vmem>> -> memref<128xi32, #tpu.memory_space<vmem>>
      %dma_start3A_260 = arith.constant 0 : i32
      %dma_start3A_261 = arith.constant 0 : i32
      %dma_start3A_262 = tpu.memref_slice %arg3[%dma_start3A_260, %dma_start3A_261] : memref<100000x8xf32, #tpu.memory_space<hbm>> -> memref<100000x8xf32, #tpu.memory_space<hbm>>
      tpu.enqueue_indirect_dma source(%dma_start3A_262 : memref<100000x8xf32, #tpu.memory_space<hbm>>) target(%dma_start3A_256 : memref<128x8xf32, #tpu.memory_space<vmem>>) offsets(%dma_start3A_259 : memref<128xi32, #tpu.memory_space<vmem>>) semaphore(%arg7 : memref<!tpu.dma_semaphore, #tpu.memory_space<semaphore_mem>>)
      %dma_start3A_263 = arith.constant 21 : i32
      %dma_start3A_264 = arith.constant 21 : i32
      %dma_start3A_265 = arith.constant 0 : i32
      %dma_start3A_266 = arith.constant 0 : i32
      %dma_start3A_267 = tpu.memref_slice %arg6[%dma_start3A_264, %dma_start3A_265, %dma_start3A_266] : memref<25x128x8xf32, #tpu.memory_space<vmem>> -> memref<1x128x8xf32, #tpu.memory_space<vmem>>
      %dma_start3A_268 = tpu.memref_squeeze %dma_start3A_267 : memref<1x128x8xf32, #tpu.memory_space<vmem>> -> memref<128x8xf32, #tpu.memory_space<vmem>>
      %dma_start3A_269 = arith.constant 0 : i32
      %dma_start3A_270 = tpu.memref_slice %arg5[%dma_start3A_263, %dma_start3A_269] : memref<25x128xi32, #tpu.memory_space<vmem>> -> memref<1x128xi32, #tpu.memory_space<vmem>>
      %dma_start3A_271 = tpu.memref_squeeze %dma_start3A_270 : memref<1x128xi32, #tpu.memory_space<vmem>> -> memref<128xi32, #tpu.memory_space<vmem>>
      %dma_start3A_272 = arith.constant 0 : i32
      %dma_start3A_273 = arith.constant 0 : i32
      %dma_start3A_274 = tpu.memref_slice %arg3[%dma_start3A_272, %dma_start3A_273] : memref<100000x8xf32, #tpu.memory_space<hbm>> -> memref<100000x8xf32, #tpu.memory_space<hbm>>
      tpu.enqueue_indirect_dma source(%dma_start3A_274 : memref<100000x8xf32, #tpu.memory_space<hbm>>) target(%dma_start3A_268 : memref<128x8xf32, #tpu.memory_space<vmem>>) offsets(%dma_start3A_271 : memref<128xi32, #tpu.memory_space<vmem>>) semaphore(%arg7 : memref<!tpu.dma_semaphore, #tpu.memory_space<semaphore_mem>>)
      %dma_start3A_275 = arith.constant 22 : i32
      %dma_start3A_276 = arith.constant 22 : i32
      %dma_start3A_277 = arith.constant 0 : i32
      %dma_start3A_278 = arith.constant 0 : i32
      %dma_start3A_279 = tpu.memref_slice %arg6[%dma_start3A_276, %dma_start3A_277, %dma_start3A_278] : memref<25x128x8xf32, #tpu.memory_space<vmem>> -> memref<1x128x8xf32, #tpu.memory_space<vmem>>
      %dma_start3A_280 = tpu.memref_squeeze %dma_start3A_279 : memref<1x128x8xf32, #tpu.memory_space<vmem>> -> memref<128x8xf32, #tpu.memory_space<vmem>>
      %dma_start3A_281 = arith.constant 0 : i32
      %dma_start3A_282 = tpu.memref_slice %arg5[%dma_start3A_275, %dma_start3A_281] : memref<25x128xi32, #tpu.memory_space<vmem>> -> memref<1x128xi32, #tpu.memory_space<vmem>>
      %dma_start3A_283 = tpu.memref_squeeze %dma_start3A_282 : memref<1x128xi32, #tpu.memory_space<vmem>> -> memref<128xi32, #tpu.memory_space<vmem>>
      %dma_start3A_284 = arith.constant 0 : i32
      %dma_start3A_285 = arith.constant 0 : i32
      %dma_start3A_286 = tpu.memref_slice %arg3[%dma_start3A_284, %dma_start3A_285] : memref<100000x8xf32, #tpu.memory_space<hbm>> -> memref<100000x8xf32, #tpu.memory_space<hbm>>
      tpu.enqueue_indirect_dma source(%dma_start3A_286 : memref<100000x8xf32, #tpu.memory_space<hbm>>) target(%dma_start3A_280 : memref<128x8xf32, #tpu.memory_space<vmem>>) offsets(%dma_start3A_283 : memref<128xi32, #tpu.memory_space<vmem>>) semaphore(%arg7 : memref<!tpu.dma_semaphore, #tpu.memory_space<semaphore_mem>>)
      %dma_start3A_287 = arith.constant 23 : i32
      %dma_start3A_288 = arith.constant 23 : i32
      %dma_start3A_289 = arith.constant 0 : i32
      %dma_start3A_290 = arith.constant 0 : i32
      %dma_start3A_291 = tpu.memref_slice %arg6[%dma_start3A_288, %dma_start3A_289, %dma_start3A_290] : memref<25x128x8xf32, #tpu.memory_space<vmem>> -> memref<1x128x8xf32, #tpu.memory_space<vmem>>
      %dma_start3A_292 = tpu.memref_squeeze %dma_start3A_291 : memref<1x128x8xf32, #tpu.memory_space<vmem>> -> memref<128x8xf32, #tpu.memory_space<vmem>>
      %dma_start3A_293 = arith.constant 0 : i32
      %dma_start3A_294 = tpu.memref_slice %arg5[%dma_start3A_287, %dma_start3A_293] : memref<25x128xi32, #tpu.memory_space<vmem>> -> memref<1x128xi32, #tpu.memory_space<vmem>>
      %dma_start3A_295 = tpu.memref_squeeze %dma_start3A_294 : memref<1x128xi32, #tpu.memory_space<vmem>> -> memref<128xi32, #tpu.memory_space<vmem>>
      %dma_start3A_296 = arith.constant 0 : i32
      %dma_start3A_297 = arith.constant 0 : i32
      %dma_start3A_298 = tpu.memref_slice %arg3[%dma_start3A_296, %dma_start3A_297] : memref<100000x8xf32, #tpu.memory_space<hbm>> -> memref<100000x8xf32, #tpu.memory_space<hbm>>
      tpu.enqueue_indirect_dma source(%dma_start3A_298 : memref<100000x8xf32, #tpu.memory_space<hbm>>) target(%dma_start3A_292 : memref<128x8xf32, #tpu.memory_space<vmem>>) offsets(%dma_start3A_295 : memref<128xi32, #tpu.memory_space<vmem>>) semaphore(%arg7 : memref<!tpu.dma_semaphore, #tpu.memory_space<semaphore_mem>>)
      %dma_start3A_299 = arith.constant 24 : i32
      %dma_start3A_300 = arith.constant 24 : i32
      %dma_start3A_301 = arith.constant 0 : i32
      %dma_start3A_302 = arith.constant 0 : i32
      %dma_start3A_303 = tpu.memref_slice %arg6[%dma_start3A_300, %dma_start3A_301, %dma_start3A_302] : memref<25x128x8xf32, #tpu.memory_space<vmem>> -> memref<1x128x8xf32, #tpu.memory_space<vmem>>
      %dma_start3A_304 = tpu.memref_squeeze %dma_start3A_303 : memref<1x128x8xf32, #tpu.memory_space<vmem>> -> memref<128x8xf32, #tpu.memory_space<vmem>>
      %dma_start3A_305 = arith.constant 0 : i32
      %dma_start3A_306 = tpu.memref_slice %arg5[%dma_start3A_299, %dma_start3A_305] : memref<25x128xi32, #tpu.memory_space<vmem>> -> memref<1x128xi32, #tpu.memory_space<vmem>>
      %dma_start3A_307 = tpu.memref_squeeze %dma_start3A_306 : memref<1x128xi32, #tpu.memory_space<vmem>> -> memref<128xi32, #tpu.memory_space<vmem>>
      %dma_start3A_308 = arith.constant 0 : i32
      %dma_start3A_309 = arith.constant 0 : i32
      %dma_start3A_310 = tpu.memref_slice %arg3[%dma_start3A_308, %dma_start3A_309] : memref<100000x8xf32, #tpu.memory_space<hbm>> -> memref<100000x8xf32, #tpu.memory_space<hbm>>
      tpu.enqueue_indirect_dma source(%dma_start3A_310 : memref<100000x8xf32, #tpu.memory_space<hbm>>) target(%dma_start3A_304 : memref<128x8xf32, #tpu.memory_space<vmem>>) offsets(%dma_start3A_307 : memref<128xi32, #tpu.memory_space<vmem>>) semaphore(%arg7 : memref<!tpu.dma_semaphore, #tpu.memory_space<semaphore_mem>>)
      %dma_wait3A = arith.constant 0 : i32
      %dma_wait3A_311 = arith.constant 0 : i32
      %dma_wait3A_312 = arith.constant 0 : i32
      %dma_wait3A_313 = arith.constant 0 : i32
      %dma_wait3A_314 = tpu.memref_slice %arg6[%dma_wait3A_311, %dma_wait3A_312, %dma_wait3A_313] : memref<25x128x8xf32, #tpu.memory_space<vmem>> -> memref<1x128x8xf32, #tpu.memory_space<vmem>>
      %dma_wait3A_315 = tpu.memref_squeeze %dma_wait3A_314 : memref<1x128x8xf32, #tpu.memory_space<vmem>> -> memref<128x8xf32, #tpu.memory_space<vmem>>
      %dma_wait3A_316 = arith.constant 0 : i32
      %dma_wait3A_317 = tpu.memref_slice %arg5[%dma_wait3A, %dma_wait3A_316] : memref<25x128xi32, #tpu.memory_space<vmem>> -> memref<1x128xi32, #tpu.memory_space<vmem>>
      %dma_wait3A_318 = tpu.memref_squeeze %dma_wait3A_317 : memref<1x128xi32, #tpu.memory_space<vmem>> -> memref<128xi32, #tpu.memory_space<vmem>>
      %dma_wait3A_319 = arith.constant 0 : i32
      %dma_wait3A_320 = arith.constant 0 : i32
      %dma_wait3A_321 = tpu.memref_slice %arg3[%dma_wait3A_319, %dma_wait3A_320] : memref<100000x8xf32, #tpu.memory_space<hbm>> -> memref<100000x8xf32, #tpu.memory_space<hbm>>
      tpu.wait_indirect_dma semaphore(%arg7 : memref<!tpu.dma_semaphore, #tpu.memory_space<semaphore_mem>>) src(%dma_wait3A_321 : memref<100000x8xf32, #tpu.memory_space<hbm>>) dst(%dma_wait3A_315 : memref<128x8xf32, #tpu.memory_space<vmem>>)
      %dma_wait3A_322 = arith.constant 1 : i32
      %dma_wait3A_323 = arith.constant 1 : i32
      %dma_wait3A_324 = arith.constant 0 : i32
      %dma_wait3A_325 = arith.constant 0 : i32
      %dma_wait3A_326 = tpu.memref_slice %arg6[%dma_wait3A_323, %dma_wait3A_324, %dma_wait3A_325] : memref<25x128x8xf32, #tpu.memory_space<vmem>> -> memref<1x128x8xf32, #tpu.memory_space<vmem>>
      %dma_wait3A_327 = tpu.memref_squeeze %dma_wait3A_326 : memref<1x128x8xf32, #tpu.memory_space<vmem>> -> memref<128x8xf32, #tpu.memory_space<vmem>>
      %dma_wait3A_328 = arith.constant 0 : i32
      %dma_wait3A_329 = tpu.memref_slice %arg5[%dma_wait3A_322, %dma_wait3A_328] : memref<25x128xi32, #tpu.memory_space<vmem>> -> memref<1x128xi32, #tpu.memory_space<vmem>>
      %dma_wait3A_330 = tpu.memref_squeeze %dma_wait3A_329 : memref<1x128xi32, #tpu.memory_space<vmem>> -> memref<128xi32, #tpu.memory_space<vmem>>
      %dma_wait3A_331 = arith.constant 0 : i32
      %dma_wait3A_332 = arith.constant 0 : i32
      %dma_wait3A_333 = tpu.memref_slice %arg3[%dma_wait3A_331, %dma_wait3A_332] : memref<100000x8xf32, #tpu.memory_space<hbm>> -> memref<100000x8xf32, #tpu.memory_space<hbm>>
      tpu.wait_indirect_dma semaphore(%arg7 : memref<!tpu.dma_semaphore, #tpu.memory_space<semaphore_mem>>) src(%dma_wait3A_333 : memref<100000x8xf32, #tpu.memory_space<hbm>>) dst(%dma_wait3A_327 : memref<128x8xf32, #tpu.memory_space<vmem>>)
      %dma_wait3A_334 = arith.constant 2 : i32
      %dma_wait3A_335 = arith.constant 2 : i32
      %dma_wait3A_336 = arith.constant 0 : i32
      %dma_wait3A_337 = arith.constant 0 : i32
      %dma_wait3A_338 = tpu.memref_slice %arg6[%dma_wait3A_335, %dma_wait3A_336, %dma_wait3A_337] : memref<25x128x8xf32, #tpu.memory_space<vmem>> -> memref<1x128x8xf32, #tpu.memory_space<vmem>>
      %dma_wait3A_339 = tpu.memref_squeeze %dma_wait3A_338 : memref<1x128x8xf32, #tpu.memory_space<vmem>> -> memref<128x8xf32, #tpu.memory_space<vmem>>
      %dma_wait3A_340 = arith.constant 0 : i32
      %dma_wait3A_341 = tpu.memref_slice %arg5[%dma_wait3A_334, %dma_wait3A_340] : memref<25x128xi32, #tpu.memory_space<vmem>> -> memref<1x128xi32, #tpu.memory_space<vmem>>
      %dma_wait3A_342 = tpu.memref_squeeze %dma_wait3A_341 : memref<1x128xi32, #tpu.memory_space<vmem>> -> memref<128xi32, #tpu.memory_space<vmem>>
      %dma_wait3A_343 = arith.constant 0 : i32
      %dma_wait3A_344 = arith.constant 0 : i32
      %dma_wait3A_345 = tpu.memref_slice %arg3[%dma_wait3A_343, %dma_wait3A_344] : memref<100000x8xf32, #tpu.memory_space<hbm>> -> memref<100000x8xf32, #tpu.memory_space<hbm>>
      tpu.wait_indirect_dma semaphore(%arg7 : memref<!tpu.dma_semaphore, #tpu.memory_space<semaphore_mem>>) src(%dma_wait3A_345 : memref<100000x8xf32, #tpu.memory_space<hbm>>) dst(%dma_wait3A_339 : memref<128x8xf32, #tpu.memory_space<vmem>>)
      %dma_wait3A_346 = arith.constant 3 : i32
      %dma_wait3A_347 = arith.constant 3 : i32
      %dma_wait3A_348 = arith.constant 0 : i32
      %dma_wait3A_349 = arith.constant 0 : i32
      %dma_wait3A_350 = tpu.memref_slice %arg6[%dma_wait3A_347, %dma_wait3A_348, %dma_wait3A_349] : memref<25x128x8xf32, #tpu.memory_space<vmem>> -> memref<1x128x8xf32, #tpu.memory_space<vmem>>
      %dma_wait3A_351 = tpu.memref_squeeze %dma_wait3A_350 : memref<1x128x8xf32, #tpu.memory_space<vmem>> -> memref<128x8xf32, #tpu.memory_space<vmem>>
      %dma_wait3A_352 = arith.constant 0 : i32
      %dma_wait3A_353 = tpu.memref_slice %arg5[%dma_wait3A_346, %dma_wait3A_352] : memref<25x128xi32, #tpu.memory_space<vmem>> -> memref<1x128xi32, #tpu.memory_space<vmem>>
      %dma_wait3A_354 = tpu.memref_squeeze %dma_wait3A_353 : memref<1x128xi32, #tpu.memory_space<vmem>> -> memref<128xi32, #tpu.memory_space<vmem>>
      %dma_wait3A_355 = arith.constant 0 : i32
      %dma_wait3A_356 = arith.constant 0 : i32
      %dma_wait3A_357 = tpu.memref_slice %arg3[%dma_wait3A_355, %dma_wait3A_356] : memref<100000x8xf32, #tpu.memory_space<hbm>> -> memref<100000x8xf32, #tpu.memory_space<hbm>>
      tpu.wait_indirect_dma semaphore(%arg7 : memref<!tpu.dma_semaphore, #tpu.memory_space<semaphore_mem>>) src(%dma_wait3A_357 : memref<100000x8xf32, #tpu.memory_space<hbm>>) dst(%dma_wait3A_351 : memref<128x8xf32, #tpu.memory_space<vmem>>)
      %dma_wait3A_358 = arith.constant 4 : i32
      %dma_wait3A_359 = arith.constant 4 : i32
      %dma_wait3A_360 = arith.constant 0 : i32
      %dma_wait3A_361 = arith.constant 0 : i32
      %dma_wait3A_362 = tpu.memref_slice %arg6[%dma_wait3A_359, %dma_wait3A_360, %dma_wait3A_361] : memref<25x128x8xf32, #tpu.memory_space<vmem>> -> memref<1x128x8xf32, #tpu.memory_space<vmem>>
      %dma_wait3A_363 = tpu.memref_squeeze %dma_wait3A_362 : memref<1x128x8xf32, #tpu.memory_space<vmem>> -> memref<128x8xf32, #tpu.memory_space<vmem>>
      %dma_wait3A_364 = arith.constant 0 : i32
      %dma_wait3A_365 = tpu.memref_slice %arg5[%dma_wait3A_358, %dma_wait3A_364] : memref<25x128xi32, #tpu.memory_space<vmem>> -> memref<1x128xi32, #tpu.memory_space<vmem>>
      %dma_wait3A_366 = tpu.memref_squeeze %dma_wait3A_365 : memref<1x128xi32, #tpu.memory_space<vmem>> -> memref<128xi32, #tpu.memory_space<vmem>>
      %dma_wait3A_367 = arith.constant 0 : i32
      %dma_wait3A_368 = arith.constant 0 : i32
      %dma_wait3A_369 = tpu.memref_slice %arg3[%dma_wait3A_367, %dma_wait3A_368] : memref<100000x8xf32, #tpu.memory_space<hbm>> -> memref<100000x8xf32, #tpu.memory_space<hbm>>
      tpu.wait_indirect_dma semaphore(%arg7 : memref<!tpu.dma_semaphore, #tpu.memory_space<semaphore_mem>>) src(%dma_wait3A_369 : memref<100000x8xf32, #tpu.memory_space<hbm>>) dst(%dma_wait3A_363 : memref<128x8xf32, #tpu.memory_space<vmem>>)
      %dma_wait3A_370 = arith.constant 5 : i32
      %dma_wait3A_371 = arith.constant 5 : i32
      %dma_wait3A_372 = arith.constant 0 : i32
      %dma_wait3A_373 = arith.constant 0 : i32
      %dma_wait3A_374 = tpu.memref_slice %arg6[%dma_wait3A_371, %dma_wait3A_372, %dma_wait3A_373] : memref<25x128x8xf32, #tpu.memory_space<vmem>> -> memref<1x128x8xf32, #tpu.memory_space<vmem>>
      %dma_wait3A_375 = tpu.memref_squeeze %dma_wait3A_374 : memref<1x128x8xf32, #tpu.memory_space<vmem>> -> memref<128x8xf32, #tpu.memory_space<vmem>>
      %dma_wait3A_376 = arith.constant 0 : i32
      %dma_wait3A_377 = tpu.memref_slice %arg5[%dma_wait3A_370, %dma_wait3A_376] : memref<25x128xi32, #tpu.memory_space<vmem>> -> memref<1x128xi32, #tpu.memory_space<vmem>>
      %dma_wait3A_378 = tpu.memref_squeeze %dma_wait3A_377 : memref<1x128xi32, #tpu.memory_space<vmem>> -> memref<128xi32, #tpu.memory_space<vmem>>
      %dma_wait3A_379 = arith.constant 0 : i32
      %dma_wait3A_380 = arith.constant 0 : i32
      %dma_wait3A_381 = tpu.memref_slice %arg3[%dma_wait3A_379, %dma_wait3A_380] : memref<100000x8xf32, #tpu.memory_space<hbm>> -> memref<100000x8xf32, #tpu.memory_space<hbm>>
      tpu.wait_indirect_dma semaphore(%arg7 : memref<!tpu.dma_semaphore, #tpu.memory_space<semaphore_mem>>) src(%dma_wait3A_381 : memref<100000x8xf32, #tpu.memory_space<hbm>>) dst(%dma_wait3A_375 : memref<128x8xf32, #tpu.memory_space<vmem>>)
      %dma_wait3A_382 = arith.constant 6 : i32
      %dma_wait3A_383 = arith.constant 6 : i32
      %dma_wait3A_384 = arith.constant 0 : i32
      %dma_wait3A_385 = arith.constant 0 : i32
      %dma_wait3A_386 = tpu.memref_slice %arg6[%dma_wait3A_383, %dma_wait3A_384, %dma_wait3A_385] : memref<25x128x8xf32, #tpu.memory_space<vmem>> -> memref<1x128x8xf32, #tpu.memory_space<vmem>>
      %dma_wait3A_387 = tpu.memref_squeeze %dma_wait3A_386 : memref<1x128x8xf32, #tpu.memory_space<vmem>> -> memref<128x8xf32, #tpu.memory_space<vmem>>
      %dma_wait3A_388 = arith.constant 0 : i32
      %dma_wait3A_389 = tpu.memref_slice %arg5[%dma_wait3A_382, %dma_wait3A_388] : memref<25x128xi32, #tpu.memory_space<vmem>> -> memref<1x128xi32, #tpu.memory_space<vmem>>
      %dma_wait3A_390 = tpu.memref_squeeze %dma_wait3A_389 : memref<1x128xi32, #tpu.memory_space<vmem>> -> memref<128xi32, #tpu.memory_space<vmem>>
      %dma_wait3A_391 = arith.constant 0 : i32
      %dma_wait3A_392 = arith.constant 0 : i32
      %dma_wait3A_393 = tpu.memref_slice %arg3[%dma_wait3A_391, %dma_wait3A_392] : memref<100000x8xf32, #tpu.memory_space<hbm>> -> memref<100000x8xf32, #tpu.memory_space<hbm>>
      tpu.wait_indirect_dma semaphore(%arg7 : memref<!tpu.dma_semaphore, #tpu.memory_space<semaphore_mem>>) src(%dma_wait3A_393 : memref<100000x8xf32, #tpu.memory_space<hbm>>) dst(%dma_wait3A_387 : memref<128x8xf32, #tpu.memory_space<vmem>>)
      %dma_wait3A_394 = arith.constant 7 : i32
      %dma_wait3A_395 = arith.constant 7 : i32
      %dma_wait3A_396 = arith.constant 0 : i32
      %dma_wait3A_397 = arith.constant 0 : i32
      %dma_wait3A_398 = tpu.memref_slice %arg6[%dma_wait3A_395, %dma_wait3A_396, %dma_wait3A_397] : memref<25x128x8xf32, #tpu.memory_space<vmem>> -> memref<1x128x8xf32, #tpu.memory_space<vmem>>
      %dma_wait3A_399 = tpu.memref_squeeze %dma_wait3A_398 : memref<1x128x8xf32, #tpu.memory_space<vmem>> -> memref<128x8xf32, #tpu.memory_space<vmem>>
      %dma_wait3A_400 = arith.constant 0 : i32
      %dma_wait3A_401 = tpu.memref_slice %arg5[%dma_wait3A_394, %dma_wait3A_400] : memref<25x128xi32, #tpu.memory_space<vmem>> -> memref<1x128xi32, #tpu.memory_space<vmem>>
      %dma_wait3A_402 = tpu.memref_squeeze %dma_wait3A_401 : memref<1x128xi32, #tpu.memory_space<vmem>> -> memref<128xi32, #tpu.memory_space<vmem>>
      %dma_wait3A_403 = arith.constant 0 : i32
      %dma_wait3A_404 = arith.constant 0 : i32
      %dma_wait3A_405 = tpu.memref_slice %arg3[%dma_wait3A_403, %dma_wait3A_404] : memref<100000x8xf32, #tpu.memory_space<hbm>> -> memref<100000x8xf32, #tpu.memory_space<hbm>>
      tpu.wait_indirect_dma semaphore(%arg7 : memref<!tpu.dma_semaphore, #tpu.memory_space<semaphore_mem>>) src(%dma_wait3A_405 : memref<100000x8xf32, #tpu.memory_space<hbm>>) dst(%dma_wait3A_399 : memref<128x8xf32, #tpu.memory_space<vmem>>)
      %dma_wait3A_406 = arith.constant 8 : i32
      %dma_wait3A_407 = arith.constant 8 : i32
      %dma_wait3A_408 = arith.constant 0 : i32
      %dma_wait3A_409 = arith.constant 0 : i32
      %dma_wait3A_410 = tpu.memref_slice %arg6[%dma_wait3A_407, %dma_wait3A_408, %dma_wait3A_409] : memref<25x128x8xf32, #tpu.memory_space<vmem>> -> memref<1x128x8xf32, #tpu.memory_space<vmem>>
      %dma_wait3A_411 = tpu.memref_squeeze %dma_wait3A_410 : memref<1x128x8xf32, #tpu.memory_space<vmem>> -> memref<128x8xf32, #tpu.memory_space<vmem>>
      %dma_wait3A_412 = arith.constant 0 : i32
      %dma_wait3A_413 = tpu.memref_slice %arg5[%dma_wait3A_406, %dma_wait3A_412] : memref<25x128xi32, #tpu.memory_space<vmem>> -> memref<1x128xi32, #tpu.memory_space<vmem>>
      %dma_wait3A_414 = tpu.memref_squeeze %dma_wait3A_413 : memref<1x128xi32, #tpu.memory_space<vmem>> -> memref<128xi32, #tpu.memory_space<vmem>>
      %dma_wait3A_415 = arith.constant 0 : i32
      %dma_wait3A_416 = arith.constant 0 : i32
      %dma_wait3A_417 = tpu.memref_slice %arg3[%dma_wait3A_415, %dma_wait3A_416] : memref<100000x8xf32, #tpu.memory_space<hbm>> -> memref<100000x8xf32, #tpu.memory_space<hbm>>
      tpu.wait_indirect_dma semaphore(%arg7 : memref<!tpu.dma_semaphore, #tpu.memory_space<semaphore_mem>>) src(%dma_wait3A_417 : memref<100000x8xf32, #tpu.memory_space<hbm>>) dst(%dma_wait3A_411 : memref<128x8xf32, #tpu.memory_space<vmem>>)
      %dma_wait3A_418 = arith.constant 9 : i32
      %dma_wait3A_419 = arith.constant 9 : i32
      %dma_wait3A_420 = arith.constant 0 : i32
      %dma_wait3A_421 = arith.constant 0 : i32
      %dma_wait3A_422 = tpu.memref_slice %arg6[%dma_wait3A_419, %dma_wait3A_420, %dma_wait3A_421] : memref<25x128x8xf32, #tpu.memory_space<vmem>> -> memref<1x128x8xf32, #tpu.memory_space<vmem>>
      %dma_wait3A_423 = tpu.memref_squeeze %dma_wait3A_422 : memref<1x128x8xf32, #tpu.memory_space<vmem>> -> memref<128x8xf32, #tpu.memory_space<vmem>>
      %dma_wait3A_424 = arith.constant 0 : i32
      %dma_wait3A_425 = tpu.memref_slice %arg5[%dma_wait3A_418, %dma_wait3A_424] : memref<25x128xi32, #tpu.memory_space<vmem>> -> memref<1x128xi32, #tpu.memory_space<vmem>>
      %dma_wait3A_426 = tpu.memref_squeeze %dma_wait3A_425 : memref<1x128xi32, #tpu.memory_space<vmem>> -> memref<128xi32, #tpu.memory_space<vmem>>
      %dma_wait3A_427 = arith.constant 0 : i32
      %dma_wait3A_428 = arith.constant 0 : i32
      %dma_wait3A_429 = tpu.memref_slice %arg3[%dma_wait3A_427, %dma_wait3A_428] : memref<100000x8xf32, #tpu.memory_space<hbm>> -> memref<100000x8xf32, #tpu.memory_space<hbm>>
      tpu.wait_indirect_dma semaphore(%arg7 : memref<!tpu.dma_semaphore, #tpu.memory_space<semaphore_mem>>) src(%dma_wait3A_429 : memref<100000x8xf32, #tpu.memory_space<hbm>>) dst(%dma_wait3A_423 : memref<128x8xf32, #tpu.memory_space<vmem>>)
      %dma_wait3A_430 = arith.constant 10 : i32
      %dma_wait3A_431 = arith.constant 10 : i32
      %dma_wait3A_432 = arith.constant 0 : i32
      %dma_wait3A_433 = arith.constant 0 : i32
      %dma_wait3A_434 = tpu.memref_slice %arg6[%dma_wait3A_431, %dma_wait3A_432, %dma_wait3A_433] : memref<25x128x8xf32, #tpu.memory_space<vmem>> -> memref<1x128x8xf32, #tpu.memory_space<vmem>>
      %dma_wait3A_435 = tpu.memref_squeeze %dma_wait3A_434 : memref<1x128x8xf32, #tpu.memory_space<vmem>> -> memref<128x8xf32, #tpu.memory_space<vmem>>
      %dma_wait3A_436 = arith.constant 0 : i32
      %dma_wait3A_437 = tpu.memref_slice %arg5[%dma_wait3A_430, %dma_wait3A_436] : memref<25x128xi32, #tpu.memory_space<vmem>> -> memref<1x128xi32, #tpu.memory_space<vmem>>
      %dma_wait3A_438 = tpu.memref_squeeze %dma_wait3A_437 : memref<1x128xi32, #tpu.memory_space<vmem>> -> memref<128xi32, #tpu.memory_space<vmem>>
      %dma_wait3A_439 = arith.constant 0 : i32
      %dma_wait3A_440 = arith.constant 0 : i32
      %dma_wait3A_441 = tpu.memref_slice %arg3[%dma_wait3A_439, %dma_wait3A_440] : memref<100000x8xf32, #tpu.memory_space<hbm>> -> memref<100000x8xf32, #tpu.memory_space<hbm>>
      tpu.wait_indirect_dma semaphore(%arg7 : memref<!tpu.dma_semaphore, #tpu.memory_space<semaphore_mem>>) src(%dma_wait3A_441 : memref<100000x8xf32, #tpu.memory_space<hbm>>) dst(%dma_wait3A_435 : memref<128x8xf32, #tpu.memory_space<vmem>>)
      %dma_wait3A_442 = arith.constant 11 : i32
      %dma_wait3A_443 = arith.constant 11 : i32
      %dma_wait3A_444 = arith.constant 0 : i32
      %dma_wait3A_445 = arith.constant 0 : i32
      %dma_wait3A_446 = tpu.memref_slice %arg6[%dma_wait3A_443, %dma_wait3A_444, %dma_wait3A_445] : memref<25x128x8xf32, #tpu.memory_space<vmem>> -> memref<1x128x8xf32, #tpu.memory_space<vmem>>
      %dma_wait3A_447 = tpu.memref_squeeze %dma_wait3A_446 : memref<1x128x8xf32, #tpu.memory_space<vmem>> -> memref<128x8xf32, #tpu.memory_space<vmem>>
      %dma_wait3A_448 = arith.constant 0 : i32
      %dma_wait3A_449 = tpu.memref_slice %arg5[%dma_wait3A_442, %dma_wait3A_448] : memref<25x128xi32, #tpu.memory_space<vmem>> -> memref<1x128xi32, #tpu.memory_space<vmem>>
      %dma_wait3A_450 = tpu.memref_squeeze %dma_wait3A_449 : memref<1x128xi32, #tpu.memory_space<vmem>> -> memref<128xi32, #tpu.memory_space<vmem>>
      %dma_wait3A_451 = arith.constant 0 : i32
      %dma_wait3A_452 = arith.constant 0 : i32
      %dma_wait3A_453 = tpu.memref_slice %arg3[%dma_wait3A_451, %dma_wait3A_452] : memref<100000x8xf32, #tpu.memory_space<hbm>> -> memref<100000x8xf32, #tpu.memory_space<hbm>>
      tpu.wait_indirect_dma semaphore(%arg7 : memref<!tpu.dma_semaphore, #tpu.memory_space<semaphore_mem>>) src(%dma_wait3A_453 : memref<100000x8xf32, #tpu.memory_space<hbm>>) dst(%dma_wait3A_447 : memref<128x8xf32, #tpu.memory_space<vmem>>)
      %dma_wait3A_454 = arith.constant 12 : i32
      %dma_wait3A_455 = arith.constant 12 : i32
      %dma_wait3A_456 = arith.constant 0 : i32
      %dma_wait3A_457 = arith.constant 0 : i32
      %dma_wait3A_458 = tpu.memref_slice %arg6[%dma_wait3A_455, %dma_wait3A_456, %dma_wait3A_457] : memref<25x128x8xf32, #tpu.memory_space<vmem>> -> memref<1x128x8xf32, #tpu.memory_space<vmem>>
      %dma_wait3A_459 = tpu.memref_squeeze %dma_wait3A_458 : memref<1x128x8xf32, #tpu.memory_space<vmem>> -> memref<128x8xf32, #tpu.memory_space<vmem>>
      %dma_wait3A_460 = arith.constant 0 : i32
      %dma_wait3A_461 = tpu.memref_slice %arg5[%dma_wait3A_454, %dma_wait3A_460] : memref<25x128xi32, #tpu.memory_space<vmem>> -> memref<1x128xi32, #tpu.memory_space<vmem>>
      %dma_wait3A_462 = tpu.memref_squeeze %dma_wait3A_461 : memref<1x128xi32, #tpu.memory_space<vmem>> -> memref<128xi32, #tpu.memory_space<vmem>>
      %dma_wait3A_463 = arith.constant 0 : i32
      %dma_wait3A_464 = arith.constant 0 : i32
      %dma_wait3A_465 = tpu.memref_slice %arg3[%dma_wait3A_463, %dma_wait3A_464] : memref<100000x8xf32, #tpu.memory_space<hbm>> -> memref<100000x8xf32, #tpu.memory_space<hbm>>
      tpu.wait_indirect_dma semaphore(%arg7 : memref<!tpu.dma_semaphore, #tpu.memory_space<semaphore_mem>>) src(%dma_wait3A_465 : memref<100000x8xf32, #tpu.memory_space<hbm>>) dst(%dma_wait3A_459 : memref<128x8xf32, #tpu.memory_space<vmem>>)
      %dma_wait3A_466 = arith.constant 13 : i32
      %dma_wait3A_467 = arith.constant 13 : i32
      %dma_wait3A_468 = arith.constant 0 : i32
      %dma_wait3A_469 = arith.constant 0 : i32
      %dma_wait3A_470 = tpu.memref_slice %arg6[%dma_wait3A_467, %dma_wait3A_468, %dma_wait3A_469] : memref<25x128x8xf32, #tpu.memory_space<vmem>> -> memref<1x128x8xf32, #tpu.memory_space<vmem>>
      %dma_wait3A_471 = tpu.memref_squeeze %dma_wait3A_470 : memref<1x128x8xf32, #tpu.memory_space<vmem>> -> memref<128x8xf32, #tpu.memory_space<vmem>>
      %dma_wait3A_472 = arith.constant 0 : i32
      %dma_wait3A_473 = tpu.memref_slice %arg5[%dma_wait3A_466, %dma_wait3A_472] : memref<25x128xi32, #tpu.memory_space<vmem>> -> memref<1x128xi32, #tpu.memory_space<vmem>>
      %dma_wait3A_474 = tpu.memref_squeeze %dma_wait3A_473 : memref<1x128xi32, #tpu.memory_space<vmem>> -> memref<128xi32, #tpu.memory_space<vmem>>
      %dma_wait3A_475 = arith.constant 0 : i32
      %dma_wait3A_476 = arith.constant 0 : i32
      %dma_wait3A_477 = tpu.memref_slice %arg3[%dma_wait3A_475, %dma_wait3A_476] : memref<100000x8xf32, #tpu.memory_space<hbm>> -> memref<100000x8xf32, #tpu.memory_space<hbm>>
      tpu.wait_indirect_dma semaphore(%arg7 : memref<!tpu.dma_semaphore, #tpu.memory_space<semaphore_mem>>) src(%dma_wait3A_477 : memref<100000x8xf32, #tpu.memory_space<hbm>>) dst(%dma_wait3A_471 : memref<128x8xf32, #tpu.memory_space<vmem>>)
      %dma_wait3A_478 = arith.constant 14 : i32
      %dma_wait3A_479 = arith.constant 14 : i32
      %dma_wait3A_480 = arith.constant 0 : i32
      %dma_wait3A_481 = arith.constant 0 : i32
      %dma_wait3A_482 = tpu.memref_slice %arg6[%dma_wait3A_479, %dma_wait3A_480, %dma_wait3A_481] : memref<25x128x8xf32, #tpu.memory_space<vmem>> -> memref<1x128x8xf32, #tpu.memory_space<vmem>>
      %dma_wait3A_483 = tpu.memref_squeeze %dma_wait3A_482 : memref<1x128x8xf32, #tpu.memory_space<vmem>> -> memref<128x8xf32, #tpu.memory_space<vmem>>
      %dma_wait3A_484 = arith.constant 0 : i32
      %dma_wait3A_485 = tpu.memref_slice %arg5[%dma_wait3A_478, %dma_wait3A_484] : memref<25x128xi32, #tpu.memory_space<vmem>> -> memref<1x128xi32, #tpu.memory_space<vmem>>
      %dma_wait3A_486 = tpu.memref_squeeze %dma_wait3A_485 : memref<1x128xi32, #tpu.memory_space<vmem>> -> memref<128xi32, #tpu.memory_space<vmem>>
      %dma_wait3A_487 = arith.constant 0 : i32
      %dma_wait3A_488 = arith.constant 0 : i32
      %dma_wait3A_489 = tpu.memref_slice %arg3[%dma_wait3A_487, %dma_wait3A_488] : memref<100000x8xf32, #tpu.memory_space<hbm>> -> memref<100000x8xf32, #tpu.memory_space<hbm>>
      tpu.wait_indirect_dma semaphore(%arg7 : memref<!tpu.dma_semaphore, #tpu.memory_space<semaphore_mem>>) src(%dma_wait3A_489 : memref<100000x8xf32, #tpu.memory_space<hbm>>) dst(%dma_wait3A_483 : memref<128x8xf32, #tpu.memory_space<vmem>>)
      %dma_wait3A_490 = arith.constant 15 : i32
      %dma_wait3A_491 = arith.constant 15 : i32
      %dma_wait3A_492 = arith.constant 0 : i32
      %dma_wait3A_493 = arith.constant 0 : i32
      %dma_wait3A_494 = tpu.memref_slice %arg6[%dma_wait3A_491, %dma_wait3A_492, %dma_wait3A_493] : memref<25x128x8xf32, #tpu.memory_space<vmem>> -> memref<1x128x8xf32, #tpu.memory_space<vmem>>
      %dma_wait3A_495 = tpu.memref_squeeze %dma_wait3A_494 : memref<1x128x8xf32, #tpu.memory_space<vmem>> -> memref<128x8xf32, #tpu.memory_space<vmem>>
      %dma_wait3A_496 = arith.constant 0 : i32
      %dma_wait3A_497 = tpu.memref_slice %arg5[%dma_wait3A_490, %dma_wait3A_496] : memref<25x128xi32, #tpu.memory_space<vmem>> -> memref<1x128xi32, #tpu.memory_space<vmem>>
      %dma_wait3A_498 = tpu.memref_squeeze %dma_wait3A_497 : memref<1x128xi32, #tpu.memory_space<vmem>> -> memref<128xi32, #tpu.memory_space<vmem>>
      %dma_wait3A_499 = arith.constant 0 : i32
      %dma_wait3A_500 = arith.constant 0 : i32
      %dma_wait3A_501 = tpu.memref_slice %arg3[%dma_wait3A_499, %dma_wait3A_500] : memref<100000x8xf32, #tpu.memory_space<hbm>> -> memref<100000x8xf32, #tpu.memory_space<hbm>>
      tpu.wait_indirect_dma semaphore(%arg7 : memref<!tpu.dma_semaphore, #tpu.memory_space<semaphore_mem>>) src(%dma_wait3A_501 : memref<100000x8xf32, #tpu.memory_space<hbm>>) dst(%dma_wait3A_495 : memref<128x8xf32, #tpu.memory_space<vmem>>)
      %dma_wait3A_502 = arith.constant 16 : i32
      %dma_wait3A_503 = arith.constant 16 : i32
      %dma_wait3A_504 = arith.constant 0 : i32
      %dma_wait3A_505 = arith.constant 0 : i32
      %dma_wait3A_506 = tpu.memref_slice %arg6[%dma_wait3A_503, %dma_wait3A_504, %dma_wait3A_505] : memref<25x128x8xf32, #tpu.memory_space<vmem>> -> memref<1x128x8xf32, #tpu.memory_space<vmem>>
      %dma_wait3A_507 = tpu.memref_squeeze %dma_wait3A_506 : memref<1x128x8xf32, #tpu.memory_space<vmem>> -> memref<128x8xf32, #tpu.memory_space<vmem>>
      %dma_wait3A_508 = arith.constant 0 : i32
      %dma_wait3A_509 = tpu.memref_slice %arg5[%dma_wait3A_502, %dma_wait3A_508] : memref<25x128xi32, #tpu.memory_space<vmem>> -> memref<1x128xi32, #tpu.memory_space<vmem>>
      %dma_wait3A_510 = tpu.memref_squeeze %dma_wait3A_509 : memref<1x128xi32, #tpu.memory_space<vmem>> -> memref<128xi32, #tpu.memory_space<vmem>>
      %dma_wait3A_511 = arith.constant 0 : i32
      %dma_wait3A_512 = arith.constant 0 : i32
      %dma_wait3A_513 = tpu.memref_slice %arg3[%dma_wait3A_511, %dma_wait3A_512] : memref<100000x8xf32, #tpu.memory_space<hbm>> -> memref<100000x8xf32, #tpu.memory_space<hbm>>
      tpu.wait_indirect_dma semaphore(%arg7 : memref<!tpu.dma_semaphore, #tpu.memory_space<semaphore_mem>>) src(%dma_wait3A_513 : memref<100000x8xf32, #tpu.memory_space<hbm>>) dst(%dma_wait3A_507 : memref<128x8xf32, #tpu.memory_space<vmem>>)
      %dma_wait3A_514 = arith.constant 17 : i32
      %dma_wait3A_515 = arith.constant 17 : i32
      %dma_wait3A_516 = arith.constant 0 : i32
      %dma_wait3A_517 = arith.constant 0 : i32
      %dma_wait3A_518 = tpu.memref_slice %arg6[%dma_wait3A_515, %dma_wait3A_516, %dma_wait3A_517] : memref<25x128x8xf32, #tpu.memory_space<vmem>> -> memref<1x128x8xf32, #tpu.memory_space<vmem>>
      %dma_wait3A_519 = tpu.memref_squeeze %dma_wait3A_518 : memref<1x128x8xf32, #tpu.memory_space<vmem>> -> memref<128x8xf32, #tpu.memory_space<vmem>>
      %dma_wait3A_520 = arith.constant 0 : i32
      %dma_wait3A_521 = tpu.memref_slice %arg5[%dma_wait3A_514, %dma_wait3A_520] : memref<25x128xi32, #tpu.memory_space<vmem>> -> memref<1x128xi32, #tpu.memory_space<vmem>>
      %dma_wait3A_522 = tpu.memref_squeeze %dma_wait3A_521 : memref<1x128xi32, #tpu.memory_space<vmem>> -> memref<128xi32, #tpu.memory_space<vmem>>
      %dma_wait3A_523 = arith.constant 0 : i32
      %dma_wait3A_524 = arith.constant 0 : i32
      %dma_wait3A_525 = tpu.memref_slice %arg3[%dma_wait3A_523, %dma_wait3A_524] : memref<100000x8xf32, #tpu.memory_space<hbm>> -> memref<100000x8xf32, #tpu.memory_space<hbm>>
      tpu.wait_indirect_dma semaphore(%arg7 : memref<!tpu.dma_semaphore, #tpu.memory_space<semaphore_mem>>) src(%dma_wait3A_525 : memref<100000x8xf32, #tpu.memory_space<hbm>>) dst(%dma_wait3A_519 : memref<128x8xf32, #tpu.memory_space<vmem>>)
      %dma_wait3A_526 = arith.constant 18 : i32
      %dma_wait3A_527 = arith.constant 18 : i32
      %dma_wait3A_528 = arith.constant 0 : i32
      %dma_wait3A_529 = arith.constant 0 : i32
      %dma_wait3A_530 = tpu.memref_slice %arg6[%dma_wait3A_527, %dma_wait3A_528, %dma_wait3A_529] : memref<25x128x8xf32, #tpu.memory_space<vmem>> -> memref<1x128x8xf32, #tpu.memory_space<vmem>>
      %dma_wait3A_531 = tpu.memref_squeeze %dma_wait3A_530 : memref<1x128x8xf32, #tpu.memory_space<vmem>> -> memref<128x8xf32, #tpu.memory_space<vmem>>
      %dma_wait3A_532 = arith.constant 0 : i32
      %dma_wait3A_533 = tpu.memref_slice %arg5[%dma_wait3A_526, %dma_wait3A_532] : memref<25x128xi32, #tpu.memory_space<vmem>> -> memref<1x128xi32, #tpu.memory_space<vmem>>
      %dma_wait3A_534 = tpu.memref_squeeze %dma_wait3A_533 : memref<1x128xi32, #tpu.memory_space<vmem>> -> memref<128xi32, #tpu.memory_space<vmem>>
      %dma_wait3A_535 = arith.constant 0 : i32
      %dma_wait3A_536 = arith.constant 0 : i32
      %dma_wait3A_537 = tpu.memref_slice %arg3[%dma_wait3A_535, %dma_wait3A_536] : memref<100000x8xf32, #tpu.memory_space<hbm>> -> memref<100000x8xf32, #tpu.memory_space<hbm>>
      tpu.wait_indirect_dma semaphore(%arg7 : memref<!tpu.dma_semaphore, #tpu.memory_space<semaphore_mem>>) src(%dma_wait3A_537 : memref<100000x8xf32, #tpu.memory_space<hbm>>) dst(%dma_wait3A_531 : memref<128x8xf32, #tpu.memory_space<vmem>>)
      %dma_wait3A_538 = arith.constant 19 : i32
      %dma_wait3A_539 = arith.constant 19 : i32
      %dma_wait3A_540 = arith.constant 0 : i32
      %dma_wait3A_541 = arith.constant 0 : i32
      %dma_wait3A_542 = tpu.memref_slice %arg6[%dma_wait3A_539, %dma_wait3A_540, %dma_wait3A_541] : memref<25x128x8xf32, #tpu.memory_space<vmem>> -> memref<1x128x8xf32, #tpu.memory_space<vmem>>
      %dma_wait3A_543 = tpu.memref_squeeze %dma_wait3A_542 : memref<1x128x8xf32, #tpu.memory_space<vmem>> -> memref<128x8xf32, #tpu.memory_space<vmem>>
      %dma_wait3A_544 = arith.constant 0 : i32
      %dma_wait3A_545 = tpu.memref_slice %arg5[%dma_wait3A_538, %dma_wait3A_544] : memref<25x128xi32, #tpu.memory_space<vmem>> -> memref<1x128xi32, #tpu.memory_space<vmem>>
      %dma_wait3A_546 = tpu.memref_squeeze %dma_wait3A_545 : memref<1x128xi32, #tpu.memory_space<vmem>> -> memref<128xi32, #tpu.memory_space<vmem>>
      %dma_wait3A_547 = arith.constant 0 : i32
      %dma_wait3A_548 = arith.constant 0 : i32
      %dma_wait3A_549 = tpu.memref_slice %arg3[%dma_wait3A_547, %dma_wait3A_548] : memref<100000x8xf32, #tpu.memory_space<hbm>> -> memref<100000x8xf32, #tpu.memory_space<hbm>>
      tpu.wait_indirect_dma semaphore(%arg7 : memref<!tpu.dma_semaphore, #tpu.memory_space<semaphore_mem>>) src(%dma_wait3A_549 : memref<100000x8xf32, #tpu.memory_space<hbm>>) dst(%dma_wait3A_543 : memref<128x8xf32, #tpu.memory_space<vmem>>)
      %dma_wait3A_550 = arith.constant 20 : i32
      %dma_wait3A_551 = arith.constant 20 : i32
      %dma_wait3A_552 = arith.constant 0 : i32
      %dma_wait3A_553 = arith.constant 0 : i32
      %dma_wait3A_554 = tpu.memref_slice %arg6[%dma_wait3A_551, %dma_wait3A_552, %dma_wait3A_553] : memref<25x128x8xf32, #tpu.memory_space<vmem>> -> memref<1x128x8xf32, #tpu.memory_space<vmem>>
      %dma_wait3A_555 = tpu.memref_squeeze %dma_wait3A_554 : memref<1x128x8xf32, #tpu.memory_space<vmem>> -> memref<128x8xf32, #tpu.memory_space<vmem>>
      %dma_wait3A_556 = arith.constant 0 : i32
      %dma_wait3A_557 = tpu.memref_slice %arg5[%dma_wait3A_550, %dma_wait3A_556] : memref<25x128xi32, #tpu.memory_space<vmem>> -> memref<1x128xi32, #tpu.memory_space<vmem>>
      %dma_wait3A_558 = tpu.memref_squeeze %dma_wait3A_557 : memref<1x128xi32, #tpu.memory_space<vmem>> -> memref<128xi32, #tpu.memory_space<vmem>>
      %dma_wait3A_559 = arith.constant 0 : i32
      %dma_wait3A_560 = arith.constant 0 : i32
      %dma_wait3A_561 = tpu.memref_slice %arg3[%dma_wait3A_559, %dma_wait3A_560] : memref<100000x8xf32, #tpu.memory_space<hbm>> -> memref<100000x8xf32, #tpu.memory_space<hbm>>
      tpu.wait_indirect_dma semaphore(%arg7 : memref<!tpu.dma_semaphore, #tpu.memory_space<semaphore_mem>>) src(%dma_wait3A_561 : memref<100000x8xf32, #tpu.memory_space<hbm>>) dst(%dma_wait3A_555 : memref<128x8xf32, #tpu.memory_space<vmem>>)
      %dma_wait3A_562 = arith.constant 21 : i32
      %dma_wait3A_563 = arith.constant 21 : i32
      %dma_wait3A_564 = arith.constant 0 : i32
      %dma_wait3A_565 = arith.constant 0 : i32
      %dma_wait3A_566 = tpu.memref_slice %arg6[%dma_wait3A_563, %dma_wait3A_564, %dma_wait3A_565] : memref<25x128x8xf32, #tpu.memory_space<vmem>> -> memref<1x128x8xf32, #tpu.memory_space<vmem>>
      %dma_wait3A_567 = tpu.memref_squeeze %dma_wait3A_566 : memref<1x128x8xf32, #tpu.memory_space<vmem>> -> memref<128x8xf32, #tpu.memory_space<vmem>>
      %dma_wait3A_568 = arith.constant 0 : i32
      %dma_wait3A_569 = tpu.memref_slice %arg5[%dma_wait3A_562, %dma_wait3A_568] : memref<25x128xi32, #tpu.memory_space<vmem>> -> memref<1x128xi32, #tpu.memory_space<vmem>>
      %dma_wait3A_570 = tpu.memref_squeeze %dma_wait3A_569 : memref<1x128xi32, #tpu.memory_space<vmem>> -> memref<128xi32, #tpu.memory_space<vmem>>
      %dma_wait3A_571 = arith.constant 0 : i32
      %dma_wait3A_572 = arith.constant 0 : i32
      %dma_wait3A_573 = tpu.memref_slice %arg3[%dma_wait3A_571, %dma_wait3A_572] : memref<100000x8xf32, #tpu.memory_space<hbm>> -> memref<100000x8xf32, #tpu.memory_space<hbm>>
      tpu.wait_indirect_dma semaphore(%arg7 : memref<!tpu.dma_semaphore, #tpu.memory_space<semaphore_mem>>) src(%dma_wait3A_573 : memref<100000x8xf32, #tpu.memory_space<hbm>>) dst(%dma_wait3A_567 : memref<128x8xf32, #tpu.memory_space<vmem>>)
      %dma_wait3A_574 = arith.constant 22 : i32
      %dma_wait3A_575 = arith.constant 22 : i32
      %dma_wait3A_576 = arith.constant 0 : i32
      %dma_wait3A_577 = arith.constant 0 : i32
      %dma_wait3A_578 = tpu.memref_slice %arg6[%dma_wait3A_575, %dma_wait3A_576, %dma_wait3A_577] : memref<25x128x8xf32, #tpu.memory_space<vmem>> -> memref<1x128x8xf32, #tpu.memory_space<vmem>>
      %dma_wait3A_579 = tpu.memref_squeeze %dma_wait3A_578 : memref<1x128x8xf32, #tpu.memory_space<vmem>> -> memref<128x8xf32, #tpu.memory_space<vmem>>
      %dma_wait3A_580 = arith.constant 0 : i32
      %dma_wait3A_581 = tpu.memref_slice %arg5[%dma_wait3A_574, %dma_wait3A_580] : memref<25x128xi32, #tpu.memory_space<vmem>> -> memref<1x128xi32, #tpu.memory_space<vmem>>
      %dma_wait3A_582 = tpu.memref_squeeze %dma_wait3A_581 : memref<1x128xi32, #tpu.memory_space<vmem>> -> memref<128xi32, #tpu.memory_space<vmem>>
      %dma_wait3A_583 = arith.constant 0 : i32
      %dma_wait3A_584 = arith.constant 0 : i32
      %dma_wait3A_585 = tpu.memref_slice %arg3[%dma_wait3A_583, %dma_wait3A_584] : memref<100000x8xf32, #tpu.memory_space<hbm>> -> memref<100000x8xf32, #tpu.memory_space<hbm>>
      tpu.wait_indirect_dma semaphore(%arg7 : memref<!tpu.dma_semaphore, #tpu.memory_space<semaphore_mem>>) src(%dma_wait3A_585 : memref<100000x8xf32, #tpu.memory_space<hbm>>) dst(%dma_wait3A_579 : memref<128x8xf32, #tpu.memory_space<vmem>>)
      %dma_wait3A_586 = arith.constant 23 : i32
      %dma_wait3A_587 = arith.constant 23 : i32
      %dma_wait3A_588 = arith.constant 0 : i32
      %dma_wait3A_589 = arith.constant 0 : i32
      %dma_wait3A_590 = tpu.memref_slice %arg6[%dma_wait3A_587, %dma_wait3A_588, %dma_wait3A_589] : memref<25x128x8xf32, #tpu.memory_space<vmem>> -> memref<1x128x8xf32, #tpu.memory_space<vmem>>
      %dma_wait3A_591 = tpu.memref_squeeze %dma_wait3A_590 : memref<1x128x8xf32, #tpu.memory_space<vmem>> -> memref<128x8xf32, #tpu.memory_space<vmem>>
      %dma_wait3A_592 = arith.constant 0 : i32
      %dma_wait3A_593 = tpu.memref_slice %arg5[%dma_wait3A_586, %dma_wait3A_592] : memref<25x128xi32, #tpu.memory_space<vmem>> -> memref<1x128xi32, #tpu.memory_space<vmem>>
      %dma_wait3A_594 = tpu.memref_squeeze %dma_wait3A_593 : memref<1x128xi32, #tpu.memory_space<vmem>> -> memref<128xi32, #tpu.memory_space<vmem>>
      %dma_wait3A_595 = arith.constant 0 : i32
      %dma_wait3A_596 = arith.constant 0 : i32
      %dma_wait3A_597 = tpu.memref_slice %arg3[%dma_wait3A_595, %dma_wait3A_596] : memref<100000x8xf32, #tpu.memory_space<hbm>> -> memref<100000x8xf32, #tpu.memory_space<hbm>>
      tpu.wait_indirect_dma semaphore(%arg7 : memref<!tpu.dma_semaphore, #tpu.memory_space<semaphore_mem>>) src(%dma_wait3A_597 : memref<100000x8xf32, #tpu.memory_space<hbm>>) dst(%dma_wait3A_591 : memref<128x8xf32, #tpu.memory_space<vmem>>)
      %dma_wait3A_598 = arith.constant 24 : i32
      %dma_wait3A_599 = arith.constant 24 : i32
      %dma_wait3A_600 = arith.constant 0 : i32
      %dma_wait3A_601 = arith.constant 0 : i32
      %dma_wait3A_602 = tpu.memref_slice %arg6[%dma_wait3A_599, %dma_wait3A_600, %dma_wait3A_601] : memref<25x128x8xf32, #tpu.memory_space<vmem>> -> memref<1x128x8xf32, #tpu.memory_space<vmem>>
      %dma_wait3A_603 = tpu.memref_squeeze %dma_wait3A_602 : memref<1x128x8xf32, #tpu.memory_space<vmem>> -> memref<128x8xf32, #tpu.memory_space<vmem>>
      %dma_wait3A_604 = arith.constant 0 : i32
      %dma_wait3A_605 = tpu.memref_slice %arg5[%dma_wait3A_598, %dma_wait3A_604] : memref<25x128xi32, #tpu.memory_space<vmem>> -> memref<1x128xi32, #tpu.memory_space<vmem>>
      %dma_wait3A_606 = tpu.memref_squeeze %dma_wait3A_605 : memref<1x128xi32, #tpu.memory_space<vmem>> -> memref<128xi32, #tpu.memory_space<vmem>>
      %dma_wait3A_607 = arith.constant 0 : i32
      %dma_wait3A_608 = arith.constant 0 : i32
      %dma_wait3A_609 = tpu.memref_slice %arg3[%dma_wait3A_607, %dma_wait3A_608] : memref<100000x8xf32, #tpu.memory_space<hbm>> -> memref<100000x8xf32, #tpu.memory_space<hbm>>
      tpu.wait_indirect_dma semaphore(%arg7 : memref<!tpu.dma_semaphore, #tpu.memory_space<semaphore_mem>>) src(%dma_wait3A_609 : memref<100000x8xf32, #tpu.memory_space<hbm>>) dst(%dma_wait3A_603 : memref<128x8xf32, #tpu.memory_space<vmem>>)
      "tpu.region"() ({
        %run_scoped3A = tpu.sem_alloc : memref<!tpu.dma_semaphore, #tpu.memory_space<semaphore_mem>>
        %dma_start3A_610 = arith.constant 0 : i32
        %dma_start3A_611 = arith.constant 0 : i32
        %dma_start3A_612 = tpu.memref_slice %arg4[%add3A_11, %dma_start3A_610, %dma_start3A_611] : memref<100000x128x8xf32, #tpu.memory_space<hbm>> -> memref<25x128x8xf32, #tpu.memory_space<hbm>>
        %dma_start3A_613 = arith.constant 0 : i32
        %dma_start3A_614 = arith.constant 0 : i32
        %dma_start3A_615 = tpu.memref_slice %arg4[%add3A_11, %dma_start3A_613, %dma_start3A_614] : memref<100000x128x8xf32, #tpu.memory_space<hbm>> -> memref<25x128x8xf32, #tpu.memory_space<hbm>>
        tpu.enqueue_dma source(%arg6 : memref<25x128x8xf32, #tpu.memory_space<vmem>>) target(%dma_start3A_615 : memref<25x128x8xf32, #tpu.memory_space<hbm>>) target_semaphore(%run_scoped3A : memref<!tpu.dma_semaphore, #tpu.memory_space<semaphore_mem>>)
        %dma_wait3A_616 = arith.constant 0 : i32
        %dma_wait3A_617 = arith.constant 0 : i32
        %dma_wait3A_618 = tpu.memref_slice %arg4[%add3A_11, %dma_wait3A_616, %dma_wait3A_617] : memref<100000x128x8xf32, #tpu.memory_space<hbm>> -> memref<25x128x8xf32, #tpu.memory_space<hbm>>
        %dma_wait3A_619 = arith.constant 0 : i32
        %dma_wait3A_620 = arith.constant 0 : i32
        %dma_wait3A_621 = tpu.memref_slice %arg4[%add3A_11, %dma_wait3A_619, %dma_wait3A_620] : memref<100000x128x8xf32, #tpu.memory_space<hbm>> -> memref<25x128x8xf32, #tpu.memory_space<hbm>>
        tpu.wait_dma2 semaphore(%run_scoped3A : memref<!tpu.dma_semaphore, #tpu.memory_space<semaphore_mem>>) src(%arg6 : memref<25x128x8xf32, #tpu.memory_space<vmem>>) dst(%dma_wait3A_621 : memref<25x128x8xf32, #tpu.memory_space<hbm>>)
        tpu.yield
      }) : () -> ()
    }
    %scan3A_7 = arith.constant 125 : i32
    return
  }
}

module attributes {stable_mosaic.version = 14 : i64} {
  func.func @_tc_math_body(%arg0: i32, %arg1: memref<1x1xf32, #tpu.memory_space<smem>>, %arg2: memref<1x2000x128xf32, #tpu.memory_space<vmem>>, %arg3: memref<1x2000x128xf32, #tpu.memory_space<vmem>>, %arg4: memref<2000x16xf32, #tpu.memory_space<vmem>>, %arg5: memref<2000x48xf32, #tpu.memory_space<vmem>>, %arg6: memref<1x1xi32, #tpu.memory_space<smem>>) attributes {dimension_semantics = [#tpu.dimension_semantics<arbitrary>], iteration_bounds = array<i64: 200>, scalar_prefetch = 0 : i64, scratch_operands = 0 : i64, tpu.core_type = #tpu.core_type<tc>, window_params = [{transform_indices = @transform_0, window_bounds = array<i64: 1, 1>}, {transform_indices = @transform_1, window_bounds = array<i64: 1, 2000, 128>}, {transform_indices = @transform_2, window_bounds = array<i64: 1, 2000, 128>}, {transform_indices = @transform_3, window_bounds = array<i64: 2000, 16>}, {transform_indices = @transform_4, window_bounds = array<i64: 2000, 48>}, {transform_indices = @transform_5, window_bounds = array<i64: 1, 1>}]} {
    %get3A = arith.constant 0 : index
    %get3A_0 = arith.constant 0 : index
    %get3A_1 = arith.constant 0 : index
    %get3A_2 = vector.load %arg2[%get3A, %get3A_0, %get3A_1] : memref<1x2000x128xf32, #tpu.memory_space<vmem>>, vector<1x2000x128xf32>
    %get3A_3 = vector.shape_cast %get3A_2 : vector<1x2000x128xf32> to vector<2000x128xf32>
    %get3A_4 = arith.constant 0 : index
    %get3A_5 = arith.constant 0 : index
    %get3A_6 = arith.constant 0 : index
    %get3A_7 = vector.load %arg3[%get3A_4, %get3A_5, %get3A_6] : memref<1x2000x128xf32, #tpu.memory_space<vmem>>, vector<1x2000x128xf32>
    %get3A_8 = vector.shape_cast %get3A_7 : vector<1x2000x128xf32> to vector<2000x128xf32>
    %sub3A = arith.subf %get3A_3, %get3A_8 : vector<2000x128xf32>
    %iota3A = tpu.iota {dimensions = array<i32: 0>} : vector<128x16xi32>
    %iota3A_9 = tpu.iota {dimensions = array<i32: 1>} : vector<128x16xi32>
    %jit3A = arith.constant 8 : i32
    %div3A = vector.broadcast %jit3A : i32 to vector<128x16xi32>
    %div3A_10 = arith.divsi %iota3A, %div3A : vector<128x16xi32>
    %sign3A = arith.constant 0 : i32
    %sign3A_11 = vector.broadcast %sign3A : i32 to vector<128x16xi32>
    %sign3A_12 = arith.cmpi sgt, %iota3A, %sign3A_11 : vector<128x16xi32>
    %sign3A_13 = arith.extui %sign3A_12 : vector<128x16xi1> to vector<128x16xi32>
    %sign3A_14 = arith.constant 0 : i32
    %sign3A_15 = vector.broadcast %sign3A_14 : i32 to vector<128x16xi32>
    %sign3A_16 = arith.cmpi slt, %iota3A, %sign3A_15 : vector<128x16xi32>
    %sign3A_17 = arith.extui %sign3A_16 : vector<128x16xi1> to vector<128x16xi32>
    %sign3A_18 = arith.subi %sign3A_13, %sign3A_17 : vector<128x16xi32>
    %sign3A_19 = arith.constant 0 : i32
    %sign3A_20 = arith.cmpi sgt, %jit3A, %sign3A_19 : i32
    %sign3A_21 = arith.extui %sign3A_20 : i1 to i32
    %sign3A_22 = arith.constant 0 : i32
    %sign3A_23 = arith.cmpi slt, %jit3A, %sign3A_22 : i32
    %sign3A_24 = arith.extui %sign3A_23 : i1 to i32
    %sign3A_25 = arith.subi %sign3A_21, %sign3A_24 : i32
    %ne3A = vector.broadcast %sign3A_25 : i32 to vector<128x16xi32>
    %ne3A_26 = arith.cmpi ne, %sign3A_18, %ne3A : vector<128x16xi32>
    %rem3A = vector.broadcast %jit3A : i32 to vector<128x16xi32>
    %rem3A_27 = arith.remsi %iota3A, %rem3A : vector<128x16xi32>
    %ne3A_28 = arith.constant 0 : i32
    %ne3A_29 = vector.broadcast %ne3A_28 : i32 to vector<128x16xi32>
    %ne3A_30 = arith.cmpi ne, %rem3A_27, %ne3A_29 : vector<128x16xi32>
    %and3A = arith.andi %ne3A_26, %ne3A_30 : vector<128x16xi1>
    %sub3A_31 = arith.constant 1 : i32
    %sub3A_32 = vector.broadcast %sub3A_31 : i32 to vector<128x16xi32>
    %sub3A_33 = arith.subi %div3A_10, %sub3A_32 : vector<128x16xi32>
    %select_n3A = arith.select %and3A, %sub3A_33, %div3A_10 : vector<128x16xi1>, vector<128x16xi32>
    %eq3A = arith.cmpi eq, %select_n3A, %iota3A_9 : vector<128x16xi32>
    %convert_element_type3A = arith.extui %eq3A : vector<128x16xi1> to vector<128x16xi32>
    %convert_element_type3A_34 = arith.sitofp %convert_element_type3A : vector<128x16xi32> to vector<128x16xf32>
    %mul3A = arith.mulf %sub3A, %sub3A : vector<2000x128xf32>
    %dot_general3A = arith.constant dense<0.000000e+00> : vector<2000x16xf32>
    %dot_general3A_35 = tpu.matmul %mul3A, %convert_element_type3A_34, %dot_general3A {dimension_numbers = #tpu.dot_dimension_numbers<[1], [0], [0], [1], [0, 0, 1, 1], [], []>, precision = #tpu.contract_precision<fp32>, transpose_lhs_hint = false} : vector<2000x128xf32>, vector<128x16xf32>, vector<2000x16xf32> -> vector<2000x16xf32>
    %sqrt3A = math.sqrt %dot_general3A_35 : vector<2000x16xf32>
    %swap3A = arith.constant 0 : index
    %swap3A_36 = arith.constant 0 : index
    %swap3A_37 = vector.load %arg4[%swap3A, %swap3A_36] : memref<2000x16xf32, #tpu.memory_space<vmem>>, vector<2000x16xf32>
    tpu.vector_store %arg4[%swap3A, %swap3A_36], %sqrt3A {strides = array<i32>} : memref<2000x16xf32, #tpu.memory_space<vmem>>, vector<2000x16xf32>,
    %iota3A_38 = tpu.iota {dimensions = array<i32: 0>} : vector<128x48xi32>
    %iota3A_39 = tpu.iota {dimensions = array<i32: 1>} : vector<128x48xi32>
    %jit3A_40 = arith.constant 3 : i32
    %div3A_41 = vector.broadcast %jit3A_40 : i32 to vector<128x48xi32>
    %div3A_42 = arith.divsi %iota3A_39, %div3A_41 : vector<128x48xi32>
    %sign3A_43 = arith.constant 0 : i32
    %sign3A_44 = vector.broadcast %sign3A_43 : i32 to vector<128x48xi32>
    %sign3A_45 = arith.cmpi sgt, %iota3A_39, %sign3A_44 : vector<128x48xi32>
    %sign3A_46 = arith.extui %sign3A_45 : vector<128x48xi1> to vector<128x48xi32>
    %sign3A_47 = arith.constant 0 : i32
    %sign3A_48 = vector.broadcast %sign3A_47 : i32 to vector<128x48xi32>
    %sign3A_49 = arith.cmpi slt, %iota3A_39, %sign3A_48 : vector<128x48xi32>
    %sign3A_50 = arith.extui %sign3A_49 : vector<128x48xi1> to vector<128x48xi32>
    %sign3A_51 = arith.subi %sign3A_46, %sign3A_50 : vector<128x48xi32>
    %sign3A_52 = arith.constant 0 : i32
    %sign3A_53 = arith.cmpi sgt, %jit3A_40, %sign3A_52 : i32
    %sign3A_54 = arith.extui %sign3A_53 : i1 to i32
    %sign3A_55 = arith.constant 0 : i32
    %sign3A_56 = arith.cmpi slt, %jit3A_40, %sign3A_55 : i32
    %sign3A_57 = arith.extui %sign3A_56 : i1 to i32
    %sign3A_58 = arith.subi %sign3A_54, %sign3A_57 : i32
    %ne3A_59 = vector.broadcast %sign3A_58 : i32 to vector<128x48xi32>
    %ne3A_60 = arith.cmpi ne, %sign3A_51, %ne3A_59 : vector<128x48xi32>
    %rem3A_61 = vector.broadcast %jit3A_40 : i32 to vector<128x48xi32>
    %rem3A_62 = arith.remsi %iota3A_39, %rem3A_61 : vector<128x48xi32>
    %ne3A_63 = arith.constant 0 : i32
    %ne3A_64 = vector.broadcast %ne3A_63 : i32 to vector<128x48xi32>
    %ne3A_65 = arith.cmpi ne, %rem3A_62, %ne3A_64 : vector<128x48xi32>
    %and3A_66 = arith.andi %ne3A_60, %ne3A_65 : vector<128x48xi1>
    %sub3A_67 = arith.constant 1 : i32
    %sub3A_68 = vector.broadcast %sub3A_67 : i32 to vector<128x48xi32>
    %sub3A_69 = arith.subi %div3A_42, %sub3A_68 : vector<128x48xi32>
    %select_n3A_70 = arith.select %and3A_66, %sub3A_69, %div3A_42 : vector<128x48xi1>, vector<128x48xi32>
    %mul3A_71 = arith.constant 8 : i32
    %mul3A_72 = vector.broadcast %mul3A_71 : i32 to vector<128x48xi32>
    %mul3A_73 = arith.muli %mul3A_72, %select_n3A_70 : vector<128x48xi32>
    %jit3A_74 = arith.constant 3 : i32
    %eq3A_75 = arith.constant 0 : i32
    %eq3A_76 = arith.cmpi eq, %jit3A_74, %eq3A_75 : i32
    %jit3A_77 = arith.constant 1 : i32
    %select_n3A_78 = arith.select %eq3A_76, %jit3A_77, %jit3A_74 : i32
    %rem3A_79 = vector.broadcast %select_n3A_78 : i32 to vector<128x48xi32>
    %rem3A_80 = arith.remsi %iota3A_39, %rem3A_79 : vector<128x48xi32>
    %ne3A_81 = arith.constant 0 : i32
    %ne3A_82 = vector.broadcast %ne3A_81 : i32 to vector<128x48xi32>
    %ne3A_83 = arith.cmpi ne, %rem3A_80, %ne3A_82 : vector<128x48xi32>
    %lt3A = arith.constant 0 : i32
    %lt3A_84 = vector.broadcast %lt3A : i32 to vector<128x48xi32>
    %lt3A_85 = arith.cmpi slt, %rem3A_80, %lt3A_84 : vector<128x48xi32>
    %lt3A_86 = arith.constant 0 : i32
    %lt3A_87 = arith.cmpi slt, %select_n3A_78, %lt3A_86 : i32
    %ne3A_88 = vector.broadcast %lt3A_87 : i1 to vector<128x48xi1>
    %ne3A_89 = vector.broadcast %ne3A_88 : vector<128x48xi1> to vector<128x48xi1>
    %ne3A_90 = arith.xori %lt3A_85, %ne3A_89 : vector<128x48xi1>
    %and3A_91 = arith.andi %ne3A_90, %ne3A_83 : vector<128x48xi1>
    %add3A = vector.broadcast %select_n3A_78 : i32 to vector<128x48xi32>
    %add3A_92 = arith.addi %rem3A_80, %add3A : vector<128x48xi32>
    %select_n3A_93 = arith.select %and3A_91, %add3A_92, %rem3A_80 : vector<128x48xi1>, vector<128x48xi32>
    %add3A_94 = arith.addi %mul3A_73, %select_n3A_93 : vector<128x48xi32>
    %eq3A_95 = arith.cmpi eq, %iota3A_38, %add3A_94 : vector<128x48xi32>
    %convert_element_type3A_96 = arith.extui %eq3A_95 : vector<128x48xi1> to vector<128x48xi32>
    %convert_element_type3A_97 = arith.sitofp %convert_element_type3A_96 : vector<128x48xi32> to vector<128x48xf32>
    %dot_general3A_98 = arith.constant dense<0.000000e+00> : vector<2000x48xf32>
    %dot_general3A_99 = tpu.matmul %sub3A, %convert_element_type3A_97, %dot_general3A_98 {dimension_numbers = #tpu.dot_dimension_numbers<[1], [0], [0], [1], [0, 0, 1, 1], [], []>, precision = #tpu.contract_precision<fp32>, transpose_lhs_hint = false} : vector<2000x128xf32>, vector<128x48xf32>, vector<2000x48xf32> -> vector<2000x48xf32>
    %swap3A_100 = arith.constant 0 : index
    %swap3A_101 = arith.constant 0 : index
    %swap3A_102 = vector.load %arg5[%swap3A_100, %swap3A_101] : memref<2000x48xf32, #tpu.memory_space<vmem>>, vector<2000x48xf32>
    tpu.vector_store %arg5[%swap3A_100, %swap3A_101], %dot_general3A_99 {strides = array<i32>} : memref<2000x48xf32, #tpu.memory_space<vmem>>, vector<2000x48xf32>,
    %get3A_103 = arith.constant 0 : index
    %get3A_104 = arith.constant 0 : index
    %get3A_105 = memref.load %arg1[%get3A_103, %get3A_104] : memref<1x1xf32, #tpu.memory_space<smem>>
    %le3A = vector.broadcast %get3A_105 : f32 to vector<2000x16xf32>
    %le3A_106 = arith.cmpf ole, %sqrt3A, %le3A : vector<2000x16xf32>
    %convert_element_type3A_107 = arith.extui %le3A_106 : vector<2000x16xi1> to vector<2000x16xi32>
    %reduce_sum3A = vector.shape_cast %convert_element_type3A_107 : vector<2000x16xi32> to vector<1x2000x16xi32>
    %reduce_sum3A_108 = arith.constant dense<0> : vector<1xi32>
    %reduce_sum3A_109 = vector.multi_reduction <add>, %reduce_sum3A, %reduce_sum3A_108 [1, 2] : vector<1x2000x16xi32> to vector<1xi32>
    %reduce_sum3A_110 = vector.shape_cast %reduce_sum3A_109 : vector<1xi32> to vector<1x1x1xi32>
    %reduce_sum3A_111 = vector.extract %reduce_sum3A_110[0, 0, 0] : i32 from vector<1x1x1xi32>
    %eq3A_112 = arith.constant 0 : i32
    %eq3A_113 = arith.cmpi eq, %arg0, %eq3A_112 : i32
    %convert_element_type3A_114 = arith.extui %eq3A_113 : i1 to i32
    %cond3A = arith.constant 0 : i32
    %cond3A_115 = arith.cmpi ne, %convert_element_type3A_114, %cond3A : i32
    scf.if %cond3A_115 {
      %swap3A_123 = arith.constant 0 : i32
      %swap3A_124 = arith.constant 0 : index
      %swap3A_125 = arith.constant 0 : index
      %swap3A_126 = memref.load %arg6[%swap3A_124, %swap3A_125] : memref<1x1xi32, #tpu.memory_space<smem>>
      memref.store %swap3A_123, %arg6[%swap3A_124, %swap3A_125] : memref<1x1xi32, #tpu.memory_space<smem>>
    } else {
    }
    %get3A_116 = arith.constant 0 : index
    %get3A_117 = arith.constant 0 : index
    %get3A_118 = memref.load %arg6[%get3A_116, %get3A_117] : memref<1x1xi32, #tpu.memory_space<smem>>
    %add3A_119 = arith.addi %get3A_118, %reduce_sum3A_111 : i32
    %swap3A_120 = arith.constant 0 : index
    %swap3A_121 = arith.constant 0 : index
    %swap3A_122 = memref.load %arg6[%swap3A_120, %swap3A_121] : memref<1x1xi32, #tpu.memory_space<smem>>
    memref.store %add3A_119, %arg6[%swap3A_120, %swap3A_121] : memref<1x1xi32, #tpu.memory_space<smem>>
    return
  }
  func.func @transform_0(%arg0: i32) -> (i32, i32) {
    %c0_i32 = arith.constant 0 : i32
    %c0_i32_0 = arith.constant 0 : i32
    %c0_i32_1 = arith.constant 0 : i32
    return %c0_i32, %c0_i32_0 : i32, i32
  }
  func.func @transform_1(%arg0: i32) -> (i32, i32, i32) {
    %c0_i32 = arith.constant 0 : i32
    %c0_i32_0 = arith.constant 0 : i32
    %c0_i32_1 = arith.constant 0 : i32
    return %c0_i32, %arg0, %c0_i32_0 : i32, i32, i32
  }
  func.func @transform_2(%arg0: i32) -> (i32, i32, i32) {
    %c1_i32 = arith.constant 1 : i32
    %c0_i32 = arith.constant 0 : i32
    %c0_i32_0 = arith.constant 0 : i32
    return %c1_i32, %arg0, %c0_i32 : i32, i32, i32
  }
  func.func @transform_3(%arg0: i32) -> (i32, i32) {
    %c0_i32 = arith.constant 0 : i32
    %c0_i32_0 = arith.constant 0 : i32
    return %arg0, %c0_i32 : i32, i32
  }
  func.func @transform_4(%arg0: i32) -> (i32, i32) {
    %c0_i32 = arith.constant 0 : i32
    %c0_i32_0 = arith.constant 0 : i32
    return %arg0, %c0_i32 : i32, i32
  }
  func.func @transform_5(%arg0: i32) -> (i32, i32) {
    %c0_i32 = arith.constant 0 : i32
    %c0_i32_0 = arith.constant 0 : i32
    %c0_i32_1 = arith.constant 0 : i32
    return %c0_i32, %c0_i32_0 : i32, i32
  }
}

</mosaic_0001>

<sc_bundles>
// kernel: gather_offload_async_start.1
scs
__scs_entry_jumppad:
0x0: {  	(pc) =	sbr.rel $0x88, $3  }
0x1: {  	(tag) =	ssettag $0x0;
	lr =	simm.s32 $0x1  }
0x2: {  	[smem:$0x3F9E] =	sst lr;
	_ =	strace $0xD0000000  }
0x3: {  	_ = 	snop  }
0x4: {  	_ = 	snop  }
0x5: {  	_ = 	snop  }
0x6: {  	_ = 	snop  }
0x7: {  	_ = 	snop  }
__scs_overlays_trampoline_lowered:
0x8: {  	[smem:$0x3FAD] =	sst s0  }
0x9: {  	[smem:$0x3FAE] =	sst s1  }
0xa: {  	[smem:$0x3FAF] =	sst s2  }
0xb: {  	[smem:$0x3FB0] =	sst s3  }
0xc: {  	[smem:$0x3FB1] =	sst s4  }
0xd: {  	[smem:$0x3FB2] =	sst s5  }
0xe: {  	[smem:$0x3FB3] =	sst s6  }
0xf: {  	[smem:$0x3FB4] =	sst s7  }
0x10: {  	[smem:$0x3FB5] =	sst s8  }
0x11: {  	[smem:$0x3FB6] =	sst s9;
	s0 =	simm.s32 @!p0 $0x0  }
0x12: {  	s1 =	sld [smem:$0x3F9C];
	s0 =	simm.s32 @p0 $0x1  }
0x13: {  	[smem:$0x3FB7] =	sst s0;
	s0 =	simm.s32 @!p1 $0x0  }
0x14: {  	s2 =	sld [smem:$0x3F9B];
	s0 =	simm.s32 @p1 $0x1  }
0x15: {  	[smem:$0x3FB8] =	sst s0;
	s0 =	simm.s32 @!p2 $0x0  }
0x16: {  	s3 =	sld [smem:$0x3FDB];
	s0 =	simm.s32 @p2 $0x1  }
0x17: {  	s4 =	simm.s32 $0x1BF5;
	[smem:$0x3FBA] =	sst s0  }
0x18: {  	s0 =	sld [smem:$0x3F9D];
	_ =	swait.ge [sflag:s4], $0x0  }
0x19: {  	s7 =	sld [smem:$0x3F9E]  }
0x1a: {  	s8 =	sadd.s32 $0xFFFFE003, lr  }
0x1b: {  	s9 =	sadd.s32 $0xFFFFFEF7, lr;
	s5 =	simm.s32 $0xFFFFFFFF;
	p2 =	slt.u32 s8, $0xFFFFF086  }
0x1c: {  	p1 =	slt.u32 s9, $0xF7A;
	s5 =	simm.s32 @!p2 $0x0  }
0x1d: {  	s5 =	simm.s32 @p1 $0x1;
	p0 =	seq.s32 s7, s2  }
0x1e: {  	s7 =	smul.u32 @!p0 $0xF7A, s2;
	p2 =	seq.s32 @!p0 s5, $0x0  }
0x1f: {  	s9 =	smul.u32 $0xF7A, s1;
	s8 =	simm.s32 @!p0 $0x1BF5;
	p2 =	por !p2, p0  }
0x20: {  	[sflag:s8] =	ssyncset.s32 @!p0 $0xFFFFF086;
	s6 =	sadd.s32 @!p0 s3, s7;
	s7 =	simm.s32 @!p0 $0x108  }
0x21: {  	s3 =	sadd.s32 s3, s9;
	s6 =	sadd.s32 @!p0 $0x88, s6;
	s7 =	simm.s32 @p2 $0x1082  }
0x22: {  	[simem:s7], [sflag:s8] =	dma.local @!p0 [hbm:s6], $0xF7A  }
0x23: {  	s9 =	sor.u32 $0xD0000000, s2;
	s6 =	simm.s32 $0x108;
	_ =	swait.ge @!p0 [sflag:s8], $0x0  }
0x24: {  	s3 =	sadd.s32 $0x88, s3;
	s6 =	simm.s32 @!p1 $0x1082;
	[sflag:s4] =	ssyncset.s32 $0xFFFFF086  }
0x25: {  	[simem:s6], [sflag:s4] =	dma.local [hbm:s3], $0xF7A  }
0x26: {  	[smem:$0x3F9E] =	sst s1;
	(tag) =	ssettag s2;
	_ =	strace s9  }
0x27: {  	s1 =	sld [smem:$0x3FAE]  }
0x28: {  	s2 =	sld [smem:$0x3FAF]  }
0x29: {  	s4 =	sld [smem:$0x3FB1]  }
0x2a: {  	p0 =	seq.s32 s5, $0x0;
	s5 =	sld [smem:$0x3FB2]  }
0x2b: {  	s6 =	sld [smem:$0x3FB3]  }
0x2c: {  	s7 =	sld [smem:$0x3FB4]  }
0x2d: {  	s3 =	simm.s32 $0x108;
	s8 =	sld [smem:$0x3FB5]  }
0x2e: {  	s3 =	simm.s32 @!p0 $0x1082;
	s9 =	sld [smem:$0x3FB6]  }
0x2f: {  	lr =	sadd.s32 s0, s3;
	s0 =	sld [smem:$0x3FAD]  }
0x30: {  	s3 =	sld [smem:$0x3FB0]  }
0x31: {  	[smem:$0x3FB9] =	sst s10  }
0x32: {  	s10 =	sld [smem:$0x3FB7];
	_ =	sdelay $0x3  }
0x33: {  	p0 =	seq.s32 s10, $0x1;
	s10 =	sld [smem:$0x3FB9];
	_ =	sdelay $0x3  }
0x34: {  	[smem:$0x3FB9] =	sst s10  }
0x35: {  	s10 =	sld [smem:$0x3FB8];
	_ =	sdelay $0x3  }
0x36: {  	p1 =	seq.s32 s10, $0x1;
	s10 =	sld [smem:$0x3FB9];
	_ =	sdelay $0x3  }
0x37: {  	[smem:$0x3FB9] =	sst s10  }
0x38: {  	s10 =	sld [smem:$0x3FBA]  }
0x39: {  	_ = 	snop;
	(pc) =	sbr.ind lr, $3  }
0x3a: {  	_ = 	snop  }
0x3b: {  	_ = 	snop  }
0x3c: {  	p2 =	seq.s32 s10, $0x1;
	s10 =	sld [smem:$0x3FB9]  }
0x3d: {  	_ =	shalt  }
0x3e: {  	_ =	shalt  }
0x3f: {  	_ =	shalt  }
0x40: {  	_ =	shalt  }
0x41: {  	_ =	shalt  }
0x42: {  	_ =	shalt  }
0x43: {  	_ =	shalt  }
0x44: {  	_ =	shalt  }
0x45: {  	_ =	shalt  }
0x46: {  	_ =	shalt  }
0x47: {  	_ =	shalt  }
0x48: {  	_ =	shalt  }
0x49: {  	_ =	shalt  }
0x4a: {  	_ =	shalt  }
0x4b: {  	_ =	shalt  }
0x4c: {  	_ =	shalt  }
0x4d: {  	_ =	shalt  }
0x4e: {  	_ =	shalt  }
0x4f: {  	_ =	shalt  }
0x50: {  	_ =	shalt  }
0x51: {  	_ =	shalt  }
0x52: {  	_ =	shalt  }
0x53: {  	_ =	shalt  }
0x54: {  	_ =	shalt  }
0x55: {  	_ =	shalt  }
0x56: {  	_ =	shalt  }
0x57: {  	_ =	shalt  }
0x58: {  	_ =	shalt  }
0x59: {  	_ =	shalt  }
0x5a: {  	_ =	shalt  }
0x5b: {  	_ =	shalt  }
0x5c: {  	_ =	shalt  }
0x5d: {  	_ =	shalt  }
0x5e: {  	_ =	shalt  }
0x5f: {  	_ =	shalt  }
0x60: {  	_ =	shalt  }
0x61: {  	_ =	shalt  }
0x62: {  	_ =	shalt  }
0x63: {  	_ =	shalt  }
0x64: {  	_ =	shalt  }
0x65: {  	_ =	shalt  }
0x66: {  	_ =	shalt  }
0x67: {  	_ =	shalt  }
0x68: {  	_ =	shalt  }
0x69: {  	_ =	shalt  }
0x6a: {  	_ =	shalt  }
0x6b: {  	_ =	shalt  }
0x6c: {  	_ =	shalt  }
0x6d: {  	_ =	shalt  }
0x6e: {  	_ =	shalt  }
0x6f: {  	_ =	shalt  }
0x70: {  	_ =	shalt  }
0x71: {  	_ =	shalt  }
0x72: {  	_ =	shalt  }
0x73: {  	_ =	shalt  }
0x74: {  	_ =	shalt  }
0x75: {  	_ =	shalt  }
0x76: {  	_ =	shalt  }
0x77: {  	_ =	shalt  }
0x78: {  	_ =	shalt  }
0x79: {  	_ =	shalt  }
0x7a: {  	_ =	shalt  }
0x7b: {  	_ =	shalt  }
0x7c: {  	_ =	shalt  }
0x7d: {  	_ =	shalt  }
0x7e: {  	_ =	shalt  }
0x7f: {  	_ =	shalt  }
0x80: {  	_ =	shalt  }
0x81: {  	_ =	shalt  }
0x82: {  	_ =	shalt  }
0x83: {  	_ =	shalt  }
0x84: {  	_ =	shalt  }
0x85: {  	_ =	shalt  }
0x86: {  	_ =	shalt  }
0x87: {  	_ =	shalt  }
.Lfunc_end0:
.L_simem_size_0:
called_computation.3_lowered:
.L_overlay_start_0:
0x88: {  	s2 =	sld [smem:$0x3FD9]  }
0x89: {  	s3 =	sld [smem:$0x3FFE];
	_ =	sdelay $0x1  }
0x8a: {  	s1 =	srdreg.scid  }
0x8b: {  	s0 =	sand.u32 $0x1, s1  }
0x8c: {  	s14 =	sshll.u32 s0, $0xA;
	s2 =	sadd.s32 s3, s2  }
0x8d: {  	s2 =	sadd.s32 s2, s14  }
0x8e: {  	[smem:$0x3FC5] =	sst s2  }
0x8f: {  	_ = 	snop  }
0x90: {  	s2 =	sld [smem:$0x3FD0];
	_ =	sdelay $0x2  }
0x91: {  	s15 =	simm.s32 $0xB;
	s4 =	simm.s32 $0x10  }
0x92: {  	[smem:s4], [sflag:s15] =	dma.local [hbm:s2], $0x1  }
0x93: {  	_ =	swait.eq [sflag:s15], $0x1  }
0x94: {  	[sflag:s15] =	ssyncset.done $0x0  }
0x95: {  	[sflag:s15] =	ssyncadd.s32 $0xFFFFFFFF  }
0x96: {  	s16 =	sld [smem:$0x11];
	(tm) =	ssettm $0x1  }
0x97: {  	s17 =	sld [smem:$0x3FFB];
	_ =	sdelay $0x3  }
0x98: {  	_ =	strace s17  }
0x99: {  	s3 =	sld [smem:$0x3FFC];
	_ =	sdelay $0x3  }
0x9a: {  	_ =	strace s3  }
0x9b: {  	s3 =	sld [smem:$0x3FFD];
	_ =	sdelay $0x3  }
0x9c: {  	_ =	strace s3  }
0x9d: {  	_ =	strace $0x8FFFFFFF  }
0x9e: {  	s18 =	sld [smem:$0x3FDB];
	_ =	sdelay $0x1  }
0x9f: {  	s19 =	simm.s32 $_scs_section_size  }
0xa0: {  	s5 =	simm.s32 $_size__tile_overlayer_lowered;
	s6 =	simm.s32 $_tile_overlayer_lowered  }
0xa1: {  	s22 =	simm.s32 $0x1BFF;
	s21 =	sshll.u32 s6, $0x1;
	s3 =	sadd.s32 s19, s18  }
0xa2: {  	s7 =	simm.s32 $0x0;
	s20 =	sshll.u32 s5, $0x1;
	s5 =	sadd.s32 s21, s3  }
0xa3: {  	[timem:s7], [sflag:s22] =	dma.local [hbm:s5], s20  }
0xa4: {  	_ =	swait.ge [sflag:s22], s20  }
0xa5: {  	s4 =	ssub.s32 $0x0, s20;
	[sflag:s22] =	ssyncset.done $0x0  }
0xa6: {  	[sflag:s22] =	ssyncadd.s32 s4;
	_ =	sdelay $0x1  }
0xa7: {  	s23 =	simm.s32 $0x1B8B  }
0xa8: {  	_ =	swait.ge [sflag:s23], $0x1  }
0xa9: {  	[sflag:s23] =	ssyncset.done $0x0  }
0xaa: {  	s25 =	simm.s32 $0x1B8E;
	s24 =	sld [smem:$0x3FFE];
	[sflag:s23] =	ssyncadd.s32 $0xFFFFFFFF  }
0xab: {  	s26 =	simm.s32 $execute0_lowered;
	[smem:$0x3FD2] =	sst s25  }
0xac: {  	s5 =	sshll.u32 s26, $0x1;
	_ =	strace $0x80000049;
	[dreg:$0x1] =	wrdreg $0xFFFFFFFF  }
0xad: {  	s28 =	simm.s32 $_size_execute0_lowered;
	s3 =	sadd.s32 s3, s5;
	[dreg:$0x0] =	wrdreg $0x0  }
0xae: {  	s5 =	sshll.u32 s28, $0x1;
	[dreg:$0x2] =	wrdreg s3  }
0xaf: {  	[dreg:$0x3] =	wrdreg s5  }
0xb0: {  	[dreg:$0x4] =	wrdreg $0xC0  }
0xb1: {  	_ =	task [dreg:s7], $0x5FFFF  }
0xb2: {  	[dreg:$0x1] =	wrdreg $0xFFFFFFFF  }
0xb3: {  	[dreg:$0x0] =	wrdreg $0x60  }
0xb4: {  	[dreg:$0x2] =	wrdreg s16  }
0xb5: {  	[dreg:$0x3] =	wrdreg s24  }
0xb6: {  	[dreg:$0x4] =	wrdreg $0xA  }
0xb7: {  	_ =	task.clear_ibuf [dreg:s7], $0x5FFFF;
	_ =	strace $0x90000049  }
0xb8: {  	s29 =	simm.s32 $0xA;
	_ =	strace $0x8000004B  }
0xb9: {  	_ =	swait.ge [sflag:s29], $0x1  }
0xba: {  	[sflag:s29] =	ssyncadd.s32 $0xFFFFFFFF  }
0xbb: {  	_ =	strace $0x9000004B  }
0xbc: {  	_ =	sfence  }
0xbd: {  	s30 =	sld [smem:$0x0];
	_ =	sdelay $0x2  }
0xbe: {  	s31 =	sshll.u32 s1, $0xD;
	s1 =	sshrl.u32 s1, $0x2  }
0xbf: {  	s3 =	sand.u32 $0x4000, s31;
	s1 =	sadd.s32 s1, s30  }
0xc0: {  	s0 =	sor.u32 s3, s0;
	s1 =	sshll.u32 s1, $0x11  }
0xc1: {  	s0 =	sor.u32 s1, s0  }
0xc2: {  	s0 =	sadd.s32 $0x8F2B, s0  }
0xc3: {  	[sflag:s0] =	ssyncadd.remote.s32 $0x1  }
0xc4: {  	_ =	sfence.sel $0xFFFF  }
0xc5: {  	[dreg:$0x0] =	wrdreg $0xFFFFFFFF;
	(pc) =	sbr.abs _section_cstart, $3  }
0xc6: {  	[dreg:$0x1] =	wrdreg $0xFFFFFFFF  }
0xc7: {  	_ =	task.clear_ibuf [dreg:s7], $0x2FFFF;
	_ =	strace $0x9FFFFFFF  }
0xc8: {  	(tm) =	ssettm $0x7FFFFFFF  }
0xc9: {  	_ =	shalt  }
tec
execute0_lowered:
.L_overlay_start_1:
0x0: {  	(tag) =	ssettag $0x1  }
0x1: {  	s0 =	stileid.u32;
	s1 =	srdreg.scid  }
0x2: {  	s1 =	sand.u32 $0x1, s1;
	s2 =	sshll.u32 s0, $0x1  }
0x3: {  	s1 =	sor.u32 s2, s1  }
0x4: {  	s2 =	smul.u32 $0x7D00, s1;
	_ =	sdelay $0x1  }
0x5: {  	s6 =	ssub.s32 $0x61A800, s2  }
0x6: {  	s3 =	rddreg [dreg:$0x0];
	s31 =	smulhi.u32 $0x83126F, s6  }
0x7: {  	s8 =	rddreg [dreg:$0x1];
	s5 =	simm.s32 $0x1  }
0x8: {  	s10 =	simm.s32 $0x3;
	s13 =	simm.s32 $0x0;
	s7 =	sshrl.u32 s31, $0xB  }
0x9: {  	s12 =	simm.s32 $0x0;
	s4 =	sadd.s32 $0xC3A00, s8;
	s9 =	smul.u32 $0xFA000, s7  }
.Ltmp0:
0xa: {  	s8 =	sadd.s32 $0x187000, s8;
	s1 =	rddreg [dreg:$0x2];
	(pc) =	sbr.rel .LBB2_1-.Ltmp0, $4  }
0xb: {  	_ =	strace $0x8000004A;
	p0 =	sne.s32 s6, s9;
	s9 =	simm.s32 $0x1  }
0xc: {  	[sflag:s5] =	ssyncpa.u1 $0x0;
	s6 =	simm.s32 $0x2;
	s9 =	simm.s32 @!p0 $0x0  }
0xd: {  	s11 =	smov.u32 s2;
	[sflag:s6] =	ssyncpa.u1 $0x0;
	s7 =	sadd.s32 s9, s7  }
0xe: {  	vm0 =	vmmov $0xffff;
	[sflag:s10] =	ssyncpa.u1 $0x0;
	s10 =	simm.s32 $0x0;
	s9 =	sadd.s32 $0x1, s7  }
.LBB2_4:
0xf: {  	v2 =	vnsel vm1, $0x0, v2  }
0x10: {  	vm1 =	vgt.s32 v0, $0x0;
	v2 =	vmin.u32 v2, $0x61A7FF  }
0x11: {  	v0 =	vnsel vm1, $0x0, v0  }
0x12: {  	v0 =	vmin.u32 v0, $0x61A7FF  }
0x13: {  	[tilespmem:s18], [sflag:$0x1] =	stream.indirect_vreg.gather [hbm4b:s3+s10], $0x1, v1, vm0, $0x4038;
	[tilespmem:$0x1F400] =	vst v63  }
0x14: {  	(ifvalue) =	ssetifvalue $0x7FFFFFFF  }
0x15: {  	[tilespmem:s15], [sflag:$0x1] =	stream.indirect_vreg.gather [hbm4b:s3+s10], $0x1, v2, vm0, $0x4038;
	[tilespmem:$0x1F400] =	vst v63  }
0x16: {  	s29 =	sadd.s32 $0x10, s15;
	(ifvalue) =	ssetifvalue $0x7FFFFFFF  }
0x17: {  	[tilespmem:s29], [sflag:$0x1] =	stream.indirect_vreg.gather [hbm4b:s3+s10], $0x1, v0, vm0, $0x4038;
	[tilespmem:$0x1F400] =	vst v63  }
0x18: {  	_ =	swait.ge [sflag:s5], $0x7D00  }
0x19: {  	s30 =	sshrl.u32 s13, $0x3;
	[sflag:s5] =	ssyncset.done $0x0  }
0x1a: {  	s31 =	sand.u32 $0x7, s13;
	s15 =	sadd.s32 s8, s30;
	[sflag:s5] =	ssyncadd.s32 $0xFFFF8300  }
0x1b: {  	[hbm4b:s15+s31] =	stream.linear.scatter [tilespmem:s14], [sflag:$0x3], $0x7D00, $0x38;
	[tilespmem:$0x1F400] =	vst v63  }
.LBB2_5:
0x1c: {  	s15 =	sadd.s32 $0xFA000, s11  }
0x1d: {  	p1 =	sgt.s32 s15, $0x61A7FF  }
0x1e: {  	s15 =	smov.u32 @p1 s2;
	p1 =	sne.s32 s12, s9  }
.Ltmp1:
0x1f: {  	p0 =	slt.u32 s12, $0x2;
	(pc) =	sbr.rel @!p1 .LBB2_6-.Ltmp1, $4  }
0x20: {  	s14 =	simm.s32 @!p0 $0x3  }
0x21: {  	_ =	swait.ge @!p0 [sflag:s14], $0x7D00  }
0x22: {  	s16 =	sadd.s32 $0x1, s12;
	s13 =	smov.u32 s11;
	[sflag:s14] =	ssyncset.done @!p0 $0x0  }
0x23: {  	s12 =	smov.u32 s16;
	s11 =	smov.u32 s15;
	[sflag:s14] =	ssyncadd.s32 @!p0 $0xFFFF8300  }
.LBB2_1:
0x24: {  	p0 =	sge.u32 s12, s7  }
0x25: {  	s14 =	sxor.u32 @!p0 $0xFFFFFFFF, s12  }
0x26: {  	s14 =	sand.u32 @!p0 $0x1, s14  }
0x27: {  	s14 =	smul.u32 @!p0 $0x1F400, s14  }
0x28: {  	s31 =	sadd.s32 $0xFFFFFFFF, s12;
	s15 =	sshrl.u32 @!p0 s11, $0x3  }
0x29: {  	s16 =	sand.u32 @!p0 $0x7, s11;
	s15 =	sadd.s32 @!p0 s4, s15;
	s14 =	sshrl.u32 @!p0 s14, $0x2  }
0x2a: {  	[tilespmem:s14], [sflag:$0x2] =	stream.linear.gather @!p0 [hbm4b:s15+s16], $0x7D00, $0x38;
	[tilespmem:$0x1F400] =	vst v63  }
0x2b: {  	p0 =	sge.u32 s31, s7  }
.Ltmp2:
0x2c: {  	_ = 	snop;
	(pc) =	sbr.rel @p0 .LBB2_5-.Ltmp2, $1  }
0x2d: {  	_ =	sdelay $0x3  }
0x2e: {  	s14 =	sand.u32 $0x1, s12  }
0x2f: {  	_ =	swait.ge [sflag:s6], $0x7D00;
	p0 =	seq.s32 s14, $0x1;
	s14 =	simm.s32 $0x7D00  }
0x30: {  	[sflag:s6] =	ssyncset.done $0x0;
	s14 =	simm.s32 @!p0 $0x0  }
0x31: {  	[sflag:s6] =	ssyncadd.s32 $0xFFFF8300;
	(ifvalue) =	ssetifvalue $0x7FFFFFFF;
	v0 =	vld.msk [tilespmem:s14+$0x0 ss:$0x1], $0xffff;
	_ =	sdelay $0x4  }
0x32: {  	s15 =	sadd.s32 $0x10, s14;
	vm1 =	vgt.s32 v0, $0x0  }
0x33: {  	v2 =	vld.msk [tilespmem:s15+$0x0 ss:$0x1], $0xffff;
	v1 =	vnsel vm1, $0x0, v0  }
0x34: {  	v1 =	vmin.u32 v1, $0x61A7FF;
	_ =	sdelay $0x2  }
0x35: {  	s17 =	simm.s32 $0x20;
	s14 =	sadd.s32 $0xFA00, s14;
	s16 =	sadd.s32 $0x10, s15  }
0x36: {  	s15 =	sadd.s32 $0x10, s14;
	s18 =	smov.u32 s14;
	v0 =	vld.msk [tilespmem:s16+$0x0 ss:$0x1], $0xffff;
	vm1 =	vgt.s32 v2, $0x0;
	(ifvalue) =	ssetifvalue $0x7FFFFFFF  }
.LBB2_3:
0x37: {  	[tilespmem:s18], [sflag:$0x1] =	stream.indirect_vreg.gather [hbm4b:s3+s10], $0x1, v1, vm0, $0x4038;
	[tilespmem:$0x1F400] =	vst v63  }
0x38: {  	s17 =	sadd.s32 $0x10, s17  }
0x39: {  	v2 =	vnsel vm1, $0x0, v2;
	p0 =	slt.u32 s17, $0x7CF0  }
.Ltmp3:
0x3a: {  	s18 =	smov.u32 s15;
	v1 =	vmin.u32 v2, $0x61A7FF;
	(pc) =	sbr.rel @p0 .LBB2_3-.Ltmp3, $3  }
0x3b: {  	_ =	sdelay $0x1  }
0x3c: {  	s16 =	sadd.s32 $0x10, s16  }
0x3d: {  	vm1 =	vgt.s32 v0, $0x0;
	s15 =	sadd.s32 $0x10, s15;
	v2 =	vmov v0;
	(ifvalue) =	ssetifvalue $0x7FFFFFFF;
	v0 =	vld.msk [tilespmem:s16+$0x0 ss:$0x1], $0xffff  }
.Ltmp4:
0x3e: {  	_ = 	snop;
	(pc) =	sbr.rel .LBB2_4-.Ltmp4, $1  }
0x3f: {  	_ =	sdelay $0x3  }
.LBB2_6:
0x40: {  	_ =	sfence.sel $0x180000  }
0x41: {  	s2 =	simm.s32 $0x2;
	[bflag:$0x0] =	sbarrier.arrive $0xFFFF  }
0x42: {  	s30 =	simm.s32 $0x3;
	[sflag:s2] =	ssyncpa.u1 $0x1  }
0x43: {  	s31 =	simm.s32 $0x1;
	[sflag:s30] =	ssyncpa.u1 $0x1  }
0x44: {  	[sflag:s31] =	ssyncpa.u1 $0x1  }
0x45: {  	p0 =	sne.s32 s0, $0x0;
	_ =	strace $0x9000004A  }
0x46: {  	s0 =	sadd.s32 @!p0 $0x100000, s1;
	[bflag:$0x2] =	sbarrier.arrive $0xFFFF  }
0x47: {  	[sflag:s0] =	ssyncadd.tile.s32 @!p0 $0x1;
	_ =	shalt  }
.Lfunc_end2:
_tile_overlayer_lowered:
.L_overlay_start_2:
0x48: {  	(tag) =	ssettag $0x2  }
0x49: {  	s0 =	rddreg [dreg:$0x0];
	s2 =	stileid.u32  }
0x4a: {  	s1 =	rddreg [dreg:$0x1];
	p0 =	sne.s32 s2, $0x0  }
0x4b: {  	s3 =	rddreg [dreg:$0x2];
	[bflag:$0x3] =	sbarrier.arrive $0xFFFF;
	s2 =	simm.s32 @!p0 $0x1C01  }
0x4c: {  	[timem:s3], [sflag:s2] =	dma.local @!p0 [hbm:s0], s1  }
0x4d: {  	s0 =	simm.s32 @!p0 $0x1  }
0x4e: {  	_ =	swait.ge @!p0 [sflag:s0], s1  }
0x4f: {  	s1 =	ssub.s32 @!p0 $0x0, s1;
	[sflag:s0] =	ssyncset.done @!p0 $0x0  }
0x50: {  	[sflag:s0] =	ssyncadd.s32 @!p0 s1  }
0x51: {  	[bflag:$0x3] =	sbarrier.arrive $0xFFFF  }
0x52: {  	_ =	shalt  }

// kernel: gather_offload_async_start.2
scs
__scs_entry_jumppad:
0x0: {  	(pc) =	sbr.rel $0x88, $3  }
0x1: {  	(tag) =	ssettag $0x0;
	lr =	simm.s32 $0x1  }
0x2: {  	[smem:$0x3F9E] =	sst lr;
	_ =	strace $0xD0000000  }
0x3: {  	_ = 	snop  }
0x4: {  	_ = 	snop  }
0x5: {  	_ = 	snop  }
0x6: {  	_ = 	snop  }
0x7: {  	_ = 	snop  }
__scs_overlays_trampoline_lowered:
0x8: {  	[smem:$0x3FAD] =	sst s0  }
0x9: {  	[smem:$0x3FAE] =	sst s1  }
0xa: {  	[smem:$0x3FAF] =	sst s2  }
0xb: {  	[smem:$0x3FB0] =	sst s3  }
0xc: {  	[smem:$0x3FB1] =	sst s4  }
0xd: {  	[smem:$0x3FB2] =	sst s5  }
0xe: {  	[smem:$0x3FB3] =	sst s6  }
0xf: {  	[smem:$0x3FB4] =	sst s7  }
0x10: {  	[smem:$0x3FB5] =	sst s8  }
0x11: {  	[smem:$0x3FB6] =	sst s9;
	s0 =	simm.s32 @!p0 $0x0  }
0x12: {  	s1 =	sld [smem:$0x3F9C];
	s0 =	simm.s32 @p0 $0x1  }
0x13: {  	[smem:$0x3FB7] =	sst s0;
	s0 =	simm.s32 @!p1 $0x0  }
0x14: {  	s2 =	sld [smem:$0x3F9B];
	s0 =	simm.s32 @p1 $0x1  }
0x15: {  	[smem:$0x3FB8] =	sst s0;
	s0 =	simm.s32 @!p2 $0x0  }
0x16: {  	s3 =	sld [smem:$0x3FDB];
	s0 =	simm.s32 @p2 $0x1  }
0x17: {  	s4 =	simm.s32 $0x1BF5;
	[smem:$0x3FBA] =	sst s0  }
0x18: {  	s0 =	sld [smem:$0x3F9D];
	_ =	swait.ge [sflag:s4], $0x0  }
0x19: {  	s7 =	sld [smem:$0x3F9E]  }
0x1a: {  	s8 =	sadd.s32 $0xFFFFE003, lr  }
0x1b: {  	s9 =	sadd.s32 $0xFFFFFEF7, lr;
	s5 =	simm.s32 $0xFFFFFFFF;
	p2 =	slt.u32 s8, $0xFFFFF086  }
0x1c: {  	p1 =	slt.u32 s9, $0xF7A;
	s5 =	simm.s32 @!p2 $0x0  }
0x1d: {  	s5 =	simm.s32 @p1 $0x1;
	p0 =	seq.s32 s7, s2  }
0x1e: {  	s7 =	smul.u32 @!p0 $0xF7A, s2;
	p2 =	seq.s32 @!p0 s5, $0x0  }
0x1f: {  	s9 =	smul.u32 $0xF7A, s1;
	s8 =	simm.s32 @!p0 $0x1BF5;
	p2 =	por !p2, p0  }
0x20: {  	[sflag:s8] =	ssyncset.s32 @!p0 $0xFFFFF086;
	s6 =	sadd.s32 @!p0 s3, s7;
	s7 =	simm.s32 @!p0 $0x108  }
0x21: {  	s3 =	sadd.s32 s3, s9;
	s6 =	sadd.s32 @!p0 $0x88, s6;
	s7 =	simm.s32 @p2 $0x1082  }
0x22: {  	[simem:s7], [sflag:s8] =	dma.local @!p0 [hbm:s6], $0xF7A  }
0x23: {  	s9 =	sor.u32 $0xD0000000, s2;
	s6 =	simm.s32 $0x108;
	_ =	swait.ge @!p0 [sflag:s8], $0x0  }
0x24: {  	s3 =	sadd.s32 $0x88, s3;
	s6 =	simm.s32 @!p1 $0x1082;
	[sflag:s4] =	ssyncset.s32 $0xFFFFF086  }
0x25: {  	[simem:s6], [sflag:s4] =	dma.local [hbm:s3], $0xF7A  }
0x26: {  	[smem:$0x3F9E] =	sst s1;
	(tag) =	ssettag s2;
	_ =	strace s9  }
0x27: {  	s1 =	sld [smem:$0x3FAE]  }
0x28: {  	s2 =	sld [smem:$0x3FAF]  }
0x29: {  	s4 =	sld [smem:$0x3FB1]  }
0x2a: {  	p0 =	seq.s32 s5, $0x0;
	s5 =	sld [smem:$0x3FB2]  }
0x2b: {  	s6 =	sld [smem:$0x3FB3]  }
0x2c: {  	s7 =	sld [smem:$0x3FB4]  }
0x2d: {  	s3 =	simm.s32 $0x108;
	s8 =	sld [smem:$0x3FB5]  }
0x2e: {  	s3 =	simm.s32 @!p0 $0x1082;
	s9 =	sld [smem:$0x3FB6]  }
0x2f: {  	lr =	sadd.s32 s0, s3;
	s0 =	sld [smem:$0x3FAD]  }
0x30: {  	s3 =	sld [smem:$0x3FB0]  }
0x31: {  	[smem:$0x3FB9] =	sst s10  }
0x32: {  	s10 =	sld [smem:$0x3FB7];
	_ =	sdelay $0x3  }
0x33: {  	p0 =	seq.s32 s10, $0x1;
	s10 =	sld [smem:$0x3FB9];
	_ =	sdelay $0x3  }
0x34: {  	[smem:$0x3FB9] =	sst s10  }
0x35: {  	s10 =	sld [smem:$0x3FB8];
	_ =	sdelay $0x3  }
0x36: {  	p1 =	seq.s32 s10, $0x1;
	s10 =	sld [smem:$0x3FB9];
	_ =	sdelay $0x3  }
0x37: {  	[smem:$0x3FB9] =	sst s10  }
0x38: {  	s10 =	sld [smem:$0x3FBA]  }
0x39: {  	_ = 	snop;
	(pc) =	sbr.ind lr, $3  }
0x3a: {  	_ = 	snop  }
0x3b: {  	_ = 	snop  }
0x3c: {  	p2 =	seq.s32 s10, $0x1;
	s10 =	sld [smem:$0x3FB9]  }
0x3d: {  	_ =	shalt  }
0x3e: {  	_ =	shalt  }
0x3f: {  	_ =	shalt  }
0x40: {  	_ =	shalt  }
0x41: {  	_ =	shalt  }
0x42: {  	_ =	shalt  }
0x43: {  	_ =	shalt  }
0x44: {  	_ =	shalt  }
0x45: {  	_ =	shalt  }
0x46: {  	_ =	shalt  }
0x47: {  	_ =	shalt  }
0x48: {  	_ =	shalt  }
0x49: {  	_ =	shalt  }
0x4a: {  	_ =	shalt  }
0x4b: {  	_ =	shalt  }
0x4c: {  	_ =	shalt  }
0x4d: {  	_ =	shalt  }
0x4e: {  	_ =	shalt  }
0x4f: {  	_ =	shalt  }
0x50: {  	_ =	shalt  }
0x51: {  	_ =	shalt  }
0x52: {  	_ =	shalt  }
0x53: {  	_ =	shalt  }
0x54: {  	_ =	shalt  }
0x55: {  	_ =	shalt  }
0x56: {  	_ =	shalt  }
0x57: {  	_ =	shalt  }
0x58: {  	_ =	shalt  }
0x59: {  	_ =	shalt  }
0x5a: {  	_ =	shalt  }
0x5b: {  	_ =	shalt  }
0x5c: {  	_ =	shalt  }
0x5d: {  	_ =	shalt  }
0x5e: {  	_ =	shalt  }
0x5f: {  	_ =	shalt  }
0x60: {  	_ =	shalt  }
0x61: {  	_ =	shalt  }
0x62: {  	_ =	shalt  }
0x63: {  	_ =	shalt  }
0x64: {  	_ =	shalt  }
0x65: {  	_ =	shalt  }
0x66: {  	_ =	shalt  }
0x67: {  	_ =	shalt  }
0x68: {  	_ =	shalt  }
0x69: {  	_ =	shalt  }
0x6a: {  	_ =	shalt  }
0x6b: {  	_ =	shalt  }
0x6c: {  	_ =	shalt  }
0x6d: {  	_ =	shalt  }
0x6e: {  	_ =	shalt  }
0x6f: {  	_ =	shalt  }
0x70: {  	_ =	shalt  }
0x71: {  	_ =	shalt  }
0x72: {  	_ =	shalt  }
0x73: {  	_ =	shalt  }
0x74: {  	_ =	shalt  }
0x75: {  	_ =	shalt  }
0x76: {  	_ =	shalt  }
0x77: {  	_ =	shalt  }
0x78: {  	_ =	shalt  }
0x79: {  	_ =	shalt  }
0x7a: {  	_ =	shalt  }
0x7b: {  	_ =	shalt  }
0x7c: {  	_ =	shalt  }
0x7d: {  	_ =	shalt  }
0x7e: {  	_ =	shalt  }
0x7f: {  	_ =	shalt  }
0x80: {  	_ =	shalt  }
0x81: {  	_ =	shalt  }
0x82: {  	_ =	shalt  }
0x83: {  	_ =	shalt  }
0x84: {  	_ =	shalt  }
0x85: {  	_ =	shalt  }
0x86: {  	_ =	shalt  }
0x87: {  	_ =	shalt  }
.Lfunc_end0:
.L_simem_size_0:
called_computation.4_lowered:
.L_overlay_start_0:
0x88: {  	s2 =	sld [smem:$0x3FD9]  }
0x89: {  	s3 =	sld [smem:$0x3FFE];
	_ =	sdelay $0x1  }
0x8a: {  	s1 =	srdreg.scid  }
0x8b: {  	s0 =	sand.u32 $0x1, s1  }
0x8c: {  	s15 =	sshll.u32 s0, $0xA;
	s2 =	sadd.s32 s3, s2  }
0x8d: {  	s2 =	sadd.s32 s2, s15  }
0x8e: {  	[smem:$0x3FC5] =	sst s2  }
0x8f: {  	_ = 	snop  }
0x90: {  	s2 =	sld [smem:$0x3FD0];
	_ =	sdelay $0x2  }
0x91: {  	s16 =	simm.s32 $0xB;
	s4 =	simm.s32 $0x10  }
0x92: {  	[smem:s4], [sflag:s16] =	dma.local [hbm:s2], $0x1  }
0x93: {  	_ =	swait.eq [sflag:s16], $0x1  }
0x94: {  	[sflag:s16] =	ssyncset.done $0x0  }
0x95: {  	[sflag:s16] =	ssyncadd.s32 $0xFFFFFFFF  }
0x96: {  	s17 =	sld [smem:$0x12];
	(tm) =	ssettm $0x1  }
0x97: {  	s18 =	sld [smem:$0x3FFB];
	_ =	sdelay $0x3  }
0x98: {  	_ =	strace s18  }
0x99: {  	s2 =	sld [smem:$0x3FFC];
	_ =	sdelay $0x3  }
0x9a: {  	_ =	strace s2  }
0x9b: {  	s2 =	sld [smem:$0x3FFD];
	_ =	sdelay $0x3  }
0x9c: {  	_ =	strace s2  }
0x9d: {  	_ =	strace $0x8FFFFFFF  }
0x9e: {  	s19 =	sld [smem:$0x3FDB];
	_ =	sdelay $0x1  }
0x9f: {  	s20 =	simm.s32 $_scs_section_size  }
0xa0: {  	s5 =	simm.s32 $_size__tile_overlayer_lowered;
	s6 =	simm.s32 $_tile_overlayer_lowered  }
0xa1: {  	s7 =	simm.s32 $0x1BFF;
	s21 =	sshll.u32 s6, $0x1;
	s4 =	sadd.s32 s20, s19  }
0xa2: {  	s22 =	simm.s32 $0x0;
	s5 =	sshll.u32 s5, $0x1;
	s6 =	sadd.s32 s21, s4  }
0xa3: {  	[timem:s22], [sflag:s7] =	dma.local [hbm:s6], s5  }
0xa4: {  	_ =	swait.ge [sflag:s7], s5  }
0xa5: {  	s5 =	ssub.s32 $0x0, s5;
	[sflag:s7] =	ssyncset.done $0x0  }
0xa6: {  	[sflag:s7] =	ssyncadd.s32 s5;
	_ =	sdelay $0x1  }
0xa7: {  	s23 =	simm.s32 $0x1B8B  }
0xa8: {  	_ =	swait.ge [sflag:s23], $0x1  }
0xa9: {  	[sflag:s23] =	ssyncset.done $0x0  }
0xaa: {  	[sflag:s23] =	ssyncadd.s32 $0xFFFFFFFF  }
0xab: {  	s5 =	sld [smem:$0x0]  }
0xac: {  	s6 =	sand.u32 $0xFFFFFFFE, s1  }
0xad: {  	p0 =	sne.s32 s1, s6  }
0xae: {  	s6 =	sshll.u32 @p0 s6, $0xE  }
0xaf: {  	s6 =	sadd.s32 @p0 $0x11B8D, s6;
	s7 =	sshll.u32 @p0 s5, $0x11  }
0xb0: {  	s6 =	sor.u32 @p0 s7, s6  }
0xb1: {  	[sflag:s6] =	ssyncadd.remote.s32 @p0 $0x1;
	_ =	sdelay $0x1  }
0xb2: {  	s6 =	simm.s32 @p0 $0x1B8D  }
0xb3: {  	_ =	swait.eq @p0 [sflag:s6], $0x1  }
0xb4: {  	[sflag:s6] =	ssyncadd.s32 @p0 $0xFFFFFFFF  }
0xb5: {  	s7 =	sshll.u32 @!p0 s1, $0xE  }
0xb6: {  	s7 =	sor.u32 @!p0 $0x4000, s7;
	s6 =	simm.s32 @!p0 $0x1B8D  }
0xb7: {  	s5 =	sshll.u32 @!p0 s5, $0x11;
	s7 =	sadd.s32 @!p0 $0x11B8D, s7;
	_ =	swait.eq @!p0 [sflag:s6], $0x1  }
0xb8: {  	s5 =	sor.u32 @!p0 s5, s7;
	[sflag:s6] =	ssyncadd.s32 @!p0 $0xFFFFFFFF  }
0xb9: {  	s25 =	simm.s32 $0x1B8E;
	s24 =	sld [smem:$0x3FFE];
	[sflag:s5] =	ssyncadd.remote.s32 @!p0 $0x1  }
0xba: {  	s26 =	simm.s32 $execute0_lowered;
	[smem:$0x3FD2] =	sst s25  }
0xbb: {  	s6 =	sshll.u32 s26, $0x1;
	_ =	strace $0x8000004F;
	[dreg:$0x1] =	wrdreg $0xFFFFFFFF  }
0xbc: {  	s28 =	simm.s32 $_size_execute0_lowered;
	s4 =	sadd.s32 s4, s6;
	[dreg:$0x0] =	wrdreg $0x0  }
0xbd: {  	s6 =	sshll.u32 s28, $0x1;
	[dreg:$0x2] =	wrdreg s4  }
0xbe: {  	[dreg:$0x3] =	wrdreg s6  }
0xbf: {  	[dreg:$0x4] =	wrdreg $0xC0  }
0xc0: {  	_ =	task [dreg:s22], $0x5FFFF  }
0xc1: {  	[dreg:$0x1] =	wrdreg $0xFFFFFFFF  }
0xc2: {  	[dreg:$0x0] =	wrdreg $0x60  }
0xc3: {  	[dreg:$0x2] =	wrdreg s17  }
0xc4: {  	[dreg:$0x3] =	wrdreg s24  }
0xc5: {  	[dreg:$0x4] =	wrdreg $0xA  }
0xc6: {  	_ =	task.clear_ibuf [dreg:s22], $0x5FFFF;
	_ =	strace $0x9000004F  }
0xc7: {  	s29 =	simm.s32 $0xA;
	_ =	strace $0x80000051  }
0xc8: {  	_ =	swait.ge [sflag:s29], $0x1  }
0xc9: {  	[sflag:s29] =	ssyncadd.s32 $0xFFFFFFFF  }
0xca: {  	_ =	strace $0x90000051  }
0xcb: {  	_ =	sfence  }
0xcc: {  	s30 =	sld [smem:$0x0];
	_ =	sdelay $0x2  }
0xcd: {  	s31 =	sshll.u32 s1, $0xD;
	s1 =	sshrl.u32 s1, $0x2  }
0xce: {  	s4 =	sand.u32 $0x4000, s31;
	s1 =	sadd.s32 s1, s30  }
0xcf: {  	s0 =	sor.u32 s4, s0;
	s1 =	sshll.u32 s1, $0x11  }
0xd0: {  	s0 =	sor.u32 s1, s0  }
0xd1: {  	s0 =	sadd.s32 $0x8F2B, s0  }
0xd2: {  	[sflag:s0] =	ssyncadd.remote.s32 $0x1  }
0xd3: {  	_ =	sfence.sel $0xFFFF  }
0xd4: {  	[dreg:$0x0] =	wrdreg $0xFFFFFFFF;
	(pc) =	sbr.abs _section_cstart, $3  }
0xd5: {  	[dreg:$0x1] =	wrdreg $0xFFFFFFFF  }
0xd6: {  	_ =	task.clear_ibuf [dreg:s22], $0x2FFFF;
	_ =	strace $0x9FFFFFFF  }
0xd7: {  	(tm) =	ssettm $0x7FFFFFFF  }
tec
execute0_lowered:
.L_overlay_start_1:
0x0: {  	(tag) =	ssettag $0x1  }
0x1: {  	s0 =	stileid.u32;
	s1 =	srdreg.scid  }
0x2: {  	s1 =	sand.u32 $0x1, s1;
	s2 =	sshll.u32 s0, $0x1  }
0x3: {  	s1 =	sor.u32 s2, s1  }
0x4: {  	s2 =	smul.u32 $0x1900, s1;
	_ =	sdelay $0x1  }
0x5: {  	s6 =	ssub.s32 $0x61A800, s2  }
0x6: {  	s3 =	rddreg [dreg:$0x0];
	s31 =	smulhi.u32 $0xA3D70B, s6  }
0x7: {  	s8 =	rddreg [dreg:$0x1];
	s5 =	simm.s32 $0x1  }
0x8: {  	s10 =	simm.s32 $0x3;
	s13 =	simm.s32 $0x0;
	s7 =	sshrl.u32 s31, $0x9  }
0x9: {  	s12 =	simm.s32 $0x0;
	s4 =	sadd.s32 $0xC3A00, s8;
	s9 =	smul.u32 $0x32000, s7  }
.Ltmp0:
0xa: {  	s8 =	sadd.s32 $0x187000, s8;
	s1 =	rddreg [dreg:$0x2];
	(pc) =	sbr.rel .LBB2_1-.Ltmp0, $4  }
0xb: {  	_ =	strace $0x80000050;
	p0 =	sne.s32 s6, s9;
	s9 =	simm.s32 $0x1  }
0xc: {  	[sflag:s5] =	ssyncpa.u1 $0x0;
	s6 =	simm.s32 $0x2;
	s9 =	simm.s32 @!p0 $0x0  }
0xd: {  	s11 =	smov.u32 s2;
	[sflag:s6] =	ssyncpa.u1 $0x0;
	s7 =	sadd.s32 s9, s7  }
0xe: {  	vm0 =	vmmov $0xffff;
	v0 =	vlaneseq.u32;
	[sflag:s10] =	ssyncpa.u1 $0x0;
	s10 =	simm.s32 $0x0;
	s9 =	sadd.s32 $0x1, s7  }
.LBB2_4:
0xf: {  	_ =	sdelay $0x3  }
0x10: {  	[tilespmem:s22], [sflag:$0x1] =	stream.indirect_vreg.gather [hbm4b:s3+s10], $0x1, v1, vm0, $0x4038;
	[tilespmem:$0xFA00] =	vst v63  }
0x11: {  	s15 =	sadd.s32 s19, s15  }
0x12: {  	v1 =	vld.msk [tilespmem:s15+$0x0 ss:$0x1], $0xffff;
	_ =	sdelay $0x4  }
0x13: {  	vm1 =	vgt.s32 v1, $0x0  }
0x14: {  	p0 =	sgt.s32 s18, $0x0;
	v1 =	vnsel vm1, $0x0, v1  }
0x15: {  	s18 =	simm.s32 @!p0 $0x0;
	v1 =	vmin.u32 v1, $0x61A7FF  }
0x16: {  	s25 =	smin.u32 s18, $0x10;
	v2 =	vshll.u32 v1, $0x2  }
0x17: {  	v3 =	vmov s25;
	v1 =	vand.u32 $0x7F, v1;
	v2 =	vand.u32 $0x1FFFE00, v2  }
0x18: {  	vm1 =	vgt.u32 v3, v0;
	v1 =	vor.u32 v1, v2  }
0x19: {  	v2 =	vnsel vm1, $0x7FFFFFFF, v1;
	_ =	sdelay $0x1  }
0x1a: {  	s26 =	sand.u32 $0x7E00, s16;
	v3 =	vor.u32 $0x80, v1  }
0x1b: {  	s28 =	sand.u32 $0x70, s17;
	(ifvalue) =	ssetifvalue $0x7FFFFFFF;
	s15 =	sadd.s32 s26, s14;
	v3 =	vnsel vm1, $0x7FFFFFFF, v3  }
0x1c: {  	s15 =	sadd.s32 s28, s15;
	(ifvalue) =	ssetifvalue $0x7FFFFFFF  }
0x1d: {  	v4 =	vor.u32 $0x100, v1;
	[tilespmem:s15], [sflag:$0x1] =	stream.indirect_vreg.gather [hbm4b:s3+s10], $0x1, v2, vm0, $0x4038;
	[tilespmem:$0xFA00] =	vst v63  }
0x1e: {  	(ifvalue) =	ssetifvalue $0x7FFFFFFF;
	v2 =	vnsel vm1, $0x7FFFFFFF, v4  }
0x1f: {  	s16 =	sadd.s32 $0x80, s15;
	(ifvalue) =	ssetifvalue $0x7FFFFFFF  }
0x20: {  	v1 =	vor.u32 $0x180, v1;
	[tilespmem:s16], [sflag:$0x1] =	stream.indirect_vreg.gather [hbm4b:s3+s10], $0x1, v3, vm0, $0x4038;
	[tilespmem:$0xFA00] =	vst v63  }
0x21: {  	v1 =	vnsel vm1, $0x7FFFFFFF, v1;
	(ifvalue) =	ssetifvalue $0x7FFFFFFF  }
0x22: {  	s29 =	sadd.s32 $0x100, s15;
	(ifvalue) =	ssetifvalue $0x7FFFFFFF  }
0x23: {  	[tilespmem:s29], [sflag:$0x1] =	stream.indirect_vreg.gather [hbm4b:s3+s10], $0x1, v2, vm0, $0x4038;
	[tilespmem:$0xFA00] =	vst v63  }
0x24: {  	(ifvalue) =	ssetifvalue $0x7FFFFFFF  }
0x25: {  	s30 =	sshll.u32 s13, $0x2;
	s15 =	sadd.s32 $0x180, s15;
	(ifvalue) =	ssetifvalue $0x7FFFFFFF  }
0x26: {  	[tilespmem:s15], [sflag:$0x1] =	stream.indirect_vreg.gather [hbm4b:s3+s10], $0x1, v1, vm0, $0x4038;
	[tilespmem:$0xFA00] =	vst v63  }
0x27: {  	s31 =	sand.u32 $0x78, s13;
	s15 =	sand.u32 $0xFFFFFE00, s30  }
0x28: {  	_ =	swait.ge [sflag:s5], $0x6400;
	s13 =	sor.u32 s31, s15  }
0x29: {  	[sflag:s5] =	ssyncset.done $0x0;
	s13 =	sshrl.u32 s13, $0x3  }
0x2a: {  	[sflag:s5] =	ssyncadd.s32 $0xFFFF9C00;
	s13 =	sadd.s32 s8, s13  }
0x2b: {  	[hbm:s13] =	stream.linear.scatter [tilespmem:s14], [sflag:$0x3], $0x6400, $0x38;
	[tilespmem:$0xFA00] =	vst v63  }
.LBB2_5:
0x2c: {  	s15 =	sadd.s32 $0x32000, s11  }
0x2d: {  	p1 =	sgt.s32 s15, $0x61A7FF  }
0x2e: {  	s15 =	smov.u32 @p1 s2;
	p1 =	sne.s32 s12, s9  }
.Ltmp1:
0x2f: {  	p0 =	slt.u32 s12, $0x2;
	(pc) =	sbr.rel @!p1 .LBB2_6-.Ltmp1, $4  }
0x30: {  	s14 =	simm.s32 @!p0 $0x3  }
0x31: {  	_ =	swait.ge @!p0 [sflag:s14], $0x6400  }
0x32: {  	s16 =	sadd.s32 $0x1, s12;
	s13 =	smov.u32 s11;
	[sflag:s14] =	ssyncset.done @!p0 $0x0  }
0x33: {  	s12 =	smov.u32 s16;
	s11 =	smov.u32 s15;
	[sflag:s14] =	ssyncadd.s32 @!p0 $0xFFFF9C00  }
.LBB2_1:
0x34: {  	p0 =	sge.u32 s12, s7  }
0x35: {  	s14 =	sxor.u32 @!p0 $0xFFFFFFFF, s12  }
0x36: {  	s14 =	sand.u32 @!p0 $0x1, s14  }
0x37: {  	s14 =	smul.u32 @!p0 $0x6400, s14  }
0x38: {  	s31 =	sadd.s32 $0xFFFFFFFF, s12;
	s15 =	sshrl.u32 @!p0 s11, $0x3  }
0x39: {  	s16 =	sand.u32 @!p0 $0x7, s11;
	s15 =	sadd.s32 @!p0 s4, s15;
	s14 =	sshrl.u32 @!p0 s14, $0x2  }
0x3a: {  	[tilespmem:s14], [sflag:$0x2] =	stream.linear.gather @!p0 [hbm4b:s15+s16], $0x1900, $0x38;
	[tilespmem:$0xFA00] =	vst v63  }
0x3b: {  	p0 =	sge.u32 s31, s7  }
.Ltmp2:
0x3c: {  	_ = 	snop;
	(pc) =	sbr.rel @p0 .LBB2_5-.Ltmp2, $1  }
0x3d: {  	_ =	sdelay $0x3  }
0x3e: {  	s14 =	sand.u32 $0x1, s12  }
0x3f: {  	p0 =	seq.s32 s14, $0x1;
	s14 =	simm.s32 $0x6400  }
0x40: {  	_ =	swait.ge [sflag:s6], $0x1900;
	s14 =	simm.s32 @!p0 $0x0  }
0x41: {  	[sflag:s6] =	ssyncset.done $0x0;
	s15 =	sshrl.u32 s14, $0x2  }
0x42: {  	[sflag:s6] =	ssyncadd.s32 $0xFFFFE700;
	s16 =	sadd.s32 $0x0, s15  }
0x43: {  	v1 =	vld.msk [tilespmem:s16+$0x0 ss:$0x1], $0xffff;
	_ =	sdelay $0x2  }
0x44: {  	s17 =	ssub.s32 $0x61A800, s13  }
0x45: {  	p0 =	slt.s32 s17, $0x1900  }
0x46: {  	s17 =	simm.s32 @!p0 $0x1900;
	vm1 =	vgt.s32 v1, $0x0  }
0x47: {  	p0 =	sgt.s32 s17, $0x0;
	s16 =	smov.u32 s17;
	v1 =	vnsel vm1, $0x0, v1  }
0x48: {  	s16 =	simm.s32 @!p0 $0x0;
	v1 =	vmin.u32 v1, $0x61A7FF  }
0x49: {  	s16 =	smin.u32 s16, $0x10;
	v2 =	vshll.u32 v1, $0x2  }
0x4a: {  	v3 =	vmov s16;
	v1 =	vand.u32 $0x7F, v1;
	v2 =	vand.u32 $0x1FFFE00, v2  }
0x4b: {  	vm1 =	vgt.u32 v3, v0;
	v1 =	vor.u32 v1, v2  }
0x4c: {  	v2 =	vnsel vm1, $0x7FFFFFFF, v1  }
0x4d: {  	s31 =	simm.s32 $0x0  }
0x4e: {  	s18 =	sand.u32 $0x7E00, s31;
	s14 =	sadd.s32 $0x3200, s14;
	v3 =	vor.u32 $0x80, v1  }
0x4f: {  	s18 =	sadd.s32 s18, s14;
	(ifvalue) =	ssetifvalue $0x7FFFFFFF;
	s16 =	sand.u32 $0x70, s31;
	v3 =	vnsel vm1, $0x7FFFFFFF, v3  }
0x50: {  	(ifvalue) =	ssetifvalue $0x7FFFFFFF;
	s20 =	sadd.s32 s16, s18  }
0x51: {  	v4 =	vor.u32 $0x100, v1;
	[tilespmem:s20], [sflag:$0x1] =	stream.indirect_vreg.gather [hbm4b:s3+s10], $0x1, v2, vm0, $0x4038;
	[tilespmem:$0xFA00] =	vst v63  }
0x52: {  	(ifvalue) =	ssetifvalue $0x7FFFFFFF;
	v2 =	vnsel vm1, $0x7FFFFFFF, v4  }
0x53: {  	s16 =	sadd.s32 $0x80, s20;
	(ifvalue) =	ssetifvalue $0x7FFFFFFF  }
0x54: {  	v1 =	vor.u32 $0x180, v1;
	[tilespmem:s16], [sflag:$0x1] =	stream.indirect_vreg.gather [hbm4b:s3+s10], $0x1, v3, vm0, $0x4038;
	[tilespmem:$0xFA00] =	vst v63  }
0x55: {  	s19 =	simm.s32 $0x10;
	v1 =	vnsel vm1, $0x7FFFFFFF, v1;
	(ifvalue) =	ssetifvalue $0x7FFFFFFF  }
0x56: {  	s21 =	simm.s32 $0x80;
	s18 =	sadd.s32 $0x100, s20;
	(ifvalue) =	ssetifvalue $0x7FFFFFFF  }
0x57: {  	[tilespmem:s18], [sflag:$0x1] =	stream.indirect_vreg.gather [hbm4b:s3+s10], $0x1, v2, vm0, $0x4038;
	[tilespmem:$0xFA00] =	vst v63  }
0x58: {  	s22 =	sadd.s32 $0x180, s20;
	s16 =	simm.s32 $0x40;
	(ifvalue) =	ssetifvalue $0x7FFFFFFF  }
0x59: {  	s18 =	sadd.s32 $0xFFFFFFF0, s17;
	s17 =	simm.s32 $0x10;
	(ifvalue) =	ssetifvalue $0x7FFFFFFF  }
.LBB2_3:
0x5a: {  	[tilespmem:s22], [sflag:$0x1] =	stream.indirect_vreg.gather [hbm4b:s3+s10], $0x1, v1, vm0, $0x4038;
	[tilespmem:$0xFA00] =	vst v63  }
0x5b: {  	s22 =	smov.u32 s21  }
0x5c: {  	s20 =	sadd.s32 $0x40, s21;
	s23 =	sadd.s32 s19, s15;
	s19 =	sshra.s32 s22, $0x2  }
0x5d: {  	p0 =	sne.s32 s21, $0x63C0;
	v1 =	vld.msk [tilespmem:s23+$0x0 ss:$0x1], $0xffff  }
0x5e: {  	(ifvalue) =	ssetifvalue $0x7FFFFFFF;
	_ =	sdelay $0x4  }
0x5f: {  	vm1 =	vgt.s32 v1, $0x0  }
0x60: {  	p1 =	sgt.s32 s18, $0x0;
	s21 =	smov.u32 s18;
	v1 =	vnsel vm1, $0x0, v1  }
0x61: {  	s21 =	simm.s32 @!p1 $0x0;
	v1 =	vmin.u32 v1, $0x61A7FF  }
0x62: {  	s21 =	smin.u32 s21, $0x10;
	v2 =	vshll.u32 v1, $0x2  }
0x63: {  	v3 =	vmov s21;
	v1 =	vand.u32 $0x7F, v1;
	v2 =	vand.u32 $0x1FFFE00, v2  }
0x64: {  	vm1 =	vgt.u32 v3, v0;
	v1 =	vor.u32 v1, v2  }
0x65: {  	v2 =	vnsel vm1, $0x7FFFFFFF, v1;
	v3 =	vor.u32 $0x80, v1;
	v4 =	vor.u32 $0x100, v1  }
0x66: {  	v1 =	vor.u32 $0x180, v1  }
0x67: {  	s21 =	sand.u32 $0x7E00, s16;
	s16 =	smov.u32 s22  }
0x68: {  	s22 =	sand.u32 $0x70, s17;
	s21 =	sadd.s32 s21, s14;
	v3 =	vnsel vm1, $0x7FFFFFFF, v3  }
0x69: {  	s21 =	sadd.s32 s22, s21;
	(ifvalue) =	ssetifvalue $0x7FFFFFFF  }
0x6a: {  	[tilespmem:s21], [sflag:$0x1] =	stream.indirect_vreg.gather [hbm4b:s3+s10], $0x1, v2, vm0, $0x4038;
	[tilespmem:$0xFA00] =	vst v63  }
0x6b: {  	v2 =	vnsel vm1, $0x7FFFFFFF, v4;
	(ifvalue) =	ssetifvalue $0x7FFFFFFF  }
0x6c: {  	s22 =	sadd.s32 $0x80, s21;
	(ifvalue) =	ssetifvalue $0x7FFFFFFF  }
0x6d: {  	[tilespmem:s22], [sflag:$0x1] =	stream.indirect_vreg.gather [hbm4b:s3+s10], $0x1, v3, vm0, $0x4038;
	[tilespmem:$0xFA00] =	vst v63  }
.Ltmp3:
0x6e: {  	v1 =	vnsel vm1, $0x7FFFFFFF, v1;
	(ifvalue) =	ssetifvalue $0x7FFFFFFF;
	(pc) =	sbr.rel @p0 .LBB2_3-.Ltmp3, $4  }
0x6f: {  	s22 =	sadd.s32 $0x100, s21;
	(ifvalue) =	ssetifvalue $0x7FFFFFFF  }
0x70: {  	[tilespmem:s22], [sflag:$0x1] =	stream.indirect_vreg.gather [hbm4b:s3+s10], $0x1, v2, vm0, $0x4038;
	[tilespmem:$0xFA00] =	vst v63  }
0x71: {  	s18 =	sadd.s32 $0xFFFFFFF0, s18;
	s17 =	sadd.s32 $0x10, s17;
	(ifvalue) =	ssetifvalue $0x7FFFFFFF  }
0x72: {  	s22 =	sadd.s32 $0x180, s21;
	s21 =	smov.u32 s20;
	(ifvalue) =	ssetifvalue $0x7FFFFFFF  }
.Ltmp4:
0x73: {  	_ = 	snop;
	(pc) =	sbr.rel .LBB2_4-.Ltmp4, $1  }
0x74: {  	_ =	sdelay $0x3  }
.LBB2_6:
0x75: {  	_ =	sfence.sel $0x180000  }
0x76: {  	s2 =	simm.s32 $0x2;
	[bflag:$0x0] =	sbarrier.arrive $0xFFFF  }
0x77: {  	s30 =	simm.s32 $0x3;
	[sflag:s2] =	ssyncpa.u1 $0x1  }
0x78: {  	s31 =	simm.s32 $0x1;
	[sflag:s30] =	ssyncpa.u1 $0x1  }
0x79: {  	[sflag:s31] =	ssyncpa.u1 $0x1  }
0x7a: {  	p0 =	sne.s32 s0, $0x0;
	_ =	strace $0x90000050  }
0x7b: {  	s0 =	sadd.s32 @!p0 $0x100000, s1;
	[bflag:$0x2] =	sbarrier.arrive $0xFFFF  }
0x7c: {  	[sflag:s0] =	ssyncadd.tile.s32 @!p0 $0x1;
	_ =	shalt  }
.Lfunc_end2:
_tile_overlayer_lowered:
.L_overlay_start_2:
0x7d: {  	(tag) =	ssettag $0x2  }
0x7e: {  	s0 =	rddreg [dreg:$0x0];
	s2 =	stileid.u32  }
0x7f: {  	s1 =	rddreg [dreg:$0x1];
	p0 =	sne.s32 s2, $0x0  }
0x80: {  	s3 =	rddreg [dreg:$0x2];
	[bflag:$0x3] =	sbarrier.arrive $0xFFFF;
	s2 =	simm.s32 @!p0 $0x1C01  }
0x81: {  	[timem:s3], [sflag:s2] =	dma.local @!p0 [hbm:s0], s1  }
0x82: {  	s0 =	simm.s32 @!p0 $0x1  }
0x83: {  	_ =	swait.ge @!p0 [sflag:s0], s1  }
0x84: {  	s1 =	ssub.s32 @!p0 $0x0, s1;
	[sflag:s0] =	ssyncset.done @!p0 $0x0  }
0x85: {  	[sflag:s0] =	ssyncadd.s32 @!p0 s1  }
0x86: {  	[bflag:$0x3] =	sbarrier.arrive $0xFFFF  }
0x87: {  	_ =	shalt  }

// kernel: gather_offload_async_start
scs
__scs_entry_jumppad:
0x0: {  	(pc) =	sbr.rel $0x88, $3  }
0x1: {  	(tag) =	ssettag $0x0;
	lr =	simm.s32 $0x1  }
0x2: {  	[smem:$0x3F9E] =	sst lr;
	_ =	strace $0xD0000000  }
0x3: {  	_ = 	snop  }
0x4: {  	_ = 	snop  }
0x5: {  	_ = 	snop  }
0x6: {  	_ = 	snop  }
0x7: {  	_ = 	snop  }
__scs_overlays_trampoline_lowered:
0x8: {  	[smem:$0x3FAD] =	sst s0  }
0x9: {  	[smem:$0x3FAE] =	sst s1  }
0xa: {  	[smem:$0x3FAF] =	sst s2  }
0xb: {  	[smem:$0x3FB0] =	sst s3  }
0xc: {  	[smem:$0x3FB1] =	sst s4  }
0xd: {  	[smem:$0x3FB2] =	sst s5  }
0xe: {  	[smem:$0x3FB3] =	sst s6  }
0xf: {  	[smem:$0x3FB4] =	sst s7  }
0x10: {  	[smem:$0x3FB5] =	sst s8  }
0x11: {  	[smem:$0x3FB6] =	sst s9;
	s0 =	simm.s32 @!p0 $0x0  }
0x12: {  	s1 =	sld [smem:$0x3F9C];
	s0 =	simm.s32 @p0 $0x1  }
0x13: {  	[smem:$0x3FB7] =	sst s0;
	s0 =	simm.s32 @!p1 $0x0  }
0x14: {  	s2 =	sld [smem:$0x3F9B];
	s0 =	simm.s32 @p1 $0x1  }
0x15: {  	[smem:$0x3FB8] =	sst s0;
	s0 =	simm.s32 @!p2 $0x0  }
0x16: {  	s3 =	sld [smem:$0x3FDB];
	s0 =	simm.s32 @p2 $0x1  }
0x17: {  	s4 =	simm.s32 $0x1BF5;
	[smem:$0x3FBA] =	sst s0  }
0x18: {  	s0 =	sld [smem:$0x3F9D];
	_ =	swait.ge [sflag:s4], $0x0  }
0x19: {  	s7 =	sld [smem:$0x3F9E]  }
0x1a: {  	s8 =	sadd.s32 $0xFFFFE003, lr  }
0x1b: {  	s9 =	sadd.s32 $0xFFFFFEF7, lr;
	s5 =	simm.s32 $0xFFFFFFFF;
	p2 =	slt.u32 s8, $0xFFFFF086  }
0x1c: {  	p1 =	slt.u32 s9, $0xF7A;
	s5 =	simm.s32 @!p2 $0x0  }
0x1d: {  	s5 =	simm.s32 @p1 $0x1;
	p0 =	seq.s32 s7, s2  }
0x1e: {  	s7 =	smul.u32 @!p0 $0xF7A, s2;
	p2 =	seq.s32 @!p0 s5, $0x0  }
0x1f: {  	s9 =	smul.u32 $0xF7A, s1;
	s8 =	simm.s32 @!p0 $0x1BF5;
	p2 =	por !p2, p0  }
0x20: {  	[sflag:s8] =	ssyncset.s32 @!p0 $0xFFFFF086;
	s6 =	sadd.s32 @!p0 s3, s7;
	s7 =	simm.s32 @!p0 $0x108  }
0x21: {  	s3 =	sadd.s32 s3, s9;
	s6 =	sadd.s32 @!p0 $0x88, s6;
	s7 =	simm.s32 @p2 $0x1082  }
0x22: {  	[simem:s7], [sflag:s8] =	dma.local @!p0 [hbm:s6], $0xF7A  }
0x23: {  	s9 =	sor.u32 $0xD0000000, s2;
	s6 =	simm.s32 $0x108;
	_ =	swait.ge @!p0 [sflag:s8], $0x0  }
0x24: {  	s3 =	sadd.s32 $0x88, s3;
	s6 =	simm.s32 @!p1 $0x1082;
	[sflag:s4] =	ssyncset.s32 $0xFFFFF086  }
0x25: {  	[simem:s6], [sflag:s4] =	dma.local [hbm:s3], $0xF7A  }
0x26: {  	[smem:$0x3F9E] =	sst s1;
	(tag) =	ssettag s2;
	_ =	strace s9  }
0x27: {  	s1 =	sld [smem:$0x3FAE]  }
0x28: {  	s2 =	sld [smem:$0x3FAF]  }
0x29: {  	s4 =	sld [smem:$0x3FB1]  }
0x2a: {  	p0 =	seq.s32 s5, $0x0;
	s5 =	sld [smem:$0x3FB2]  }
0x2b: {  	s6 =	sld [smem:$0x3FB3]  }
0x2c: {  	s7 =	sld [smem:$0x3FB4]  }
0x2d: {  	s3 =	simm.s32 $0x108;
	s8 =	sld [smem:$0x3FB5]  }
0x2e: {  	s3 =	simm.s32 @!p0 $0x1082;
	s9 =	sld [smem:$0x3FB6]  }
0x2f: {  	lr =	sadd.s32 s0, s3;
	s0 =	sld [smem:$0x3FAD]  }
0x30: {  	s3 =	sld [smem:$0x3FB0]  }
0x31: {  	[smem:$0x3FB9] =	sst s10  }
0x32: {  	s10 =	sld [smem:$0x3FB7];
	_ =	sdelay $0x3  }
0x33: {  	p0 =	seq.s32 s10, $0x1;
	s10 =	sld [smem:$0x3FB9];
	_ =	sdelay $0x3  }
0x34: {  	[smem:$0x3FB9] =	sst s10  }
0x35: {  	s10 =	sld [smem:$0x3FB8];
	_ =	sdelay $0x3  }
0x36: {  	p1 =	seq.s32 s10, $0x1;
	s10 =	sld [smem:$0x3FB9];
	_ =	sdelay $0x3  }
0x37: {  	[smem:$0x3FB9] =	sst s10  }
0x38: {  	s10 =	sld [smem:$0x3FBA]  }
0x39: {  	_ = 	snop;
	(pc) =	sbr.ind lr, $3  }
0x3a: {  	_ = 	snop  }
0x3b: {  	_ = 	snop  }
0x3c: {  	p2 =	seq.s32 s10, $0x1;
	s10 =	sld [smem:$0x3FB9]  }
0x3d: {  	_ =	shalt  }
0x3e: {  	_ =	shalt  }
0x3f: {  	_ =	shalt  }
0x40: {  	_ =	shalt  }
0x41: {  	_ =	shalt  }
0x42: {  	_ =	shalt  }
0x43: {  	_ =	shalt  }
0x44: {  	_ =	shalt  }
0x45: {  	_ =	shalt  }
0x46: {  	_ =	shalt  }
0x47: {  	_ =	shalt  }
0x48: {  	_ =	shalt  }
0x49: {  	_ =	shalt  }
0x4a: {  	_ =	shalt  }
0x4b: {  	_ =	shalt  }
0x4c: {  	_ =	shalt  }
0x4d: {  	_ =	shalt  }
0x4e: {  	_ =	shalt  }
0x4f: {  	_ =	shalt  }
0x50: {  	_ =	shalt  }
0x51: {  	_ =	shalt  }
0x52: {  	_ =	shalt  }
0x53: {  	_ =	shalt  }
0x54: {  	_ =	shalt  }
0x55: {  	_ =	shalt  }
0x56: {  	_ =	shalt  }
0x57: {  	_ =	shalt  }
0x58: {  	_ =	shalt  }
0x59: {  	_ =	shalt  }
0x5a: {  	_ =	shalt  }
0x5b: {  	_ =	shalt  }
0x5c: {  	_ =	shalt  }
0x5d: {  	_ =	shalt  }
0x5e: {  	_ =	shalt  }
0x5f: {  	_ =	shalt  }
0x60: {  	_ =	shalt  }
0x61: {  	_ =	shalt  }
0x62: {  	_ =	shalt  }
0x63: {  	_ =	shalt  }
0x64: {  	_ =	shalt  }
0x65: {  	_ =	shalt  }
0x66: {  	_ =	shalt  }
0x67: {  	_ =	shalt  }
0x68: {  	_ =	shalt  }
0x69: {  	_ =	shalt  }
0x6a: {  	_ =	shalt  }
0x6b: {  	_ =	shalt  }
0x6c: {  	_ =	shalt  }
0x6d: {  	_ =	shalt  }
0x6e: {  	_ =	shalt  }
0x6f: {  	_ =	shalt  }
0x70: {  	_ =	shalt  }
0x71: {  	_ =	shalt  }
0x72: {  	_ =	shalt  }
0x73: {  	_ =	shalt  }
0x74: {  	_ =	shalt  }
0x75: {  	_ =	shalt  }
0x76: {  	_ =	shalt  }
0x77: {  	_ =	shalt  }
0x78: {  	_ =	shalt  }
0x79: {  	_ =	shalt  }
0x7a: {  	_ =	shalt  }
0x7b: {  	_ =	shalt  }
0x7c: {  	_ =	shalt  }
0x7d: {  	_ =	shalt  }
0x7e: {  	_ =	shalt  }
0x7f: {  	_ =	shalt  }
0x80: {  	_ =	shalt  }
0x81: {  	_ =	shalt  }
0x82: {  	_ =	shalt  }
0x83: {  	_ =	shalt  }
0x84: {  	_ =	shalt  }
0x85: {  	_ =	shalt  }
0x86: {  	_ =	shalt  }
0x87: {  	_ =	shalt  }
.Lfunc_end0:
.L_simem_size_0:
called_computation.2_lowered:
.L_overlay_start_0:
0x88: {  	s2 =	sld [smem:$0x3FD9]  }
0x89: {  	s3 =	sld [smem:$0x3FFE];
	_ =	sdelay $0x1  }
0x8a: {  	s1 =	srdreg.scid  }
0x8b: {  	s0 =	sand.u32 $0x1, s1  }
0x8c: {  	s15 =	sshll.u32 s0, $0xA;
	s2 =	sadd.s32 s3, s2  }
0x8d: {  	s2 =	sadd.s32 s2, s15  }
0x8e: {  	[smem:$0x3FC5] =	sst s2  }
0x8f: {  	_ = 	snop  }
0x90: {  	s16 =	sld [smem:$0x3FD0];
	_ =	sdelay $0x2  }
0x91: {  	s4 =	simm.s32 $0xB;
	s5 =	simm.s32 $0x10;
	s2 =	sld [smem:$0x3FC8]  }
0x92: {  	[smem:s5], [sflag:s4] =	dma.local [hbm:s16], $0x1  }
0x93: {  	_ =	swait.eq [sflag:s4], $0x1  }
0x94: {  	[sflag:s4] =	ssyncset.done $0x0  }
0x95: {  	[sflag:s4] =	ssyncadd.s32 $0xFFFFFFFF  }
0x96: {  	s17 =	sld [smem:$0x10];
	(tm) =	ssettm $0x1  }
0x97: {  	s18 =	sld [smem:$0x3FFB];
	_ =	sdelay $0x3  }
0x98: {  	_ =	strace s18  }
0x99: {  	s3 =	sld [smem:$0x3FFC];
	_ =	sdelay $0x3  }
0x9a: {  	_ =	strace s3  }
0x9b: {  	s3 =	sld [smem:$0x3FFD];
	_ =	sdelay $0x3  }
0x9c: {  	_ =	strace s3  }
0x9d: {  	_ =	strace $0x8FFFFFFF  }
0x9e: {  	s19 =	sld [smem:$0x3FDB];
	_ =	sdelay $0x1  }
0x9f: {  	s20 =	simm.s32 $_scs_section_size  }
0xa0: {  	s6 =	simm.s32 $_size__tile_overlayer_lowered;
	s7 =	simm.s32 $_tile_overlayer_lowered  }
0xa1: {  	s8 =	simm.s32 $0x1BFF;
	s21 =	sshll.u32 s7, $0x1;
	s5 =	sadd.s32 s20, s19  }
0xa2: {  	s22 =	simm.s32 $0x0;
	s6 =	sshll.u32 s6, $0x1;
	s7 =	sadd.s32 s21, s5  }
0xa3: {  	[timem:s22], [sflag:s8] =	dma.local [hbm:s7], s6  }
0xa4: {  	_ =	swait.ge [sflag:s8], s6  }
0xa5: {  	s6 =	ssub.s32 $0x0, s6;
	[sflag:s8] =	ssyncset.done $0x0  }
0xa6: {  	[sflag:s8] =	ssyncadd.s32 s6;
	_ =	sdelay $0x1  }
0xa7: {  	s23 =	simm.s32 $0x1B8B  }
0xa8: {  	_ =	swait.ge [sflag:s23], $0x1  }
0xa9: {  	[sflag:s23] =	ssyncset.done $0x0  }
0xaa: {  	[sflag:s23] =	ssyncadd.s32 $0xFFFFFFFF  }
0xab: {  	s6 =	sld [smem:$0x0]  }
0xac: {  	s7 =	sand.u32 $0xFFFFFFFE, s1  }
0xad: {  	p0 =	sne.s32 s1, s7  }
0xae: {  	s7 =	sshll.u32 @p0 s7, $0xE  }
0xaf: {  	s7 =	sadd.s32 @p0 $0x11B8D, s7;
	s8 =	sshll.u32 @p0 s6, $0x11  }
0xb0: {  	s7 =	sor.u32 @p0 s8, s7  }
0xb1: {  	[sflag:s7] =	ssyncadd.remote.s32 @p0 $0x1;
	_ =	sdelay $0x1  }
0xb2: {  	s7 =	simm.s32 @p0 $0x1B8D  }
0xb3: {  	_ =	swait.eq @p0 [sflag:s7], $0x1  }
0xb4: {  	[sflag:s7] =	ssyncadd.s32 @p0 $0xFFFFFFFF  }
0xb5: {  	s8 =	sshll.u32 @!p0 s1, $0xE  }
0xb6: {  	s8 =	sor.u32 @!p0 $0x4000, s8;
	s7 =	simm.s32 @!p0 $0x1B8D  }
0xb7: {  	s6 =	sshll.u32 @!p0 s6, $0x11;
	s8 =	sadd.s32 @!p0 $0x11B8D, s8;
	_ =	swait.eq @!p0 [sflag:s7], $0x1  }
0xb8: {  	s6 =	sor.u32 @!p0 s6, s8;
	[sflag:s7] =	ssyncadd.s32 @!p0 $0xFFFFFFFF  }
0xb9: {  	s25 =	simm.s32 $0x1B8E;
	s24 =	sld [smem:$0x3FFE];
	[sflag:s6] =	ssyncadd.remote.s32 @!p0 $0x1  }
0xba: {  	s26 =	simm.s32 $execute0_lowered;
	[smem:$0x3FD2] =	sst s25  }
0xbb: {  	s7 =	sshll.u32 s26, $0x1;
	_ =	strace $0x8000004C;
	[dreg:$0x1] =	wrdreg $0xFFFFFFFF  }
0xbc: {  	s28 =	simm.s32 $_size_execute0_lowered;
	s5 =	sadd.s32 s5, s7;
	[dreg:$0x0] =	wrdreg $0x0  }
0xbd: {  	s7 =	sshll.u32 s28, $0x1;
	[dreg:$0x2] =	wrdreg s5  }
0xbe: {  	[dreg:$0x3] =	wrdreg s7  }
0xbf: {  	[dreg:$0x4] =	wrdreg $0xC0  }
0xc0: {  	_ =	task [dreg:s22], $0x5FFFF  }
0xc1: {  	[dreg:$0x1] =	wrdreg $0xFFFFFFFF  }
0xc2: {  	[dreg:$0x0] =	wrdreg $0x60  }
0xc3: {  	[dreg:$0x2] =	wrdreg s2  }
0xc4: {  	[dreg:$0x3] =	wrdreg s24  }
0xc5: {  	[dreg:$0x4] =	wrdreg s17  }
0xc6: {  	[dreg:$0x5] =	wrdreg $0x9  }
0xc7: {  	_ =	task.clear_ibuf [dreg:s22], $0x6FFFF;
	_ =	strace $0x9000004C  }
0xc8: {  	s29 =	simm.s32 $0x9;
	_ =	strace $0x8000004E  }
0xc9: {  	_ =	swait.ge [sflag:s29], $0x1  }
0xca: {  	[sflag:s29] =	ssyncadd.s32 $0xFFFFFFFF  }
0xcb: {  	_ =	strace $0x9000004E  }
0xcc: {  	_ =	sfence  }
0xcd: {  	s30 =	sld [smem:$0x0];
	_ =	sdelay $0x2  }
0xce: {  	s31 =	sshll.u32 s1, $0xD;
	s1 =	sshrl.u32 s1, $0x2  }
0xcf: {  	s4 =	sand.u32 $0x4000, s31;
	s1 =	sadd.s32 s1, s30  }
0xd0: {  	s0 =	sor.u32 s4, s0;
	s1 =	sshll.u32 s1, $0x11  }
0xd1: {  	s0 =	sor.u32 s1, s0  }
0xd2: {  	s0 =	sadd.s32 $0x8F2B, s0  }
0xd3: {  	[sflag:s0] =	ssyncadd.remote.s32 $0x1  }
0xd4: {  	_ =	sfence.sel $0xFFFF  }
0xd5: {  	[dreg:$0x0] =	wrdreg $0xFFFFFFFF;
	(pc) =	sbr.abs _section_cstart, $3  }
0xd6: {  	[dreg:$0x1] =	wrdreg $0xFFFFFFFF  }
0xd7: {  	_ =	task.clear_ibuf [dreg:s22], $0x2FFFF;
	_ =	strace $0x9FFFFFFF  }
0xd8: {  	(tm) =	ssettm $0x7FFFFFFF  }
0xd9: {  	_ =	shalt  }
tec
execute0_lowered:
.L_overlay_start_1:
0x0: {  	(tag) =	ssettag $0x1  }
0x1: {  	s0 =	stileid.u32;
	s1 =	srdreg.scid  }
0x2: {  	s1 =	sand.u32 $0x1, s1;
	s2 =	sshll.u32 s0, $0x1  }
0x3: {  	s1 =	sor.u32 s2, s1  }
0x4: {  	s2 =	smul.u32 $0x3E80, s1;
	_ =	sdelay $0x1  }
0x5: {  	s3 =	rddreg [dreg:$0x0];
	s7 =	ssub.s32 $0x61A800, s2  }
0x6: {  	s5 =	rddreg [dreg:$0x1];
	s31 =	smulhi.u32 $0x83126F, s7  }
0x7: {  	s4 =	rddreg [dreg:$0x2];
	s6 =	simm.s32 $0x1  }
0x8: {  	s10 =	simm.s32 $0x3;
	s13 =	simm.s32 $0x0;
	s8 =	sshrl.u32 s31, $0xA  }
0x9: {  	s12 =	simm.s32 $0x0;
	s5 =	sadd.s32 $0xC3A00, s5;
	s9 =	smul.u32 $0x7D000, s8  }
.Ltmp0:
0xa: {  	s1 =	rddreg [dreg:$0x3];
	_ =	strace $0x8000004D;
	(pc) =	sbr.rel .LBB2_1-.Ltmp0, $4  }
0xb: {  	[sflag:s6] =	ssyncpa.u1 $0x0;
	p0 =	sne.s32 s7, s9;
	s9 =	simm.s32 $0x1  }
0xc: {  	s11 =	smov.u32 s2;
	s7 =	simm.s32 $0x2;
	s9 =	simm.s32 @!p0 $0x0  }
0xd: {  	[sflag:s7] =	ssyncpa.u1 $0x0;
	p0 =	por $0x0, $0x0;
	s8 =	sadd.s32 s9, s8  }
0xe: {  	vm0 =	vmmov $0xffff;
	v0 =	vlaneseq.u32;
	[sflag:s10] =	ssyncpa.u1 $0x0;
	s10 =	simm.s32 $0x0;
	s9 =	sadd.s32 $0x1, s8  }
.LBB2_4:
0xf: {  	vm1 =	vgt.s32 v1, $0x0;
	s15 =	sadd.s32 $0xFFFFFFF0, s15  }
0x10: {  	v1 =	vnsel vm1, $0x0, v1;
	p1 =	sgt.s32 s15, $0x0  }
0x11: {  	v1 =	vmin.u32 v1, $0x61A7FF;
	s15 =	simm.s32 @!p1 $0x0  }
0x12: {  	v2 =	vshll.u32 v1, $0x1;
	s15 =	smin.u32 s15, $0x10  }
0x13: {  	v1 =	vand.u32 $0x7F, v1;
	v2 =	vand.u32 $0xFFFF00, v2;
	v3 =	vmov s15  }
0x14: {  	v1 =	vor.u32 v1, v2;
	vm1 =	vgt.u32 v3, v0  }
0x15: {  	v2 =	vnsel vm1, $0x7FFFFFFF, v1;
	_ =	sdelay $0x1  }
0x16: {  	s29 =	sand.u32 $0x7F00, s17;
	s16 =	sadd.s32 $0x10, s16;
	v1 =	vor.u32 $0x80, v1  }
0x17: {  	(ifvalue) =	ssetifvalue $0x7FFFFFFF;
	s16 =	sand.u32 $0x70, s16;
	s15 =	sadd.s32 s29, s14;
	v1 =	vnsel vm1, $0x7FFFFFFF, v1  }
0x18: {  	(ifvalue) =	ssetifvalue $0x7FFFFFFF;
	s15 =	sadd.s32 s16, s15  }
0x19: {  	[tilespmem:s15], [sflag:$0x1] =	stream.indirect_vreg.gather [hbm4b:s3+s10], $0x1, v2, vm0, $0x4038;
	[tilespmem:$0x17700] =	vst v63  }
0x1a: {  	(ifvalue) =	ssetifvalue $0x7FFFFFFF  }
0x1b: {  	s30 =	sshll.u32 s13, $0x1;
	s15 =	sadd.s32 $0x80, s15;
	(ifvalue) =	ssetifvalue $0x7FFFFFFF  }
0x1c: {  	[tilespmem:s15], [sflag:$0x1] =	stream.indirect_vreg.gather [hbm4b:s3+s10], $0x1, v1, vm0, $0x4038;
	[tilespmem:$0x17700] =	vst v63  }
0x1d: {  	s31 =	sand.u32 $0x78, s13;
	s15 =	sand.u32 $0xFFFFFF00, s30  }
0x1e: {  	_ =	swait.ge [sflag:s6], $0x7D00;
	s13 =	sor.u32 s31, s15  }
0x1f: {  	[sflag:s6] =	ssyncset.done $0x0;
	s13 =	sshrl.u32 s13, $0x3  }
0x20: {  	[sflag:s6] =	ssyncadd.s32 $0xFFFF8300;
	s13 =	sadd.s32 s4, s13  }
0x21: {  	[hbm:s13] =	stream.linear.scatter [tilespmem:s14], [sflag:$0x3], $0x7D00, $0x38;
	[tilespmem:$0x17700] =	vst v63  }
.LBB2_5:
0x22: {  	s15 =	sadd.s32 $0x7D000, s11  }
0x23: {  	p2 =	sgt.s32 s15, $0x61A7FF  }
0x24: {  	s15 =	smov.u32 @p2 s2;
	p2 =	sne.s32 s12, s9  }
.Ltmp1:
0x25: {  	p1 =	slt.u32 s12, $0x2;
	(pc) =	sbr.rel @!p2 .LBB2_6-.Ltmp1, $4  }
0x26: {  	s14 =	simm.s32 @!p1 $0x3  }
0x27: {  	s16 =	sadd.s32 $0x1, s12;
	_ =	swait.ge @!p1 [sflag:s14], $0x7D00  }
0x28: {  	s13 =	smov.u32 s11;
	p0 =	por !p0, !p0;
	[sflag:s14] =	ssyncset.done @!p1 $0x0  }
0x29: {  	s12 =	smov.u32 s16;
	s11 =	smov.u32 s15;
	[sflag:s14] =	ssyncadd.s32 @!p1 $0xFFFF8300  }
.LBB2_1:
0x2a: {  	p1 =	sge.u32 s12, s8  }
0x2b: {  	s14 =	sxor.u32 @!p1 $0xFFFFFFFF, s12  }
0x2c: {  	s14 =	sand.u32 @!p1 $0x1, s14  }
0x2d: {  	s14 =	smul.u32 @!p1 $0xFA00, s14  }
0x2e: {  	s31 =	sadd.s32 $0xFFFFFFFF, s12;
	s15 =	sshrl.u32 @!p1 s11, $0x3  }
0x2f: {  	s16 =	sand.u32 @!p1 $0x7, s11;
	s15 =	sadd.s32 @!p1 s5, s15;
	s14 =	sshrl.u32 @!p1 s14, $0x2  }
0x30: {  	[tilespmem:s14], [sflag:$0x2] =	stream.linear.gather @!p1 [hbm4b:s15+s16], $0x3E80, $0x38;
	[tilespmem:$0x17700] =	vst v63  }
0x31: {  	p1 =	sge.u32 s31, s8  }
.Ltmp2:
0x32: {  	_ = 	snop;
	(pc) =	sbr.rel @p1 .LBB2_5-.Ltmp2, $1  }
0x33: {  	_ =	sdelay $0x3  }
0x34: {  	s14 =	simm.s32 $0x1  }
0x35: {  	s14 =	simm.s32 @!p0 $0x0  }
0x36: {  	_ =	swait.ge [sflag:s7], $0x3E80;
	s14 =	smul.u32 $0xFA00, s14  }
0x37: {  	[sflag:s7] =	ssyncset.done $0x0  }
0x38: {  	[sflag:s7] =	ssyncadd.s32 $0xFFFFC180;
	s17 =	sshrl.u32 s14, $0x2  }
0x39: {  	v1 =	vld.msk [tilespmem:s17+$0x0 ss:$0x1], $0xffff;
	_ =	sdelay $0x2  }
0x3a: {  	s15 =	ssub.s32 $0x61A800, s13  }
0x3b: {  	p1 =	slt.s32 s15, $0x3E80  }
0x3c: {  	s15 =	simm.s32 @!p1 $0x3E80;
	vm1 =	vgt.s32 v1, $0x0  }
0x3d: {  	p1 =	sgt.s32 s15, $0x0;
	s14 =	smov.u32 s15;
	v1 =	vnsel vm1, $0x0, v1  }
0x3e: {  	s14 =	simm.s32 @!p1 $0x0;
	v1 =	vmin.u32 v1, $0x61A7FF  }
0x3f: {  	s14 =	smin.u32 s14, $0x10;
	v2 =	vshll.u32 v1, $0x1  }
0x40: {  	s16 =	sand.u32 $0x1, s12;
	v3 =	vmov s14;
	v1 =	vand.u32 $0x7F, v1;
	v2 =	vand.u32 $0xFFFF00, v2  }
0x41: {  	s31 =	smul.u32 $0x1F400, s16;
	vm1 =	vgt.u32 v3, v0;
	v1 =	vor.u32 v1, v2  }
0x42: {  	v2 =	vnsel vm1, $0x7FFFFFFF, v1  }
0x43: {  	s16 =	simm.s32 $0x0;
	s14 =	sshrl.u32 s31, $0x2  }
0x44: {  	s18 =	sand.u32 $0x7F00, s16;
	s14 =	sadd.s32 $0x7D00, s14;
	v1 =	vor.u32 $0x80, v1  }
0x45: {  	s19 =	sand.u32 $0x70, s16;
	(ifvalue) =	ssetifvalue $0x7FFFFFFF;
	s18 =	sadd.s32 s18, s14;
	v1 =	vnsel vm1, $0x7FFFFFFF, v1  }
0x46: {  	(ifvalue) =	ssetifvalue $0x7FFFFFFF;
	s18 =	sadd.s32 s19, s18  }
0x47: {  	[tilespmem:s18], [sflag:$0x1] =	stream.indirect_vreg.gather [hbm4b:s3+s10], $0x1, v2, vm0, $0x4038;
	[tilespmem:$0x17700] =	vst v63  }
0x48: {  	(ifvalue) =	ssetifvalue $0x7FFFFFFF  }
0x49: {  	s18 =	sadd.s32 $0x80, s18;
	(ifvalue) =	ssetifvalue $0x7FFFFFFF  }
0x4a: {  	[tilespmem:s18], [sflag:$0x1] =	stream.indirect_vreg.gather [hbm4b:s3+s10], $0x1, v1, vm0, $0x4038;
	[tilespmem:$0x17700] =	vst v63  }
0x4b: {  	s18 =	sadd.s32 $0x10, s17  }
0x4c: {  	v1 =	vld.msk [tilespmem:s18+$0x0 ss:$0x1], $0xffff  }
0x4d: {  	s19 =	simm.s32 $0x40;
	s17 =	simm.s32 $0x20  }
.LBB2_3:
0x4e: {  	p1 =	sne.s32 s19, $0x7CE0;
	_ =	sdelay $0x2  }
0x4f: {  	vm1 =	vgt.s32 v1, $0x0;
	s15 =	sadd.s32 $0xFFFFFFF0, s15  }
0x50: {  	v1 =	vnsel vm1, $0x0, v1;
	p2 =	sgt.s32 s15, $0x0;
	s20 =	smov.u32 s15  }
0x51: {  	v1 =	vmin.u32 v1, $0x61A7FF;
	s20 =	simm.s32 @!p2 $0x0  }
0x52: {  	v2 =	vshll.u32 v1, $0x1;
	s20 =	smin.u32 s20, $0x10  }
0x53: {  	v1 =	vand.u32 $0x7F, v1;
	v2 =	vand.u32 $0xFFFF00, v2;
	v3 =	vmov s20  }
0x54: {  	v1 =	vor.u32 v1, v2;
	vm1 =	vgt.u32 v3, v0  }
0x55: {  	v2 =	vnsel vm1, $0x7FFFFFFF, v1;
	_ =	sdelay $0x1  }
0x56: {  	s16 =	sadd.s32 $0x10, s16;
	s20 =	sand.u32 $0x7F00, s17;
	s17 =	smov.u32 s19;
	v1 =	vor.u32 $0x80, v1  }
0x57: {  	s21 =	sand.u32 $0x70, s16;
	s20 =	sadd.s32 s20, s14;
	v1 =	vnsel vm1, $0x7FFFFFFF, v1;
	(ifvalue) =	ssetifvalue $0x7FFFFFFF  }
0x58: {  	s20 =	sadd.s32 s21, s20;
	(ifvalue) =	ssetifvalue $0x7FFFFFFF  }
0x59: {  	[tilespmem:s20], [sflag:$0x1] =	stream.indirect_vreg.gather [hbm4b:s3+s10], $0x1, v2, vm0, $0x4038;
	[tilespmem:$0x17700] =	vst v63  }
0x5a: {  	s18 =	sadd.s32 $0x10, s18;
	(ifvalue) =	ssetifvalue $0x7FFFFFFF  }
.Ltmp3:
0x5b: {  	s20 =	sadd.s32 $0x80, s20;
	(ifvalue) =	ssetifvalue $0x7FFFFFFF;
	(pc) =	sbr.rel @p1 .LBB2_3-.Ltmp3, $3  }
0x5c: {  	[tilespmem:s20], [sflag:$0x1] =	stream.indirect_vreg.gather [hbm4b:s3+s10], $0x1, v1, vm0, $0x4038;
	[tilespmem:$0x17700] =	vst v63  }
0x5d: {  	v1 =	vld.msk [tilespmem:s18+$0x0 ss:$0x1], $0xffff;
	_ =	sdelay $0x1  }
0x5e: {  	s19 =	sadd.s32 $0x20, s19  }
.Ltmp4:
0x5f: {  	_ = 	snop;
	(pc) =	sbr.rel .LBB2_4-.Ltmp4, $1  }
0x60: {  	_ =	sdelay $0x3  }
.LBB2_6:
0x61: {  	_ =	sfence.sel $0x180000  }
0x62: {  	s2 =	simm.s32 $0x2;
	[bflag:$0x0] =	sbarrier.arrive $0xFFFF  }
0x63: {  	s30 =	simm.s32 $0x3;
	[sflag:s2] =	ssyncpa.u1 $0x1  }
0x64: {  	s31 =	simm.s32 $0x1;
	[sflag:s30] =	ssyncpa.u1 $0x1  }
0x65: {  	[sflag:s31] =	ssyncpa.u1 $0x1  }
0x66: {  	p0 =	sne.s32 s0, $0x0;
	_ =	strace $0x9000004D  }
0x67: {  	s0 =	sadd.s32 @!p0 $0x100000, s1;
	[bflag:$0x2] =	sbarrier.arrive $0xFFFF  }
0x68: {  	[sflag:s0] =	ssyncadd.tile.s32 @!p0 $0x1;
	_ =	shalt  }
.Lfunc_end2:
_tile_overlayer_lowered:
.L_overlay_start_2:
0x69: {  	(tag) =	ssettag $0x2  }
0x6a: {  	s0 =	rddreg [dreg:$0x0];
	s2 =	stileid.u32  }
0x6b: {  	s1 =	rddreg [dreg:$0x1];
	p0 =	sne.s32 s2, $0x0  }
0x6c: {  	s3 =	rddreg [dreg:$0x2];
	[bflag:$0x3] =	sbarrier.arrive $0xFFFF;
	s2 =	simm.s32 @!p0 $0x1C01  }
0x6d: {  	[timem:s3], [sflag:s2] =	dma.local @!p0 [hbm:s0], s1  }
0x6e: {  	s0 =	simm.s32 @!p0 $0x1  }
0x6f: {  	_ =	swait.ge @!p0 [sflag:s0], s1  }
0x70: {  	s1 =	ssub.s32 @!p0 $0x0, s1;
	[sflag:s0] =	ssyncset.done @!p0 $0x0  }
0x71: {  	[sflag:s0] =	ssyncadd.s32 @!p0 s1  }
0x72: {  	[bflag:$0x3] =	sbarrier.arrive $0xFFFF  }
0x73: {  	_ =	shalt  }

// kernel: kernel.4.cloned.1.call-start
scs
__scs_entry_jumppad:
0x0: {  	(pc) =	sbr.rel $0x88, $3  }
0x1: {  	(tag) =	ssettag $0x0;
	lr =	simm.s32 $0x1  }
0x2: {  	[smem:$0x3F9E] =	sst lr;
	_ =	strace $0xD0000000  }
0x3: {  	_ = 	snop  }
0x4: {  	_ = 	snop  }
0x5: {  	_ = 	snop  }
0x6: {  	_ = 	snop  }
0x7: {  	_ = 	snop  }
__scs_overlays_trampoline_lowered:
0x8: {  	[smem:$0x3FAD] =	sst s0  }
0x9: {  	[smem:$0x3FAE] =	sst s1  }
0xa: {  	[smem:$0x3FAF] =	sst s2  }
0xb: {  	[smem:$0x3FB0] =	sst s3  }
0xc: {  	[smem:$0x3FB1] =	sst s4  }
0xd: {  	[smem:$0x3FB2] =	sst s5  }
0xe: {  	[smem:$0x3FB3] =	sst s6  }
0xf: {  	[smem:$0x3FB4] =	sst s7  }
0x10: {  	[smem:$0x3FB5] =	sst s8  }
0x11: {  	[smem:$0x3FB6] =	sst s9;
	s0 =	simm.s32 @!p0 $0x0  }
0x12: {  	s1 =	sld [smem:$0x3F9C];
	s0 =	simm.s32 @p0 $0x1  }
0x13: {  	[smem:$0x3FB7] =	sst s0;
	s0 =	simm.s32 @!p1 $0x0  }
0x14: {  	s2 =	sld [smem:$0x3F9B];
	s0 =	simm.s32 @p1 $0x1  }
0x15: {  	[smem:$0x3FB8] =	sst s0;
	s0 =	simm.s32 @!p2 $0x0  }
0x16: {  	s3 =	sld [smem:$0x3FDB];
	s0 =	simm.s32 @p2 $0x1  }
0x17: {  	s4 =	simm.s32 $0x1BF5;
	[smem:$0x3FBA] =	sst s0  }
0x18: {  	s0 =	sld [smem:$0x3F9D];
	_ =	swait.ge [sflag:s4], $0x0  }
0x19: {  	s7 =	sld [smem:$0x3F9E]  }
0x1a: {  	s8 =	sadd.s32 $0xFFFFE003, lr  }
0x1b: {  	s9 =	sadd.s32 $0xFFFFFEF7, lr;
	s5 =	simm.s32 $0xFFFFFFFF;
	p2 =	slt.u32 s8, $0xFFFFF086  }
0x1c: {  	p1 =	slt.u32 s9, $0xF7A;
	s5 =	simm.s32 @!p2 $0x0  }
0x1d: {  	s5 =	simm.s32 @p1 $0x1;
	p0 =	seq.s32 s7, s2  }
0x1e: {  	s7 =	smul.u32 @!p0 $0xF7A, s2;
	p2 =	seq.s32 @!p0 s5, $0x0  }
0x1f: {  	s9 =	smul.u32 $0xF7A, s1;
	s8 =	simm.s32 @!p0 $0x1BF5;
	p2 =	por !p2, p0  }
0x20: {  	[sflag:s8] =	ssyncset.s32 @!p0 $0xFFFFF086;
	s6 =	sadd.s32 @!p0 s3, s7;
	s7 =	simm.s32 @!p0 $0x108  }
0x21: {  	s3 =	sadd.s32 s3, s9;
	s6 =	sadd.s32 @!p0 $0x88, s6;
	s7 =	simm.s32 @p2 $0x1082  }
0x22: {  	[simem:s7], [sflag:s8] =	dma.local @!p0 [hbm:s6], $0xF7A  }
0x23: {  	s9 =	sor.u32 $0xD0000000, s2;
	s6 =	simm.s32 $0x108;
	_ =	swait.ge @!p0 [sflag:s8], $0x0  }
0x24: {  	s3 =	sadd.s32 $0x88, s3;
	s6 =	simm.s32 @!p1 $0x1082;
	[sflag:s4] =	ssyncset.s32 $0xFFFFF086  }
0x25: {  	[simem:s6], [sflag:s4] =	dma.local [hbm:s3], $0xF7A  }
0x26: {  	[smem:$0x3F9E] =	sst s1;
	(tag) =	ssettag s2;
	_ =	strace s9  }
0x27: {  	s1 =	sld [smem:$0x3FAE]  }
0x28: {  	s2 =	sld [smem:$0x3FAF]  }
0x29: {  	s4 =	sld [smem:$0x3FB1]  }
0x2a: {  	p0 =	seq.s32 s5, $0x0;
	s5 =	sld [smem:$0x3FB2]  }
0x2b: {  	s6 =	sld [smem:$0x3FB3]  }
0x2c: {  	s7 =	sld [smem:$0x3FB4]  }
0x2d: {  	s3 =	simm.s32 $0x108;
	s8 =	sld [smem:$0x3FB5]  }
0x2e: {  	s3 =	simm.s32 @!p0 $0x1082;
	s9 =	sld [smem:$0x3FB6]  }
0x2f: {  	lr =	sadd.s32 s0, s3;
	s0 =	sld [smem:$0x3FAD]  }
0x30: {  	s3 =	sld [smem:$0x3FB0]  }
0x31: {  	[smem:$0x3FB9] =	sst s10  }
0x32: {  	s10 =	sld [smem:$0x3FB7];
	_ =	sdelay $0x3  }
0x33: {  	p0 =	seq.s32 s10, $0x1;
	s10 =	sld [smem:$0x3FB9];
	_ =	sdelay $0x3  }
0x34: {  	[smem:$0x3FB9] =	sst s10  }
0x35: {  	s10 =	sld [smem:$0x3FB8];
	_ =	sdelay $0x3  }
0x36: {  	p1 =	seq.s32 s10, $0x1;
	s10 =	sld [smem:$0x3FB9];
	_ =	sdelay $0x3  }
0x37: {  	[smem:$0x3FB9] =	sst s10  }
0x38: {  	s10 =	sld [smem:$0x3FBA]  }
0x39: {  	_ = 	snop;
	(pc) =	sbr.ind lr, $3  }
0x3a: {  	_ = 	snop  }
0x3b: {  	_ = 	snop  }
0x3c: {  	p2 =	seq.s32 s10, $0x1;
	s10 =	sld [smem:$0x3FB9]  }
0x3d: {  	_ =	shalt  }
0x3e: {  	_ =	shalt  }
0x3f: {  	_ =	shalt  }
0x40: {  	_ =	shalt  }
0x41: {  	_ =	shalt  }
0x42: {  	_ =	shalt  }
0x43: {  	_ =	shalt  }
0x44: {  	_ =	shalt  }
0x45: {  	_ =	shalt  }
0x46: {  	_ =	shalt  }
0x47: {  	_ =	shalt  }
0x48: {  	_ =	shalt  }
0x49: {  	_ =	shalt  }
0x4a: {  	_ =	shalt  }
0x4b: {  	_ =	shalt  }
0x4c: {  	_ =	shalt  }
0x4d: {  	_ =	shalt  }
0x4e: {  	_ =	shalt  }
0x4f: {  	_ =	shalt  }
0x50: {  	_ =	shalt  }
0x51: {  	_ =	shalt  }
0x52: {  	_ =	shalt  }
0x53: {  	_ =	shalt  }
0x54: {  	_ =	shalt  }
0x55: {  	_ =	shalt  }
0x56: {  	_ =	shalt  }
0x57: {  	_ =	shalt  }
0x58: {  	_ =	shalt  }
0x59: {  	_ =	shalt  }
0x5a: {  	_ =	shalt  }
0x5b: {  	_ =	shalt  }
0x5c: {  	_ =	shalt  }
0x5d: {  	_ =	shalt  }
0x5e: {  	_ =	shalt  }
0x5f: {  	_ =	shalt  }
0x60: {  	_ =	shalt  }
0x61: {  	_ =	shalt  }
0x62: {  	_ =	shalt  }
0x63: {  	_ =	shalt  }
0x64: {  	_ =	shalt  }
0x65: {  	_ =	shalt  }
0x66: {  	_ =	shalt  }
0x67: {  	_ =	shalt  }
0x68: {  	_ =	shalt  }
0x69: {  	_ =	shalt  }
0x6a: {  	_ =	shalt  }
0x6b: {  	_ =	shalt  }
0x6c: {  	_ =	shalt  }
0x6d: {  	_ =	shalt  }
0x6e: {  	_ =	shalt  }
0x6f: {  	_ =	shalt  }
0x70: {  	_ =	shalt  }
0x71: {  	_ =	shalt  }
0x72: {  	_ =	shalt  }
0x73: {  	_ =	shalt  }
0x74: {  	_ =	shalt  }
0x75: {  	_ =	shalt  }
0x76: {  	_ =	shalt  }
0x77: {  	_ =	shalt  }
0x78: {  	_ =	shalt  }
0x79: {  	_ =	shalt  }
0x7a: {  	_ =	shalt  }
0x7b: {  	_ =	shalt  }
0x7c: {  	_ =	shalt  }
0x7d: {  	_ =	shalt  }
0x7e: {  	_ =	shalt  }
0x7f: {  	_ =	shalt  }
0x80: {  	_ =	shalt  }
0x81: {  	_ =	shalt  }
0x82: {  	_ =	shalt  }
0x83: {  	_ =	shalt  }
0x84: {  	_ =	shalt  }
0x85: {  	_ =	shalt  }
0x86: {  	_ =	shalt  }
0x87: {  	_ =	shalt  }
.Lfunc_end0:
.L_simem_size_0:
called_computation.5_lowered:
.L_overlay_start_0:
0x88: {  	s2 =	sld [smem:$0x3FD9]  }
0x89: {  	s3 =	sld [smem:$0x3FFE];
	_ =	sdelay $0x1  }
0x8a: {  	s1 =	srdreg.scid  }
0x8b: {  	s0 =	sand.u32 $0x1, s1  }
0x8c: {  	s14 =	sshll.u32 s0, $0xA;
	s2 =	sadd.s32 s3, s2  }
0x8d: {  	s2 =	sadd.s32 s2, s14  }
0x8e: {  	[smem:$0x3FC5] =	sst s2  }
0x8f: {  	_ = 	snop  }
0x90: {  	s2 =	sld [smem:$0x3FD0];
	_ =	sdelay $0x2  }
0x91: {  	s15 =	simm.s32 $0xB;
	s4 =	simm.s32 $0x10  }
0x92: {  	[smem:s4], [sflag:s15] =	dma.local [hbm:s2], $0x1  }
0x93: {  	_ =	swait.eq [sflag:s15], $0x1  }
0x94: {  	[sflag:s15] =	ssyncset.done $0x0  }
0x95: {  	[sflag:s15] =	ssyncadd.s32 $0xFFFFFFFF  }
0x96: {  	s16 =	sld [smem:$0x11];
	(tm) =	ssettm $0x1  }
0x97: {  	s17 =	sld [smem:$0x3FFB];
	_ =	sdelay $0x3  }
0x98: {  	_ =	strace s17  }
0x99: {  	s3 =	sld [smem:$0x3FFC];
	_ =	sdelay $0x3  }
0x9a: {  	_ =	strace s3  }
0x9b: {  	s3 =	sld [smem:$0x3FFD];
	_ =	sdelay $0x3  }
0x9c: {  	_ =	strace s3  }
0x9d: {  	_ =	strace $0x8FFFFFFF  }
0x9e: {  	s18 =	sld [smem:$0x3FDB];
	_ =	sdelay $0x1  }
0x9f: {  	s19 =	simm.s32 $_scs_section_size  }
0xa0: {  	s5 =	simm.s32 $_size__tile_overlayer_lowered;
	s6 =	simm.s32 $_tile_overlayer_lowered  }
0xa1: {  	s22 =	simm.s32 $0x1BFF;
	s21 =	sshll.u32 s6, $0x1;
	s3 =	sadd.s32 s19, s18  }
0xa2: {  	s7 =	simm.s32 $0x0;
	s20 =	sshll.u32 s5, $0x1;
	s5 =	sadd.s32 s21, s3  }
0xa3: {  	[timem:s7], [sflag:s22] =	dma.local [hbm:s5], s20  }
0xa4: {  	_ =	swait.ge [sflag:s22], s20  }
0xa5: {  	s4 =	ssub.s32 $0x0, s20;
	[sflag:s22] =	ssyncset.done $0x0  }
0xa6: {  	[sflag:s22] =	ssyncadd.s32 s4;
	_ =	sdelay $0x1  }
0xa7: {  	s23 =	simm.s32 $0x1B8B  }
0xa8: {  	_ =	swait.ge [sflag:s23], $0x1  }
0xa9: {  	[sflag:s23] =	ssyncset.done $0x0  }
0xaa: {  	s25 =	simm.s32 $0x1B8E;
	s24 =	sld [smem:$0x3FFE];
	[sflag:s23] =	ssyncadd.s32 $0xFFFFFFFF  }
0xab: {  	s26 =	simm.s32 $execute0_lowered;
	[smem:$0x3FD2] =	sst s25  }
0xac: {  	s5 =	sshll.u32 s26, $0x1;
	_ =	strace $0x80000055;
	[dreg:$0x1] =	wrdreg $0xFFFFFFFF  }
0xad: {  	s28 =	simm.s32 $_size_execute0_lowered;
	s3 =	sadd.s32 s3, s5;
	[dreg:$0x0] =	wrdreg $0x0  }
0xae: {  	s5 =	sshll.u32 s28, $0x1;
	[dreg:$0x2] =	wrdreg s3  }
0xaf: {  	[dreg:$0x3] =	wrdreg s5  }
0xb0: {  	[dreg:$0x4] =	wrdreg $0xC0  }
0xb1: {  	_ =	task [dreg:s7], $0x5FFFF  }
0xb2: {  	[dreg:$0x1] =	wrdreg $0xFFFFFFFF  }
0xb3: {  	[dreg:$0x0] =	wrdreg $0x60  }
0xb4: {  	[dreg:$0x2] =	wrdreg s24  }
0xb5: {  	[dreg:$0x3] =	wrdreg s16  }
0xb6: {  	[dreg:$0x4] =	wrdreg $0x9  }
0xb7: {  	_ =	task.clear_ibuf [dreg:s7], $0x5FFFF;
	_ =	strace $0x90000055  }
0xb8: {  	s29 =	simm.s32 $0x9;
	_ =	strace $0x80000057  }
0xb9: {  	_ =	swait.ge [sflag:s29], $0x1  }
0xba: {  	[sflag:s29] =	ssyncadd.s32 $0xFFFFFFFF  }
0xbb: {  	_ =	strace $0x90000057  }
0xbc: {  	_ =	sfence  }
0xbd: {  	s30 =	sld [smem:$0x0];
	_ =	sdelay $0x2  }
0xbe: {  	s31 =	sshll.u32 s1, $0xD;
	s1 =	sshrl.u32 s1, $0x2  }
0xbf: {  	s3 =	sand.u32 $0x4000, s31;
	s1 =	sadd.s32 s1, s30  }
0xc0: {  	s0 =	sor.u32 s3, s0;
	s1 =	sshll.u32 s1, $0x11  }
0xc1: {  	s0 =	sor.u32 s1, s0  }
0xc2: {  	s0 =	sadd.s32 $0x8F2B, s0  }
0xc3: {  	[sflag:s0] =	ssyncadd.remote.s32 $0x1  }
0xc4: {  	_ =	sfence.sel $0xFFFF  }
0xc5: {  	[dreg:$0x0] =	wrdreg $0xFFFFFFFF;
	(pc) =	sbr.abs _section_cstart, $3  }
0xc6: {  	[dreg:$0x1] =	wrdreg $0xFFFFFFFF  }
0xc7: {  	_ =	task.clear_ibuf [dreg:s7], $0x2FFFF;
	_ =	strace $0x9FFFFFFF  }
0xc8: {  	(tm) =	ssettm $0x7FFFFFFF  }
0xc9: {  	_ =	shalt  }
tec
execute0_lowered:
.L_overlay_start_1:
0x0: {  	(tag) =	ssettag $0x1  }
0x1: {  	s0 =	rddreg [dreg:$0x0]  }
0x2: {  	s2 =	rddreg [dreg:$0x1];
	s3 =	simm.s32 $0x0  }
0x3: {  	s20 =	simm.s32 $0x1080;
	[smem:$0x7FF] =	sst s3  }
0x4: {  	s21 =	simm.s32 $0x100;
	_ =	strace $0x80000056;
	[dreg:$0x4] =	wrdreg s20  }
0x5: {  	s22 =	simm.s32 $0x1480;
	[dreg:$0x5] =	wrdreg s21  }
0x6: {  	s23 =	simm.s32 $0x180;
	[dreg:$0x6] =	wrdreg s22  }
0x7: {  	s24 =	simm.s32 $0x1880;
	[dreg:$0x7] =	wrdreg s23  }
0x8: {  	s25 =	simm.s32 $0x200;
	[dreg:$0x8] =	wrdreg s24  }
0x9: {  	s26 =	simm.s32 $0x1C80;
	[dreg:$0x9] =	wrdreg s25  }
0xa: {  	s31 =	simm.s32 $0x280;
	[dreg:$0xa] =	wrdreg s26  }
0xb: {  	s7 =	simm.s32 $0x300;
	[dreg:$0xb] =	wrdreg s31  }
0xc: {  	s6 =	stileid.u32;
	s8 =	simm.s32 $0x2480;
	[dreg:$0xd] =	wrdreg s7  }
0xd: {  	s1 =	srdreg.scid;
	s9 =	simm.s32 $0x380;
	[dreg:$0xe] =	wrdreg s8  }
0xe: {  	s10 =	simm.s32 $0x2880;
	s11 =	simm.s32 $0x400;
	[dreg:$0xf] =	wrdreg s9  }
0xf: {  	s12 =	simm.s32 $0x2C80;
	s14 =	simm.s32 $0x480;
	[dreg:$0x10] =	wrdreg s10  }
0x10: {  	s15 =	simm.s32 $0x3080;
	s16 =	simm.s32 $0x500;
	[dreg:$0x11] =	wrdreg s11  }
0x11: {  	s18 =	simm.s32 $0x3480;
	s28 =	simm.s32 $0xC00;
	[dreg:$0x12] =	wrdreg s12  }
0x12: {  	s29 =	simm.s32 $0x6C80;
	s30 =	simm.s32 $0x1;
	[dreg:$0x13] =	wrdreg s14  }
0x13: {  	s1 =	sand.u32 $0x1, s1;
	s4 =	smul.u32 $0x186A0, s6;
	[dreg:$0x14] =	wrdreg s15  }
0x14: {  	s13 =	smul.u32 $0xC3500, s6;
	s6 =	simm.s32 $0x2;
	[dreg:$0x15] =	wrdreg s16  }
0x15: {  	s5 =	smul.u32 $0xC350, s1;
	s17 =	ssub.s32 $0x2, s1;
	[dreg:$0x16] =	wrdreg s18  }
0x16: {  	s20 =	simm.s32 $0x580;
	s21 =	simm.s32 $0x3880;
	s1 =	smul.u32 $0x61A80, s1  }
0x17: {  	s22 =	simm.s32 $0x600;
	s23 =	simm.s32 $0x3C80;
	s24 =	simm.s32 $0x680  }
0x18: {  	s25 =	simm.s32 $0x4080;
	s26 =	simm.s32 $0x700;
	[dreg:$0x17] =	wrdreg s20  }
0x19: {  	s7 =	simm.s32 $0x80;
	s31 =	simm.s32 $0x4480;
	[dreg:$0x18] =	wrdreg s21  }
0x1a: {  	s8 =	simm.s32 $0xC80;
	s9 =	simm.s32 $0x780;
	[dreg:$0x19] =	wrdreg s22  }
0x1b: {  	s10 =	simm.s32 $0x4880;
	s11 =	simm.s32 $0x800;
	[dreg:$0x1a] =	wrdreg s23  }
0x1c: {  	s12 =	simm.s32 $0x4C80;
	s14 =	simm.s32 $0x5080;
	[dreg:$0x1b] =	wrdreg s24  }
0x1d: {  	s15 =	simm.s32 $0x900;
	s16 =	simm.s32 $0x5480;
	[dreg:$0x1c] =	wrdreg s25  }
0x1e: {  	s18 =	simm.s32 $0x5880;
	s4 =	sadd.s32 s4, s0;
	[dreg:$0x1d] =	wrdreg s26  }
0x1f: {  	s0 =	sadd.s32 s13, s0;
	s19 =	sshrl.u32 s17, $0x1;
	[dreg:$0x1e] =	wrdreg s31  }
0x20: {  	s13 =	simm.s32 $0x880;
	s20 =	simm.s32 $0x5C80;
	s21 =	simm.s32 $0xA80  }
0x21: {  	s22 =	simm.s32 $0x6080;
	s23 =	simm.s32 $0xB00;
	s24 =	simm.s32 $0x6480  }
0x22: {  	s25 =	simm.s32 $0xB80;
	s26 =	simm.s32 $0x6880;
	s4 =	sadd.s32 s5, s4  }
0x23: {  	s5 =	simm.s32 $0x2080;
	s0 =	sadd.s32 s1, s0;
	[dreg:$0x3] =	wrdreg s4  }
0x24: {  	[dreg:$0xc] =	wrdreg s5;
	s5 =	ssub.s32 s17, s19;
	s0 =	sadd.s32 $0x186A00, s0  }
0x25: {  	s1 =	simm.s32 $0x0;
	s5 =	smax.u32 s5, $0x1;
	[smem:$0x7FD] =	sst s0  }
0x26: {  	s17 =	simm.s32 $0x980;
	s19 =	simm.s32 $0xA00;
	[dreg:$0x1f] =	wrdreg s5  }
.LBB2_1:
0x27: {  	s0 =	rddreg [dreg:$0x3]  }
0x28: {  	[smem:$0x7FC] =	sst s1;
	s0 =	sadd.s32 $0x0, s0  }
0x29: {  	[tilespmem:s3], [sflag:$0x2] =	stream.linear.gather [hbm4b:s0+s3], $0xC80, $0x38;
	[tilespmem:$0x7080] =	vst v63  }
0x2a: {  	_ =	swait.ge [sflag:s6], $0xC80  }
0x2b: {  	s0 =	rddreg [dreg:$0x5]  }
0x2c: {  	s31 =	rddreg [dreg:$0x4]  }
0x2d: {  	[sflag:s6] =	ssyncset.done $0x0;
	s4 =	rddreg [dreg:$0x6]  }
0x2e: {  	s5 =	rddreg [dreg:$0x8];
	[sflag:s6] =	ssyncadd.s32 $0xFFFFF380  }
0x2f: {  	[tilespmem:s8], [sflag:$0x1] =	stream.indirect.gather [hbm4b:s2+s7], $0x8, s3, s7, $0xb8;
	[tilespmem:$0x7080] =	vst v63  }
0x30: {  	s1 =	rddreg [dreg:$0x7]  }
0x31: {  	[tilespmem:s31], [sflag:$0x1] =	stream.indirect.gather [hbm4b:s2+s7], $0x8, s7, s7, $0xb8;
	[tilespmem:$0x7080] =	vst v63  }
0x32: {  	s31 =	rddreg [dreg:$0x9]  }
0x33: {  	[tilespmem:s4], [sflag:$0x1] =	stream.indirect.gather [hbm4b:s2+s7], $0x8, s0, s7, $0xb8;
	[tilespmem:$0x7080] =	vst v63  }
0x34: {  	s4 =	rddreg [dreg:$0xa]  }
0x35: {  	[tilespmem:s5], [sflag:$0x1] =	stream.indirect.gather [hbm4b:s2+s7], $0x8, s1, s7, $0xb8;
	[tilespmem:$0x7080] =	vst v63  }
0x36: {  	s1 =	rddreg [dreg:$0xc]  }
0x37: {  	s5 =	rddreg [dreg:$0xb]  }
0x38: {  	[tilespmem:s4], [sflag:$0x1] =	stream.indirect.gather [hbm4b:s2+s7], $0x8, s31, s7, $0xb8;
	[tilespmem:$0x7080] =	vst v63  }
0x39: {  	s4 =	rddreg [dreg:$0xe]  }
0x3a: {  	s31 =	rddreg [dreg:$0xd]  }
0x3b: {  	[tilespmem:s1], [sflag:$0x1] =	stream.indirect.gather [hbm4b:s2+s7], $0x8, s5, s7, $0xb8;
	[tilespmem:$0x7080] =	vst v63  }
0x3c: {  	s1 =	rddreg [dreg:$0x10]  }
0x3d: {  	s5 =	rddreg [dreg:$0xf]  }
0x3e: {  	[tilespmem:s4], [sflag:$0x1] =	stream.indirect.gather [hbm4b:s2+s7], $0x8, s31, s7, $0xb8;
	[tilespmem:$0x7080] =	vst v63  }
0x3f: {  	s4 =	rddreg [dreg:$0x12]  }
0x40: {  	s31 =	rddreg [dreg:$0x11]  }
0x41: {  	[tilespmem:s1], [sflag:$0x1] =	stream.indirect.gather [hbm4b:s2+s7], $0x8, s5, s7, $0xb8;
	[tilespmem:$0x7080] =	vst v63  }
0x42: {  	s1 =	rddreg [dreg:$0x14]  }
0x43: {  	s5 =	rddreg [dreg:$0x13]  }
0x44: {  	[tilespmem:s4], [sflag:$0x1] =	stream.indirect.gather [hbm4b:s2+s7], $0x8, s31, s7, $0xb8;
	[tilespmem:$0x7080] =	vst v63  }
0x45: {  	s4 =	rddreg [dreg:$0x16]  }
0x46: {  	s31 =	rddreg [dreg:$0x15]  }
0x47: {  	[tilespmem:s1], [sflag:$0x1] =	stream.indirect.gather [hbm4b:s2+s7], $0x8, s5, s7, $0xb8;
	[tilespmem:$0x7080] =	vst v63  }
0x48: {  	s1 =	rddreg [dreg:$0x18]  }
0x49: {  	s5 =	rddreg [dreg:$0x17]  }
0x4a: {  	[tilespmem:s4], [sflag:$0x1] =	stream.indirect.gather [hbm4b:s2+s7], $0x8, s31, s7, $0xb8;
	[tilespmem:$0x7080] =	vst v63  }
0x4b: {  	s4 =	rddreg [dreg:$0x1a]  }
0x4c: {  	s31 =	rddreg [dreg:$0x19]  }
0x4d: {  	[tilespmem:s1], [sflag:$0x1] =	stream.indirect.gather [hbm4b:s2+s7], $0x8, s5, s7, $0xb8;
	[tilespmem:$0x7080] =	vst v63  }
0x4e: {  	s1 =	rddreg [dreg:$0x1c]  }
0x4f: {  	s5 =	rddreg [dreg:$0x1b]  }
0x50: {  	[tilespmem:s4], [sflag:$0x1] =	stream.indirect.gather [hbm4b:s2+s7], $0x8, s31, s7, $0xb8;
	[tilespmem:$0x7080] =	vst v63  }
0x51: {  	s4 =	rddreg [dreg:$0x1e]  }
0x52: {  	[tilespmem:s1], [sflag:$0x1] =	stream.indirect.gather [hbm4b:s2+s7], $0x8, s5, s7, $0xb8;
	[tilespmem:$0x7080] =	vst v63  }
0x53: {  	s31 =	rddreg [dreg:$0x1d]  }
0x54: {  	[tilespmem:s4], [sflag:$0x1] =	stream.indirect.gather [hbm4b:s2+s7], $0x8, s31, s7, $0xb8;
	[tilespmem:$0x7080] =	vst v63  }
0x55: {  	_ = 	snop  }
0x56: {  	[tilespmem:s10], [sflag:$0x1] =	stream.indirect.gather [hbm4b:s2+s7], $0x8, s9, s7, $0xb8;
	[tilespmem:$0x7080] =	vst v63  }
0x57: {  	_ = 	snop  }
0x58: {  	[tilespmem:s12], [sflag:$0x1] =	stream.indirect.gather [hbm4b:s2+s7], $0x8, s11, s7, $0xb8;
	[tilespmem:$0x7080] =	vst v63  }
0x59: {  	_ = 	snop  }
0x5a: {  	[tilespmem:s14], [sflag:$0x1] =	stream.indirect.gather [hbm4b:s2+s7], $0x8, s13, s7, $0xb8;
	[tilespmem:$0x7080] =	vst v63  }
0x5b: {  	_ = 	snop  }
0x5c: {  	[tilespmem:s16], [sflag:$0x1] =	stream.indirect.gather [hbm4b:s2+s7], $0x8, s15, s7, $0xb8;
	[tilespmem:$0x7080] =	vst v63  }
0x5d: {  	_ = 	snop  }
0x5e: {  	[tilespmem:s18], [sflag:$0x1] =	stream.indirect.gather [hbm4b:s2+s7], $0x8, s17, s7, $0xb8;
	[tilespmem:$0x7080] =	vst v63  }
0x5f: {  	_ = 	snop  }
0x60: {  	[tilespmem:s20], [sflag:$0x1] =	stream.indirect.gather [hbm4b:s2+s7], $0x8, s19, s7, $0xb8;
	[tilespmem:$0x7080] =	vst v63  }
0x61: {  	_ = 	snop  }
0x62: {  	[tilespmem:s22], [sflag:$0x1] =	stream.indirect.gather [hbm4b:s2+s7], $0x8, s21, s7, $0xb8;
	[tilespmem:$0x7080] =	vst v63  }
0x63: {  	_ = 	snop  }
0x64: {  	[tilespmem:s24], [sflag:$0x1] =	stream.indirect.gather [hbm4b:s2+s7], $0x8, s23, s7, $0xb8;
	[tilespmem:$0x7080] =	vst v63  }
0x65: {  	_ = 	snop  }
0x66: {  	[tilespmem:s26], [sflag:$0x1] =	stream.indirect.gather [hbm4b:s2+s7], $0x8, s25, s7, $0xb8;
	[tilespmem:$0x7080] =	vst v63  }
0x67: {  	_ = 	snop  }
0x68: {  	[tilespmem:s29], [sflag:$0x1] =	stream.indirect.gather [hbm4b:s2+s7], $0x8, s28, s7, $0xb8;
	[tilespmem:$0x7080] =	vst v63  }
0x69: {  	_ =	swait.ge [sflag:s30], $0x400  }
0x6a: {  	[sflag:s30] =	ssyncset.done $0x0  }
0x6b: {  	[sflag:s30] =	ssyncadd.s32 $0xFFFFFC00  }
0x6c: {  	_ =	swait.ge [sflag:s30], $0x400  }
0x6d: {  	[sflag:s30] =	ssyncset.done $0x0  }
0x6e: {  	[sflag:s30] =	ssyncadd.s32 $0xFFFFFC00  }
0x6f: {  	_ =	swait.ge [sflag:s30], $0x400  }
0x70: {  	[sflag:s30] =	ssyncset.done $0x0  }
0x71: {  	[sflag:s30] =	ssyncadd.s32 $0xFFFFFC00  }
0x72: {  	_ =	swait.ge [sflag:s30], $0x400  }
0x73: {  	[sflag:s30] =	ssyncset.done $0x0  }
0x74: {  	[sflag:s30] =	ssyncadd.s32 $0xFFFFFC00  }
0x75: {  	_ =	swait.ge [sflag:s30], $0x400  }
0x76: {  	[sflag:s30] =	ssyncset.done $0x0  }
0x77: {  	[sflag:s30] =	ssyncadd.s32 $0xFFFFFC00  }
0x78: {  	_ =	swait.ge [sflag:s30], $0x400  }
0x79: {  	[sflag:s30] =	ssyncset.done $0x0  }
0x7a: {  	[sflag:s30] =	ssyncadd.s32 $0xFFFFFC00  }
0x7b: {  	_ =	swait.ge [sflag:s30], $0x400  }
0x7c: {  	[sflag:s30] =	ssyncset.done $0x0  }
0x7d: {  	[sflag:s30] =	ssyncadd.s32 $0xFFFFFC00  }
0x7e: {  	_ =	swait.ge [sflag:s30], $0x400  }
0x7f: {  	[sflag:s30] =	ssyncset.done $0x0  }
0x80: {  	[sflag:s30] =	ssyncadd.s32 $0xFFFFFC00  }
0x81: {  	_ =	swait.ge [sflag:s30], $0x400  }
0x82: {  	[sflag:s30] =	ssyncset.done $0x0  }
0x83: {  	[sflag:s30] =	ssyncadd.s32 $0xFFFFFC00  }
0x84: {  	_ =	swait.ge [sflag:s30], $0x400  }
0x85: {  	[sflag:s30] =	ssyncset.done $0x0  }
0x86: {  	[sflag:s30] =	ssyncadd.s32 $0xFFFFFC00  }
0x87: {  	_ =	swait.ge [sflag:s30], $0x400  }
0x88: {  	[sflag:s30] =	ssyncset.done $0x0  }
0x89: {  	[sflag:s30] =	ssyncadd.s32 $0xFFFFFC00  }
0x8a: {  	_ =	swait.ge [sflag:s30], $0x400  }
0x8b: {  	[sflag:s30] =	ssyncset.done $0x0  }
0x8c: {  	[sflag:s30] =	ssyncadd.s32 $0xFFFFFC00  }
0x8d: {  	_ =	swait.ge [sflag:s30], $0x400  }
0x8e: {  	[sflag:s30] =	ssyncset.done $0x0  }
0x8f: {  	[sflag:s30] =	ssyncadd.s32 $0xFFFFFC00  }
0x90: {  	_ =	swait.ge [sflag:s30], $0x400  }
0x91: {  	[sflag:s30] =	ssyncset.done $0x0  }
0x92: {  	[sflag:s30] =	ssyncadd.s32 $0xFFFFFC00  }
0x93: {  	_ =	swait.ge [sflag:s30], $0x400  }
0x94: {  	[sflag:s30] =	ssyncset.done $0x0  }
0x95: {  	[sflag:s30] =	ssyncadd.s32 $0xFFFFFC00  }
0x96: {  	_ =	swait.ge [sflag:s30], $0x400  }
0x97: {  	[sflag:s30] =	ssyncset.done $0x0  }
0x98: {  	[sflag:s30] =	ssyncadd.s32 $0xFFFFFC00  }
0x99: {  	_ =	swait.ge [sflag:s30], $0x400  }
0x9a: {  	[sflag:s30] =	ssyncset.done $0x0  }
0x9b: {  	[sflag:s30] =	ssyncadd.s32 $0xFFFFFC00  }
0x9c: {  	_ =	swait.ge [sflag:s30], $0x400  }
0x9d: {  	[sflag:s30] =	ssyncset.done $0x0  }
0x9e: {  	[sflag:s30] =	ssyncadd.s32 $0xFFFFFC00  }
0x9f: {  	_ =	swait.ge [sflag:s30], $0x400  }
0xa0: {  	[sflag:s30] =	ssyncset.done $0x0  }
0xa1: {  	[sflag:s30] =	ssyncadd.s32 $0xFFFFFC00  }
0xa2: {  	_ =	swait.ge [sflag:s30], $0x400  }
0xa3: {  	[sflag:s30] =	ssyncset.done $0x0  }
0xa4: {  	[sflag:s30] =	ssyncadd.s32 $0xFFFFFC00  }
0xa5: {  	_ =	swait.ge [sflag:s30], $0x400  }
0xa6: {  	[sflag:s30] =	ssyncset.done $0x0  }
0xa7: {  	[sflag:s30] =	ssyncadd.s32 $0xFFFFFC00  }
0xa8: {  	_ =	swait.ge [sflag:s30], $0x400  }
0xa9: {  	s5 =	sld [smem:$0x7FD];
	_ =	sdelay $0x1  }
0xaa: {  	[sflag:s30] =	ssyncset.done $0x0  }
0xab: {  	s0 =	simm.s32 $0x190;
	[sflag:s30] =	ssyncadd.s32 $0xFFFFFC00;
	s1 =	smov.u32 s5  }
.LBB2_2:
0xac: {  	_ =	swait.ge [sflag:s30], $0x400  }
0xad: {  	[sflag:s30] =	ssyncset.done $0x0  }
0xae: {  	[sflag:s30] =	ssyncadd.s32 $0xFFFFFC00  }
0xaf: {  	_ =	swait.ge [sflag:s30], $0x400  }
0xb0: {  	[sflag:s30] =	ssyncset.done $0x0  }
0xb1: {  	[sflag:s30] =	ssyncadd.s32 $0xFFFFFC00  }
0xb2: {  	_ =	swait.ge [sflag:s30], $0x400  }
0xb3: {  	[sflag:s30] =	ssyncset.done $0x0  }
0xb4: {  	[sflag:s30] =	ssyncadd.s32 $0xFFFFFC00  }
0xb5: {  	[hbm4b:s5+s3] =	stream.linear.scatter [tilespmem:s8], [sflag:$0x2], $0x6400, $0x38;
	[tilespmem:$0x7080] =	vst v63  }
0xb6: {  	_ =	swait.ge [sflag:s6], $0x6400  }
0xb7: {  	s4 =	smov.u32 s0;
	s9 =	rddreg [dreg:$0x3];
	[sflag:s6] =	ssyncset.done $0x0  }
0xb8: {  	[sflag:s6] =	ssyncadd.s32 $0xFFFF9C00;
	s4 =	sadd.s32 s4, s9  }
0xb9: {  	[tilespmem:s3], [sflag:$0x2] =	stream.linear.gather [hbm4b:s4+s3], $0xC80, $0x38;
	[tilespmem:$0x7080] =	vst v63  }
0xba: {  	_ =	swait.ge [sflag:s6], $0xC80  }
0xbb: {  	s4 =	rddreg [dreg:$0x1e]  }
0xbc: {  	s31 =	rddreg [dreg:$0x1c]  }
0xbd: {  	s9 =	rddreg [dreg:$0x1a]  }
0xbe: {  	s10 =	rddreg [dreg:$0x18]  }
0xbf: {  	s11 =	rddreg [dreg:$0x16]  }
0xc0: {  	s12 =	rddreg [dreg:$0x14]  }
0xc1: {  	s13 =	rddreg [dreg:$0x12]  }
0xc2: {  	s14 =	rddreg [dreg:$0x10]  }
0xc3: {  	s15 =	rddreg [dreg:$0xe]  }
0xc4: {  	s16 =	rddreg [dreg:$0xc]  }
0xc5: {  	s17 =	rddreg [dreg:$0xa]  }
0xc6: {  	[sflag:s6] =	ssyncset.done $0x0;
	s18 =	rddreg [dreg:$0x5]  }
0xc7: {  	s19 =	rddreg [dreg:$0x4];
	[sflag:s6] =	ssyncadd.s32 $0xFFFFF380  }
0xc8: {  	[tilespmem:s8], [sflag:$0x1] =	stream.indirect.gather [hbm4b:s2+s7], $0x8, s3, s7, $0xb8;
	[tilespmem:$0x7080] =	vst v63  }
0xc9: {  	s20 =	rddreg [dreg:$0x6]  }
0xca: {  	[tilespmem:s19], [sflag:$0x1] =	stream.indirect.gather [hbm4b:s2+s7], $0x8, s7, s7, $0xb8;
	[tilespmem:$0x7080] =	vst v63  }
0xcb: {  	s21 =	rddreg [dreg:$0x8]  }
0xcc: {  	[tilespmem:s20], [sflag:$0x1] =	stream.indirect.gather [hbm4b:s2+s7], $0x8, s18, s7, $0xb8;
	[tilespmem:$0x7080] =	vst v63  }
0xcd: {  	s19 =	rddreg [dreg:$0x7]  }
0xce: {  	[tilespmem:s21], [sflag:$0x1] =	stream.indirect.gather [hbm4b:s2+s7], $0x8, s19, s7, $0xb8;
	[tilespmem:$0x7080] =	vst v63  }
0xcf: {  	s18 =	rddreg [dreg:$0x9]  }
0xd0: {  	[tilespmem:s17], [sflag:$0x1] =	stream.indirect.gather [hbm4b:s2+s7], $0x8, s18, s7, $0xb8;
	[tilespmem:$0x7080] =	vst v63  }
0xd1: {  	s19 =	rddreg [dreg:$0xb]  }
0xd2: {  	[tilespmem:s16], [sflag:$0x1] =	stream.indirect.gather [hbm4b:s2+s7], $0x8, s19, s7, $0xb8;
	[tilespmem:$0x7080] =	vst v63  }
0xd3: {  	s17 =	rddreg [dreg:$0xd]  }
0xd4: {  	[tilespmem:s15], [sflag:$0x1] =	stream.indirect.gather [hbm4b:s2+s7], $0x8, s17, s7, $0xb8;
	[tilespmem:$0x7080] =	vst v63  }
0xd5: {  	s16 =	rddreg [dreg:$0xf]  }
0xd6: {  	[tilespmem:s14], [sflag:$0x1] =	stream.indirect.gather [hbm4b:s2+s7], $0x8, s16, s7, $0xb8;
	[tilespmem:$0x7080] =	vst v63  }
0xd7: {  	s15 =	rddreg [dreg:$0x11]  }
0xd8: {  	[tilespmem:s13], [sflag:$0x1] =	stream.indirect.gather [hbm4b:s2+s7], $0x8, s15, s7, $0xb8;
	[tilespmem:$0x7080] =	vst v63  }
0xd9: {  	s14 =	rddreg [dreg:$0x13]  }
0xda: {  	[tilespmem:s12], [sflag:$0x1] =	stream.indirect.gather [hbm4b:s2+s7], $0x8, s14, s7, $0xb8;
	[tilespmem:$0x7080] =	vst v63  }
0xdb: {  	s13 =	rddreg [dreg:$0x15]  }
0xdc: {  	[tilespmem:s11], [sflag:$0x1] =	stream.indirect.gather [hbm4b:s2+s7], $0x8, s13, s7, $0xb8;
	[tilespmem:$0x7080] =	vst v63  }
0xdd: {  	s12 =	rddreg [dreg:$0x17]  }
0xde: {  	[tilespmem:s10], [sflag:$0x1] =	stream.indirect.gather [hbm4b:s2+s7], $0x8, s12, s7, $0xb8;
	[tilespmem:$0x7080] =	vst v63  }
0xdf: {  	s11 =	rddreg [dreg:$0x19]  }
0xe0: {  	[tilespmem:s9], [sflag:$0x1] =	stream.indirect.gather [hbm4b:s2+s7], $0x8, s11, s7, $0xb8;
	[tilespmem:$0x7080] =	vst v63  }
0xe1: {  	s10 =	rddreg [dreg:$0x1b]  }
0xe2: {  	[tilespmem:s31], [sflag:$0x1] =	stream.indirect.gather [hbm4b:s2+s7], $0x8, s10, s7, $0xb8;
	[tilespmem:$0x7080] =	vst v63  }
0xe3: {  	s9 =	rddreg [dreg:$0x1d]  }
0xe4: {  	[tilespmem:s4], [sflag:$0x1] =	stream.indirect.gather [hbm4b:s2+s7], $0x8, s9, s7, $0xb8;
	[tilespmem:$0x7080] =	vst v63  }
0xe5: {  	s10 =	simm.s32 $0x4880;
	s9 =	simm.s32 $0x780  }
0xe6: {  	[tilespmem:s10], [sflag:$0x1] =	stream.indirect.gather [hbm4b:s2+s7], $0x8, s9, s7, $0xb8;
	[tilespmem:$0x7080] =	vst v63  }
0xe7: {  	s12 =	simm.s32 $0x4C80;
	s11 =	simm.s32 $0x800  }
0xe8: {  	[tilespmem:s12], [sflag:$0x1] =	stream.indirect.gather [hbm4b:s2+s7], $0x8, s11, s7, $0xb8;
	[tilespmem:$0x7080] =	vst v63  }
0xe9: {  	s14 =	simm.s32 $0x5080;
	s13 =	simm.s32 $0x880  }
0xea: {  	[tilespmem:s14], [sflag:$0x1] =	stream.indirect.gather [hbm4b:s2+s7], $0x8, s13, s7, $0xb8;
	[tilespmem:$0x7080] =	vst v63  }
0xeb: {  	s16 =	simm.s32 $0x5480;
	s15 =	simm.s32 $0x900  }
0xec: {  	[tilespmem:s16], [sflag:$0x1] =	stream.indirect.gather [hbm4b:s2+s7], $0x8, s15, s7, $0xb8;
	[tilespmem:$0x7080] =	vst v63  }
0xed: {  	s18 =	simm.s32 $0x5880;
	s17 =	simm.s32 $0x980  }
0xee: {  	[tilespmem:s18], [sflag:$0x1] =	stream.indirect.gather [hbm4b:s2+s7], $0x8, s17, s7, $0xb8;
	[tilespmem:$0x7080] =	vst v63  }
0xef: {  	s20 =	simm.s32 $0x5C80;
	s19 =	simm.s32 $0xA00  }
0xf0: {  	[tilespmem:s20], [sflag:$0x1] =	stream.indirect.gather [hbm4b:s2+s7], $0x8, s19, s7, $0xb8;
	[tilespmem:$0x7080] =	vst v63  }
0xf1: {  	s21 =	simm.s32 $0xA80  }
0xf2: {  	[tilespmem:s22], [sflag:$0x1] =	stream.indirect.gather [hbm4b:s2+s7], $0x8, s21, s7, $0xb8;
	[tilespmem:$0x7080] =	vst v63  }
0xf3: {  	_ = 	snop  }
0xf4: {  	[tilespmem:s24], [sflag:$0x1] =	stream.indirect.gather [hbm4b:s2+s7], $0x8, s23, s7, $0xb8;
	[tilespmem:$0x7080] =	vst v63  }
0xf5: {  	_ = 	snop  }
0xf6: {  	[tilespmem:s26], [sflag:$0x1] =	stream.indirect.gather [hbm4b:s2+s7], $0x8, s25, s7, $0xb8;
	[tilespmem:$0x7080] =	vst v63  }
0xf7: {  	_ = 	snop  }
0xf8: {  	[tilespmem:s29], [sflag:$0x1] =	stream.indirect.gather [hbm4b:s2+s7], $0x8, s28, s7, $0xb8;
	[tilespmem:$0x7080] =	vst v63  }
0xf9: {  	_ =	swait.ge [sflag:s30], $0x400  }
0xfa: {  	[sflag:s30] =	ssyncset.done $0x0  }
0xfb: {  	[sflag:s30] =	ssyncadd.s32 $0xFFFFFC00  }
0xfc: {  	_ =	swait.ge [sflag:s30], $0x400  }
0xfd: {  	[sflag:s30] =	ssyncset.done $0x0  }
0xfe: {  	[sflag:s30] =	ssyncadd.s32 $0xFFFFFC00  }
0xff: {  	_ =	swait.ge [sflag:s30], $0x400  }
0x100: {  	[sflag:s30] =	ssyncset.done $0x0  }
0x101: {  	[sflag:s30] =	ssyncadd.s32 $0xFFFFFC00  }
0x102: {  	_ =	swait.ge [sflag:s30], $0x400  }
0x103: {  	[sflag:s30] =	ssyncset.done $0x0  }
0x104: {  	[sflag:s30] =	ssyncadd.s32 $0xFFFFFC00  }
0x105: {  	_ =	swait.ge [sflag:s30], $0x400  }
0x106: {  	[sflag:s30] =	ssyncset.done $0x0  }
0x107: {  	[sflag:s30] =	ssyncadd.s32 $0xFFFFFC00  }
0x108: {  	_ =	swait.ge [sflag:s30], $0x400  }
0x109: {  	[sflag:s30] =	ssyncset.done $0x0  }
0x10a: {  	[sflag:s30] =	ssyncadd.s32 $0xFFFFFC00  }
0x10b: {  	_ =	swait.ge [sflag:s30], $0x400  }
0x10c: {  	[sflag:s30] =	ssyncset.done $0x0  }
0x10d: {  	[sflag:s30] =	ssyncadd.s32 $0xFFFFFC00  }
0x10e: {  	_ =	swait.ge [sflag:s30], $0x400  }
0x10f: {  	[sflag:s30] =	ssyncset.done $0x0  }
0x110: {  	[sflag:s30] =	ssyncadd.s32 $0xFFFFFC00  }
0x111: {  	_ =	swait.ge [sflag:s30], $0x400  }
0x112: {  	[sflag:s30] =	ssyncset.done $0x0  }
0x113: {  	[sflag:s30] =	ssyncadd.s32 $0xFFFFFC00  }
0x114: {  	_ =	swait.ge [sflag:s30], $0x400  }
0x115: {  	[sflag:s30] =	ssyncset.done $0x0  }
0x116: {  	[sflag:s30] =	ssyncadd.s32 $0xFFFFFC00  }
0x117: {  	_ =	swait.ge [sflag:s30], $0x400  }
0x118: {  	[sflag:s30] =	ssyncset.done $0x0  }
0x119: {  	[sflag:s30] =	ssyncadd.s32 $0xFFFFFC00  }
0x11a: {  	_ =	swait.ge [sflag:s30], $0x400  }
0x11b: {  	[sflag:s30] =	ssyncset.done $0x0  }
0x11c: {  	[sflag:s30] =	ssyncadd.s32 $0xFFFFFC00  }
0x11d: {  	_ =	swait.ge [sflag:s30], $0x400  }
0x11e: {  	[sflag:s30] =	ssyncset.done $0x0  }
0x11f: {  	[sflag:s30] =	ssyncadd.s32 $0xFFFFFC00  }
0x120: {  	_ =	swait.ge [sflag:s30], $0x400  }
0x121: {  	[sflag:s30] =	ssyncset.done $0x0  }
0x122: {  	[sflag:s30] =	ssyncadd.s32 $0xFFFFFC00  }
0x123: {  	_ =	swait.ge [sflag:s30], $0x400  }
0x124: {  	[sflag:s30] =	ssyncset.done $0x0  }
0x125: {  	[sflag:s30] =	ssyncadd.s32 $0xFFFFFC00  }
0x126: {  	_ =	swait.ge [sflag:s30], $0x400  }
0x127: {  	[sflag:s30] =	ssyncset.done $0x0  }
0x128: {  	[sflag:s30] =	ssyncadd.s32 $0xFFFFFC00  }
0x129: {  	_ =	swait.ge [sflag:s30], $0x400  }
0x12a: {  	[sflag:s30] =	ssyncset.done $0x0  }
0x12b: {  	[sflag:s30] =	ssyncadd.s32 $0xFFFFFC00  }
0x12c: {  	_ =	swait.ge [sflag:s30], $0x400  }
0x12d: {  	[sflag:s30] =	ssyncset.done $0x0  }
0x12e: {  	[sflag:s30] =	ssyncadd.s32 $0xFFFFFC00  }
0x12f: {  	_ =	swait.ge [sflag:s30], $0x400  }
0x130: {  	[sflag:s30] =	ssyncset.done $0x0  }
0x131: {  	[sflag:s30] =	ssyncadd.s32 $0xFFFFFC00  }
0x132: {  	_ =	swait.ge [sflag:s30], $0x400  }
0x133: {  	[sflag:s30] =	ssyncset.done $0x0  }
0x134: {  	[sflag:s30] =	ssyncadd.s32 $0xFFFFFC00  }
0x135: {  	p0 =	sne.s32 s0, $0xC1C0;
	_ =	swait.ge [sflag:s30], $0x400  }
.Ltmp0:
0x136: {  	[sflag:s30] =	ssyncset.done $0x0;
	(pc) =	sbr.rel @p0 .LBB2_2-.Ltmp0, $4  }
0x137: {  	[sflag:s30] =	ssyncadd.s32 $0xFFFFFC00  }
0x138: {  	_ =	swait.ge [sflag:s30], $0x400  }
0x139: {  	s1 =	sadd.s32 $0xC80, s1;
	[sflag:s30] =	ssyncset.done $0x0  }
0x13a: {  	s0 =	sadd.s32 $0x190, s0;
	s5 =	smov.u32 s1;
	[sflag:s30] =	ssyncadd.s32 $0xFFFFFC00  }
0x13b: {  	_ =	swait.ge [sflag:s30], $0x400  }
0x13c: {  	[sflag:s30] =	ssyncset.done $0x0  }
0x13d: {  	[sflag:s30] =	ssyncadd.s32 $0xFFFFFC00  }
0x13e: {  	_ =	swait.ge [sflag:s30], $0x400  }
0x13f: {  	[sflag:s30] =	ssyncset.done $0x0  }
0x140: {  	[sflag:s30] =	ssyncadd.s32 $0xFFFFFC00  }
0x141: {  	_ =	swait.ge [sflag:s30], $0x400  }
0x142: {  	[sflag:s30] =	ssyncset.done $0x0  }
0x143: {  	[sflag:s30] =	ssyncadd.s32 $0xFFFFFC00  }
0x144: {  	[hbm4b:s5+s3] =	stream.linear.scatter [tilespmem:s8], [sflag:$0x2], $0x6400, $0x38;
	[tilespmem:$0x7080] =	vst v63  }
0x145: {  	_ =	swait.ge [sflag:s6], $0x6400  }
0x146: {  	s1 =	sld [smem:$0x7FC];
	_ =	sdelay $0x2  }
0x147: {  	s0 =	rddreg [dreg:$0x1f];
	s1 =	sadd.s32 $0x1, s1  }
0x148: {  	p0 =	sne.s32 s1, s0  }
.Ltmp1:
0x149: {  	_ = 	snop;
	(pc) =	sbr.rel @p0 .LBB2_1-.Ltmp1, $3  }
0x14a: {  	_ =	sdelay $0x1  }
0x14b: {  	[sflag:s6] =	ssyncset.done $0x0  }
0x14c: {  	[sflag:s6] =	ssyncadd.s32 $0xFFFF9C00  }
0x14d: {  	_ =	sfence.sel $0x180000  }
0x14e: {  	[bflag:$0x0] =	sbarrier.arrive $0xFFFF  }
0x14f: {  	_ =	strace $0x90000056  }
0x150: {  	s0 =	stileid.u32;
	[bflag:$0x2] =	sbarrier.arrive $0xFFFF  }
0x151: {  	p0 =	sne.s32 s0, $0x0;
	s0 =	rddreg [dreg:$0x2]  }
0x152: {  	s0 =	sadd.s32 @!p0 $0x100000, s0  }
0x153: {  	[sflag:s0] =	ssyncadd.tile.s32 @!p0 $0x1;
	_ =	shalt  }
.Lfunc_end2:
_tile_overlayer_lowered:
.L_overlay_start_2:
0x154: {  	(tag) =	ssettag $0x2  }
0x155: {  	s0 =	rddreg [dreg:$0x0];
	s2 =	stileid.u32  }
0x156: {  	s1 =	rddreg [dreg:$0x1];
	p0 =	sne.s32 s2, $0x0  }
0x157: {  	s3 =	rddreg [dreg:$0x2];
	[bflag:$0x3] =	sbarrier.arrive $0xFFFF;
	s2 =	simm.s32 @!p0 $0x1C02  }
0x158: {  	[timem:s3], [sflag:s2] =	dma.local @!p0 [hbm:s0], s1  }
0x159: {  	s0 =	simm.s32 @!p0 $0x2  }
0x15a: {  	_ =	swait.ge @!p0 [sflag:s0], s1  }
0x15b: {  	s1 =	ssub.s32 @!p0 $0x0, s1;
	[sflag:s0] =	ssyncset.done @!p0 $0x0  }
0x15c: {  	[sflag:s0] =	ssyncadd.s32 @!p0 s1  }
0x15d: {  	[bflag:$0x3] =	sbarrier.arrive $0xFFFF  }
0x15e: {  	_ =	shalt  }

// kernel: scatter_offload_async_start
scs
__scs_entry_jumppad:
0x0: {  	(pc) =	sbr.rel $0x88, $3  }
0x1: {  	(tag) =	ssettag $0x0;
	lr =	simm.s32 $0x1  }
0x2: {  	[smem:$0x3F9E] =	sst lr;
	_ =	strace $0xD0000000  }
0x3: {  	_ = 	snop  }
0x4: {  	_ = 	snop  }
0x5: {  	_ = 	snop  }
0x6: {  	_ = 	snop  }
0x7: {  	_ = 	snop  }
__scs_overlays_trampoline_lowered:
0x8: {  	[smem:$0x3FAD] =	sst s0  }
0x9: {  	[smem:$0x3FAE] =	sst s1  }
0xa: {  	[smem:$0x3FAF] =	sst s2  }
0xb: {  	[smem:$0x3FB0] =	sst s3  }
0xc: {  	[smem:$0x3FB1] =	sst s4  }
0xd: {  	[smem:$0x3FB2] =	sst s5  }
0xe: {  	[smem:$0x3FB3] =	sst s6  }
0xf: {  	[smem:$0x3FB4] =	sst s7  }
0x10: {  	[smem:$0x3FB5] =	sst s8  }
0x11: {  	[smem:$0x3FB6] =	sst s9;
	s0 =	simm.s32 @!p0 $0x0  }
0x12: {  	s1 =	sld [smem:$0x3F9C];
	s0 =	simm.s32 @p0 $0x1  }
0x13: {  	[smem:$0x3FB7] =	sst s0;
	s0 =	simm.s32 @!p1 $0x0  }
0x14: {  	s2 =	sld [smem:$0x3F9B];
	s0 =	simm.s32 @p1 $0x1  }
0x15: {  	[smem:$0x3FB8] =	sst s0;
	s0 =	simm.s32 @!p2 $0x0  }
0x16: {  	s3 =	sld [smem:$0x3FDB];
	s0 =	simm.s32 @p2 $0x1  }
0x17: {  	s4 =	simm.s32 $0x1BF5;
	[smem:$0x3FBA] =	sst s0  }
0x18: {  	s0 =	sld [smem:$0x3F9D];
	_ =	swait.ge [sflag:s4], $0x0  }
0x19: {  	s7 =	sld [smem:$0x3F9E]  }
0x1a: {  	s8 =	sadd.s32 $0xFFFFE003, lr  }
0x1b: {  	s9 =	sadd.s32 $0xFFFFFEF7, lr;
	s5 =	simm.s32 $0xFFFFFFFF;
	p2 =	slt.u32 s8, $0xFFFFF086  }
0x1c: {  	p1 =	slt.u32 s9, $0xF7A;
	s5 =	simm.s32 @!p2 $0x0  }
0x1d: {  	s5 =	simm.s32 @p1 $0x1;
	p0 =	seq.s32 s7, s2  }
0x1e: {  	s7 =	smul.u32 @!p0 $0xF7A, s2;
	p2 =	seq.s32 @!p0 s5, $0x0  }
0x1f: {  	s9 =	smul.u32 $0xF7A, s1;
	s8 =	simm.s32 @!p0 $0x1BF5;
	p2 =	por !p2, p0  }
0x20: {  	[sflag:s8] =	ssyncset.s32 @!p0 $0xFFFFF086;
	s6 =	sadd.s32 @!p0 s3, s7;
	s7 =	simm.s32 @!p0 $0x108  }
0x21: {  	s3 =	sadd.s32 s3, s9;
	s6 =	sadd.s32 @!p0 $0x88, s6;
	s7 =	simm.s32 @p2 $0x1082  }
0x22: {  	[simem:s7], [sflag:s8] =	dma.local @!p0 [hbm:s6], $0xF7A  }
0x23: {  	s9 =	sor.u32 $0xD0000000, s2;
	s6 =	simm.s32 $0x108;
	_ =	swait.ge @!p0 [sflag:s8], $0x0  }
0x24: {  	s3 =	sadd.s32 $0x88, s3;
	s6 =	simm.s32 @!p1 $0x1082;
	[sflag:s4] =	ssyncset.s32 $0xFFFFF086  }
0x25: {  	[simem:s6], [sflag:s4] =	dma.local [hbm:s3], $0xF7A  }
0x26: {  	[smem:$0x3F9E] =	sst s1;
	(tag) =	ssettag s2;
	_ =	strace s9  }
0x27: {  	s1 =	sld [smem:$0x3FAE]  }
0x28: {  	s2 =	sld [smem:$0x3FAF]  }
0x29: {  	s4 =	sld [smem:$0x3FB1]  }
0x2a: {  	p0 =	seq.s32 s5, $0x0;
	s5 =	sld [smem:$0x3FB2]  }
0x2b: {  	s6 =	sld [smem:$0x3FB3]  }
0x2c: {  	s7 =	sld [smem:$0x3FB4]  }
0x2d: {  	s3 =	simm.s32 $0x108;
	s8 =	sld [smem:$0x3FB5]  }
0x2e: {  	s3 =	simm.s32 @!p0 $0x1082;
	s9 =	sld [smem:$0x3FB6]  }
0x2f: {  	lr =	sadd.s32 s0, s3;
	s0 =	sld [smem:$0x3FAD]  }
0x30: {  	s3 =	sld [smem:$0x3FB0]  }
0x31: {  	[smem:$0x3FB9] =	sst s10  }
0x32: {  	s10 =	sld [smem:$0x3FB7];
	_ =	sdelay $0x3  }
0x33: {  	p0 =	seq.s32 s10, $0x1;
	s10 =	sld [smem:$0x3FB9];
	_ =	sdelay $0x3  }
0x34: {  	[smem:$0x3FB9] =	sst s10  }
0x35: {  	s10 =	sld [smem:$0x3FB8];
	_ =	sdelay $0x3  }
0x36: {  	p1 =	seq.s32 s10, $0x1;
	s10 =	sld [smem:$0x3FB9];
	_ =	sdelay $0x3  }
0x37: {  	[smem:$0x3FB9] =	sst s10  }
0x38: {  	s10 =	sld [smem:$0x3FBA]  }
0x39: {  	_ = 	snop;
	(pc) =	sbr.ind lr, $3  }
0x3a: {  	_ = 	snop  }
0x3b: {  	_ = 	snop  }
0x3c: {  	p2 =	seq.s32 s10, $0x1;
	s10 =	sld [smem:$0x3FB9]  }
0x3d: {  	_ =	shalt  }
0x3e: {  	_ =	shalt  }
0x3f: {  	_ =	shalt  }
0x40: {  	_ =	shalt  }
0x41: {  	_ =	shalt  }
0x42: {  	_ =	shalt  }
0x43: {  	_ =	shalt  }
0x44: {  	_ =	shalt  }
0x45: {  	_ =	shalt  }
0x46: {  	_ =	shalt  }
0x47: {  	_ =	shalt  }
0x48: {  	_ =	shalt  }
0x49: {  	_ =	shalt  }
0x4a: {  	_ =	shalt  }
0x4b: {  	_ =	shalt  }
0x4c: {  	_ =	shalt  }
0x4d: {  	_ =	shalt  }
0x4e: {  	_ =	shalt  }
0x4f: {  	_ =	shalt  }
0x50: {  	_ =	shalt  }
0x51: {  	_ =	shalt  }
0x52: {  	_ =	shalt  }
0x53: {  	_ =	shalt  }
0x54: {  	_ =	shalt  }
0x55: {  	_ =	shalt  }
0x56: {  	_ =	shalt  }
0x57: {  	_ =	shalt  }
0x58: {  	_ =	shalt  }
0x59: {  	_ =	shalt  }
0x5a: {  	_ =	shalt  }
0x5b: {  	_ =	shalt  }
0x5c: {  	_ =	shalt  }
0x5d: {  	_ =	shalt  }
0x5e: {  	_ =	shalt  }
0x5f: {  	_ =	shalt  }
0x60: {  	_ =	shalt  }
0x61: {  	_ =	shalt  }
0x62: {  	_ =	shalt  }
0x63: {  	_ =	shalt  }
0x64: {  	_ =	shalt  }
0x65: {  	_ =	shalt  }
0x66: {  	_ =	shalt  }
0x67: {  	_ =	shalt  }
0x68: {  	_ =	shalt  }
0x69: {  	_ =	shalt  }
0x6a: {  	_ =	shalt  }
0x6b: {  	_ =	shalt  }
0x6c: {  	_ =	shalt  }
0x6d: {  	_ =	shalt  }
0x6e: {  	_ =	shalt  }
0x6f: {  	_ =	shalt  }
0x70: {  	_ =	shalt  }
0x71: {  	_ =	shalt  }
0x72: {  	_ =	shalt  }
0x73: {  	_ =	shalt  }
0x74: {  	_ =	shalt  }
0x75: {  	_ =	shalt  }
0x76: {  	_ =	shalt  }
0x77: {  	_ =	shalt  }
0x78: {  	_ =	shalt  }
0x79: {  	_ =	shalt  }
0x7a: {  	_ =	shalt  }
0x7b: {  	_ =	shalt  }
0x7c: {  	_ =	shalt  }
0x7d: {  	_ =	shalt  }
0x7e: {  	_ =	shalt  }
0x7f: {  	_ =	shalt  }
0x80: {  	_ =	shalt  }
0x81: {  	_ =	shalt  }
0x82: {  	_ =	shalt  }
0x83: {  	_ =	shalt  }
0x84: {  	_ =	shalt  }
0x85: {  	_ =	shalt  }
0x86: {  	_ =	shalt  }
0x87: {  	_ =	shalt  }
.Lfunc_end0:
.L_simem_size_0:
called_computation_lowered:
.L_overlay_start_0:
0x88: {  	s0 =	sld [smem:$0x3FD9]  }
0x89: {  	s1 =	sld [smem:$0x3FFE];
	_ =	sdelay $0x3  }
0x8a: {  	s0 =	sadd.s32 s1, s0  }
0x8b: {  	[smem:$0x3FC5] =	sst s0  }
0x8c: {  	_ = 	snop  }
0x8d: {  	s0 =	sld [smem:$0x3FD0];
	_ =	sdelay $0x2  }
0x8e: {  	s13 =	simm.s32 $0xB;
	s2 =	simm.s32 $0x10  }
0x8f: {  	[smem:s2], [sflag:s13] =	dma.local [hbm:s0], $0x1  }
0x90: {  	_ =	swait.eq [sflag:s13], $0x1  }
0x91: {  	[sflag:s13] =	ssyncset.done $0x0  }
0x92: {  	[sflag:s13] =	ssyncadd.s32 $0xFFFFFFFF  }
0x93: {  	s14 =	sld [smem:$0x10];
	(tm) =	ssettm $0x1  }
0x94: {  	s15 =	sld [smem:$0x3FFB];
	_ =	sdelay $0x3  }
0x95: {  	_ =	strace s15  }
0x96: {  	s1 =	sld [smem:$0x3FFC];
	_ =	sdelay $0x3  }
0x97: {  	_ =	strace s1  }
0x98: {  	s1 =	sld [smem:$0x3FFD];
	_ =	sdelay $0x3  }
0x99: {  	_ =	strace s1  }
0x9a: {  	_ =	strace $0x8FFFFFFF  }
0x9b: {  	s16 =	sld [smem:$0x3FDB];
	_ =	sdelay $0x1  }
0x9c: {  	s17 =	simm.s32 $_scs_section_size  }
0x9d: {  	s3 =	simm.s32 $_size__tile_overlayer_lowered;
	s4 =	simm.s32 $_tile_overlayer_lowered  }
0x9e: {  	s20 =	simm.s32 $0x1BFF;
	s19 =	sshll.u32 s4, $0x1;
	s1 =	sadd.s32 s17, s16  }
0x9f: {  	s5 =	simm.s32 $0x0;
	s18 =	sshll.u32 s3, $0x1;
	s3 =	sadd.s32 s19, s1  }
0xa0: {  	[timem:s5], [sflag:s20] =	dma.local [hbm:s3], s18  }
0xa1: {  	_ =	swait.ge [sflag:s20], s18  }
0xa2: {  	s2 =	ssub.s32 $0x0, s18;
	[sflag:s20] =	ssyncset.done $0x0  }
0xa3: {  	[sflag:s20] =	ssyncadd.s32 s2;
	_ =	sdelay $0x1  }
0xa4: {  	s21 =	simm.s32 $0x1B8B  }
0xa5: {  	_ =	swait.ge [sflag:s21], $0x1  }
0xa6: {  	[sflag:s21] =	ssyncset.done $0x0  }
0xa7: {  	s23 =	simm.s32 $0x1B8E;
	s22 =	sld [smem:$0x3FFE];
	[sflag:s21] =	ssyncadd.s32 $0xFFFFFFFF  }
0xa8: {  	s24 =	simm.s32 $execute0_lowered;
	[smem:$0x3FD2] =	sst s23  }
0xa9: {  	s3 =	sshll.u32 s24, $0x1;
	_ =	strace $0x80000046;
	[dreg:$0x1] =	wrdreg $0xFFFFFFFF  }
0xaa: {  	s25 =	simm.s32 $_size_execute0_lowered;
	s1 =	sadd.s32 s1, s3;
	[dreg:$0x0] =	wrdreg $0x0  }
0xab: {  	s3 =	sshll.u32 s25, $0x1;
	[dreg:$0x2] =	wrdreg s1  }
0xac: {  	[dreg:$0x3] =	wrdreg s3  }
0xad: {  	[dreg:$0x4] =	wrdreg $0xC0  }
0xae: {  	_ =	task [dreg:s5], $0x5FFFF  }
0xaf: {  	[dreg:$0x1] =	wrdreg $0xFFFFFFFF  }
0xb0: {  	[dreg:$0x0] =	wrdreg $0x60  }
0xb1: {  	[dreg:$0x2] =	wrdreg s22  }
0xb2: {  	[dreg:$0x3] =	wrdreg s14  }
0xb3: {  	[dreg:$0x4] =	wrdreg $0x9  }
0xb4: {  	_ =	task.clear_ibuf [dreg:s5], $0x5FFFF;
	_ =	strace $0x90000046  }
0xb5: {  	s26 =	simm.s32 $0x9;
	_ =	strace $0x80000048  }
0xb6: {  	_ =	swait.ge [sflag:s26], $0x1  }
0xb7: {  	[sflag:s26] =	ssyncadd.s32 $0xFFFFFFFF  }
0xb8: {  	_ =	strace $0x90000048  }
0xb9: {  	_ =	sfence  }
0xba: {  	s28 =	sld [smem:$0x0];
	_ =	sdelay $0x1  }
0xbb: {  	s29 =	srdreg.scid  }
0xbc: {  	s30 =	sshll.u32 s29, $0xD;
	s31 =	sshrl.u32 s29, $0x2  }
0xbd: {  	s2 =	sand.u32 $0x4000, s30;
	s1 =	sand.u32 $0x1, s29;
	s0 =	sadd.s32 s31, s28  }
0xbe: {  	s1 =	sor.u32 s2, s1;
	s0 =	sshll.u32 s0, $0x11  }
0xbf: {  	s0 =	sor.u32 s0, s1  }
0xc0: {  	s0 =	sadd.s32 $0x8F2B, s0  }
0xc1: {  	[sflag:s0] =	ssyncadd.remote.s32 $0x1  }
0xc2: {  	_ =	sfence.sel $0xFFFF  }
0xc3: {  	[dreg:$0x0] =	wrdreg $0xFFFFFFFF;
	(pc) =	sbr.abs _section_cstart, $3  }
0xc4: {  	[dreg:$0x1] =	wrdreg $0xFFFFFFFF  }
0xc5: {  	_ =	task.clear_ibuf [dreg:s5], $0x2FFFF;
	_ =	strace $0x9FFFFFFF  }
0xc6: {  	(tm) =	ssettm $0x7FFFFFFF  }
0xc7: {  	_ =	shalt  }
tec
execute0_lowered:
.L_overlay_start_1:
0x0: {  	(tag) =	ssettag $0x1  }
0x1: {  	s7 =	rddreg [dreg:$0x0]  }
0x2: {  	s2 =	rddreg [dreg:$0x1]  }
0x3: {  	s0 =	rddreg [dreg:$0x2];
	_ =	strace $0x80000047;
	s1 =	simm.s32 $0x1  }
0x4: {  	v1 =	vimm.s32 $0xFFFFFFFF;
	[sflag:s1] =	ssyncpa.u1 $0x0  }
0x5: {  	[tilespmem:$0x10] =	vst v1  }
0x6: {  	v0 =	vimm.s32 $0x0;
	[tilespmem:$0x20] =	vst v1  }
0x7: {  	[tilespmem:$0x30] =	vst v0  }
0x8: {  	[tilespmem:$0x40] =	vst v0  }
0x9: {  	[tilespmem:$0x50] =	vst v0  }
0xa: {  	s3 =	simm.s32 $0x2;
	[tilespmem:$0x60] =	vst v1  }
0xb: {  	s4 =	simm.s32 $0x7;
	s6 =	simm.s32 $0x8;
	s9 =	simm.s32 $0x9;
	[tilespmem:$0x70] =	vst v1  }
0xc: {  	s13 =	simm.s32 $0x0;
	s14 =	simm.s32 $0xFF;
	p0 =	por $0x0, $0x0;
	[tilespmem:$0x80] =	vst v1  }
0xd: {  	s15 =	simm.s32 $0xFFFFC280;
	s16 =	simm.s32 $0xFFFFFFFE;
	s17 =	simm.s32 $0xF;
	[tilespmem:$0x90] =	vst v0  }
0xe: {  	s18 =	simm.s32 $0x30;
	s21 =	simm.s32 $0x0;
	s19 =	simm.s32 $0x0;
	[tilespmem:$0xA0] =	vst v0  }
.Ltmp0:
0xf: {  	[tilespmem:$0xB0] =	vst v0;
	[sflag:s3] =	ssyncpa.u1 $0x0;
	s3 =	stileid.u32;
	(pc) =	sbr.rel .LBB2_1-.Ltmp0, $4  }
0x10: {  	s1 =	sadd.s32 $0xC3A00, s7;
	s5 =	smul.u32 $0x61A80, s3;
	[sflag:s4] =	ssyncpa.u1 $0x0  }
0x11: {  	s7 =	sadd.s32 $0x400, s7;
	s11 =	sshllo.u32 s3, $0x1;
	[sflag:s6] =	ssyncpa.u1 $0x0  }
0x12: {  	vm0 =	vmmov $0xffff;
	vm1 =	vmxor vm1, vm1;
	s8 =	sadd.s32 $0x61A80, s5;
	[sflag:s9] =	ssyncpa.u1 $0x0;
	s9 =	sshll.u32 s3, $0x1  }
0x13: {  	vm2 =	vmmov $0x1;
	vm3 =	vcmask $0x3F3C;
	v1 =	vlaneseq.u32;
	s20 =	smov.u32 s5;
	s10 =	sor.u32 $0x81, s9;
	s12 =	sor.u32 $0x80, s9  }
.LBB2_8:
0x14: {  	v2 =	vld [tilespmem:s24+$0xFAF0];
	_ =	sdelay $0x4  }
0x15: {  	v2 =	vshift.insert v2, v0, s17;
	_ =	sdelay $0x1  }
0x16: {  	[tilespmem:s18+$0x0] =	vst.msk $0x1, v2  }
0x17: {  	v2 =	vsel vm4, $0x1, v0;
	[tilespmem:$0x90] =	vst v5  }
0x18: {  	s24 =	sadd.s32 @!p1 $0xFAFF, s24;
	[tilespmem:$0xA0] =	vst v2  }
0x19: {  	[spmem:s11] =	stream.linear.scatter @!p1 [tilespmem:s24], [sflag:$0x1], $0x1, $0x38;
	[tilespmem:$0x11A60] =	vst v63  }
0x1a: {  	s24 =	simm.s32 @!p1 $0x1  }
0x1b: {  	v2 =	vmctz.xlane @!p1 vm4;
	_ =	swait.ge @!p1 [sflag:s24], $0x1  }
0x1c: {  	(v2sf) =	vpush @!p1 v3, $0x0  }
0x1d: {  	(v2sf) =	vpush @!p1 v2, $0x0;
	_ =	sdelay $0xd  }
0x1e: {  	s25 =	spop @!p1 (v2sf)  }
0x1f: {  	s26 =	spop @!p1 (v2sf)  }
0x20: {  	p2 =	sne.s32 @!p1 s23, s25;
	p3 =	slt.s32 @!p1 s26, $0xF  }
0x21: {  	[sflag:s24] =	ssyncset.done @!p1 $0x0;
	p2 =	por p2, p1;
	p3 =	por !p3, p1  }
0x22: {  	[sflag:s24] =	ssyncadd.s32 @!p1 $0xFFFFFFFF;
	v2 =	vimm.s32 @!p2 $0xFFFFFFFF;
	s26 =	simm.s32 @p3 $0xF  }
0x23: {  	[tilespmem:$0x80] =	vst @!p2 v2;
	s23 =	sadd.s32 @!p1 $0x90, s26  }
0x24: {  	[spmem:s9] =	stream.linear.scatter @!p1 [tilespmem:s23], [sflag:$0x1], $0x1, $0x38;
	[tilespmem:$0x11A60] =	vst v63  }
0x25: {  	_ =	swait.ge @!p1 [sflag:s24], $0x1  }
0x26: {  	[sflag:s24] =	ssyncset.done @!p1 $0x0  }
0x27: {  	s23 =	simm.s32 @!p1 $0x80;
	[sflag:s24] =	ssyncadd.s32 @!p1 $0xFFFFFFFF  }
0x28: {  	[spmem:s12] =	stream.linear.scatter @!p1 [tilespmem:s23], [sflag:$0x1], $0x1, $0x38;
	[tilespmem:$0x11A60] =	vst v63  }
0x29: {  	_ =	swait.ge @!p1 [sflag:s24], $0x1  }
0x2a: {  	[sflag:s24] =	ssyncset.done @!p1 $0x0  }
0x2b: {  	[sflag:s24] =	ssyncadd.s32 @!p1 $0xFFFFFFFF;
	(ifvalue) =	ssetifvalue $0xFFFFFFFF;
	v2 =	vld [tilespmem:s21+$0x10];
	_ =	sdelay $0x6  }
0x2c: {  	(ifvalue) =	ssetifvalue $0xFFFFFFFF  }
0x2d: {  	[hbm4b:s1+s13] =	stream.indirect_vreg.scatter [tilespmem:s22], [sflag:$0x9], $0x1, v2, vm0, $0x4038;
	[tilespmem:$0x11A60] =	vst v63  }
.LBB2_9:
0x2e: {  	p1 =	slt.u32 s19, $0x3  }
0x2f: {  	s21 =	simm.s32 @!p1 $0x2  }
0x30: {  	_ =	swait.ge @!p1 [sflag:s21], $0x1F40  }
0x31: {  	[sflag:s21] =	ssyncset.done @!p1 $0x0  }
0x32: {  	[sflag:s21] =	ssyncadd.s32 @!p1 $0xFFFFE0C0;
	s21 =	simm.s32 @!p1 $0x9  }
0x33: {  	_ =	swait.ge @!p1 [sflag:s21], $0x10  }
0x34: {  	s22 =	sadd.s32 $0x1F40, s20;
	s23 =	smov.u32 s5;
	[sflag:s21] =	ssyncset.done @!p1 $0x0  }
0x35: {  	s19 =	sadd.s32 $0x1, s19;
	[sflag:s21] =	ssyncadd.s32 @!p1 $0xFFFFFFF0;
	p1 =	slt.s32 s22, s8  }
0x36: {  	s23 =	smov.u32 @p1 s22;
	p1 =	sne.s32 s19, $0x35  }
.Ltmp1:
0x37: {  	_ = 	snop;
	(pc) =	sbr.rel @!p1 .LBB2_10-.Ltmp1, $3  }
0x38: {  	_ =	sdelay $0x1  }
0x39: {  	s14 =	sadd.s32 $0x1, s14;
	p0 =	por !p0, !p0;
	s15 =	sadd.s32 $0x1F40, s15  }
0x3a: {  	s16 =	sadd.s32 $0x1, s16;
	s21 =	smov.u32 s20;
	s20 =	smov.u32 s23  }
.LBB2_1:
0x3b: {  	p1 =	sgt.u32 s19, $0x31  }
0x3c: {  	s22 =	smul.u32 @!p1 $0xAB, s19;
	_ =	sdelay $0x1  }
0x3d: {  	s22 =	sshrl.u32 @!p1 s22, $0x9  }
0x3e: {  	s22 =	sand.u32 @!p1 $0x7F, s22  }
0x3f: {  	s22 =	smul.u32 @!p1 $0x3, s22;
	_ =	sdelay $0x1  }
0x40: {  	s22 =	ssub.s32 @!p1 s19, s22  }
0x41: {  	s22 =	sand.u32 @!p1 $0xFF, s22  }
0x42: {  	s22 =	smul.u32 @!p1 $0x7D00, s22;
	_ =	sdelay $0x1  }
0x43: {  	s23 =	sshrl.u32 @!p1 s20, $0x3;
	s22 =	sshrl.u32 @!p1 s22, $0x2  }
0x44: {  	s24 =	sand.u32 @!p1 $0x7, s20;
	s23 =	sadd.s32 @!p1 s7, s23;
	s22 =	sadd.s32 @!p1 $0x100, s22  }
0x45: {  	[tilespmem:s22], [sflag:$0x7] =	stream.linear.gather @!p1 [hbm4b:s23+s24], $0x1F40, $0x38;
	[tilespmem:$0x11A60] =	vst v63  }
0x46: {  	s22 =	sadd.s32 $0xFFFFFFFF, s19  }
0x47: {  	p1 =	sgt.u32 s22, $0x31  }
.Ltmp2:
0x48: {  	_ = 	snop;
	(pc) =	sbr.rel @p1 .LBB2_5-.Ltmp2, $1  }
0x49: {  	_ =	sdelay $0x3  }
0x4a: {  	s23 =	smul.u32 $0xAB, s22;
	_ =	sdelay $0x1  }
0x4b: {  	s23 =	sshrl.u32 s23, $0x9  }
0x4c: {  	s23 =	sand.u32 $0x7F, s23  }
0x4d: {  	s23 =	smul.u32 $0x3, s23;
	_ =	sdelay $0x1  }
0x4e: {  	s23 =	ssub.s32 s22, s23  }
0x4f: {  	s23 =	sand.u32 $0xFF, s23  }
0x50: {  	s23 =	smul.u32 $0x7D00, s23  }
0x51: {  	_ =	swait.ge [sflag:s4], $0x1F40  }
0x52: {  	[sflag:s4] =	ssyncset.done $0x0;
	s23 =	sshrl.u32 s23, $0x2  }
0x53: {  	[sflag:s4] =	ssyncadd.s32 $0xFFFFE0C0;
	(ifvalue) =	ssetifvalue $0xFFFFFFFF;
	v2 =	vld.msk [tilespmem:s23+$0x100 ss:$0x1], $0xffff  }
0x54: {  	s29 =	sand.u32 $0xFF, s14  }
0x55: {  	s24 =	smulhi.u32 $0x55555556, s29  }
0x56: {  	p1 =	sne.s32 s19, $0x1  }
0x57: {  	v3 =	vimm.s32 @!p1 $0x0;
	s24 =	smul.u32 $0x17700, s24  }
0x58: {  	s23 =	smul.u32 $0x7D00, s29;
	v3 =	vperm.xlane @!p1 v2, v3  }
0x59: {  	s25 =	sshll.u32 s19, $0x4;
	vm4 =	vlt.u32 v2, $0x61A800  }
0x5a: {  	s30 =	sand.u32 $0x10, s25;
	s23 =	ssub.s32 s23, s24;
	v2 =	vnsel vm4, $0xFFFFFFFE, v2;
	vm4 =	vlt.u32 @!p1 v3, $0x61A800  }
0x5b: {  	s23 =	sshra.s32 s23, $0x2;
	[tilespmem:s30+$0x60] =	vst v2;
	v2 =	vnsel @!p1 vm4, $0xFFFFFFFE, v3  }
0x5c: {  	s26 =	sadd.s32 $0x2030, s23;
	[tilespmem:$0x80] =	vst @!p1 v2  }
0x5d: {  	v2 =	vld.msk [tilespmem:s26+$0x0 ss:$0x1], $0xffff;
	_ =	sdelay $0x4  }
0x5e: {  	(xrf1) =	vunique.msk.u32 $0xffff, v2;
	_ =	sdelay $0xd  }
0x5f: {  	v3 =	vimm.s32 $0xFFFFFFFF;
	v4, _, _ =	vpop (xrf1)  }
0x60: {  	vm5 =	vne.s32 v2, v3;
	vm4 =	veq.s32 v4, v1  }
0x61: {  	vm6 =	vlt.u32 v2, $0x61A800;
	vm4 =	vmand vm5, vm4  }
0x62: {  	vm4 =	vmand vm6, vm4  }
0x63: {  	v3 =	vnsel vm4, $0xFFFFFFFF, v2  }
0x64: {  	s31 =	sand.u32 $0x1, s22  }
0x65: {  	s22 =	simm.s32 $0x1F40;
	p1 =	seq.s32 s31, $0x1  }
0x66: {  	s22 =	simm.s32 @!p1 $0x0  }
0x67: {  	s23 =	sadd.s32 $0x7DF0, s22;
	(ifvalue) =	ssetifvalue $0xFFFFFFFF  }
0x68: {  	v2 =	vperm.xlane v2, v0;
	[tilespmem:s23], [sflag:$0x8] =	stream.indirect_vreg.gather [hbm4b:s1+s13], $0x1, v3, vm0, $0x4038;
	v3 =	vnsel vm6, $0xFFFFFFFE, v3;
	[tilespmem:$0x11A60] =	vst v63  }
0x69: {  	s24 =	simm.s32 $0x0;
	s25 =	sadd.s32 $0xFFFFFFF0, s26;
	[tilespmem:s26+$0x0] =	vst v3  }
.LBB2_3:
0x6a: {  	v3 =	vld.msk [tilespmem:s25+$0x0 ss:$0x1], $0xffff;
	s24 =	sadd.s32 $0x10, s24;
	v4 =	vmov v2;
	s26 =	smov.u32 s25  }
0x6b: {  	p1 =	slt.u32 s24, $0x1F30;
	_ =	sdelay $0x4  }
0x6c: {  	v2 =	vperm.xlane v3, v0;
	(xrf1) =	vunique.msk.u32 $0xffff, v3;
	_ =	sdelay $0xd  }
0x6d: {  	v5, _, _ =	vpop (xrf1)  }
0x6e: {  	vm5 =	vne.s32 v3, v4;
	vm4 =	veq.s32 v5, v1  }
0x6f: {  	vm6 =	vlt.u32 v3, $0x61A800;
	vm4 =	vmand vm5, vm4  }
0x70: {  	vm4 =	vmand vm6, vm4  }
0x71: {  	v3 =	vnsel vm4, $0xFFFFFFFF, v3  }
.Ltmp3:
0x72: {  	v4 =	vnsel vm6, $0xFFFFFFFE, v3;
	(pc) =	sbr.rel @p1 .LBB2_3-.Ltmp3, $3  }
0x73: {  	_ =	sdelay $0x1  }
0x74: {  	s25 =	sadd.s32 $0xFFFFFFF0, s25;
	s23 =	sadd.s32 $0xFFFFFFF0, s23;
	(ifvalue) =	ssetifvalue $0xFFFFFFFF  }
0x75: {  	[tilespmem:s23], [sflag:$0x8] =	stream.indirect_vreg.gather [hbm4b:s1+s13], $0x1, v3, vm0, $0x4038;
	[tilespmem:s26+$0x0] =	vst v4  }
0x76: {  	s21 =	sshrl.u32 s21, $0x3  }
0x77: {  	s22 =	sadd.s32 $0x9D40, s22;
	s21 =	sadd.s32 s2, s21  }
0x78: {  	[tilespmem:s22], [sflag:$0x8] =	stream.linear.gather [hbm:s21], $0x1F40, $0x38;
	[tilespmem:$0x11A60] =	vst v63  }
.LBB2_5:
0x79: {  	p1 =	slt.u32 s19, $0x2  }
0x7a: {  	p2 =	seq.s32 @!p1 s19, $0x34  }
0x7b: {  	p1 =	por p1, p2  }
.Ltmp4:
0x7c: {  	_ = 	snop;
	(pc) =	sbr.rel @p1 .LBB2_9-.Ltmp4, $1  }
0x7d: {  	_ =	sdelay $0x3  }
0x7e: {  	s21 =	sadd.s32 $0xFFFFFFFE, s19  }
0x7f: {  	s22 =	smulhi.u32 $0xAAAAAAAB, s21;
	_ =	sdelay $0x1  }
0x80: {  	s22 =	sshrl.u32 s22, $0x1  }
0x81: {  	s22 =	smul.u32 $0x3, s22;
	_ =	sdelay $0x1  }
0x82: {  	s21 =	ssub.s32 s21, s22  }
0x83: {  	_ =	swait.ge [sflag:s6], $0x3E80;
	s25 =	smul.u32 $0x1F40, s21  }
0x84: {  	p1 =	sne.s32 s19, $0x33;
	[sflag:s6] =	ssyncset.done $0x0  }
0x85: {  	[sflag:s6] =	ssyncadd.s32 $0xFFFFC180;
	s21 =	sadd.s32 @!p1 $0x203F, s25  }
0x86: {  	[spmem:s10] =	stream.linear.scatter @!p1 [tilespmem:s21], [sflag:$0x1], $0x1, $0x38;
	[tilespmem:$0x11A60] =	vst v63  }
0x87: {  	s21 =	simm.s32 @!p1 $0x1  }
0x88: {  	_ =	swait.ge @!p1 [sflag:s21], $0x1  }
0x89: {  	s26 =	sshll.u32 s19, $0x4;
	[sflag:s21] =	ssyncset.done @!p1 $0x0  }
0x8a: {  	[sflag:s21] =	ssyncadd.s32 @!p1 $0xFFFFFFFF;
	s21 =	sand.u32 $0x10, s26  }
0x8b: {  	v3 =	vld [tilespmem:s21+$0x10];
	s26 =	sxor.u32 $0x10, s21  }
0x8c: {  	v4 =	vld [tilespmem:s26+$0x60]  }
0x8d: {  	v2 =	vld [tilespmem:$0x80];
	_ =	sdelay $0x2  }
0x8e: {  	(v2sf) =	vpush v3, $0x0  }
0x8f: {  	(v2sf) =	vpush v4, $0x0  }
0x90: {  	(v2sf) =	vpush v2, $0x0;
	_ =	sdelay $0xc  }
0x91: {  	s31 =	spop (v2sf)  }
0x92: {  	s24 =	spop (v2sf)  }
0x93: {  	s23 =	spop (v2sf)  }
0x94: {  	p2 =	seq.s32 s31, s24;
	p3 =	seq.s32 s23, s31  }
0x95: {  	p3 =	por p2, p3  }
0x96: {  	s31 =	sand.u32 $0x1, s19;
	v3 =	vpsel p3, $0xFFFFFFFF, v3  }
0x97: {  	s24 =	smul.u32 $0x1F40, s31;
	[tilespmem:s21+$0x10] =	vst.msk $0x1, v3  }
0x98: {  	v3 =	vld [tilespmem:$0x30]  }
0x99: {  	v4 =	vld [tilespmem:s24+$0x9D40]  }
0x9a: {  	v5 =	vld [tilespmem:s21+$0x40];
	_ =	sdelay $0x2  }
0x9b: {  	vm4 =	vmmov vm1  }
0x9c: {  	vm5 =	vmmov vm2;
	vm4 =	vmmov @p2 vm2;
	s22 =	sshll.u32 s31, $0x4;
	v4 =	vadd.s32 v3, v4  }
0x9d: {  	vm5 =	vmmov @p3 vm1;
	s22 =	sor.u32 $0x11A40, s22;
	v3 =	vadd.s32 v3, v5;
	[tilespmem:s24+$0x9D40] =	vst.msk vm4, v4  }
0x9e: {  	[tilespmem:s22+$0x0] =	vst.msk vm5, v3  }
0x9f: {  	v3 =	vld [tilespmem:s24+$0x7DF0];
	_ =	sdelay $0x3  }
0xa0: {  	v4 =	vimm.s32 $0x0  }
0xa1: {  	v3 =	vshift.insert v3, v4, s17  }
0xa2: {  	s28 =	sor.u32 $0x40, s26  }
0xa3: {  	[tilespmem:s28+$0x0] =	vst.msk $0x1, v3  }
0xa4: {  	[tilespmem:s24+$0x7DFF] =	vst.msk $0x1, v4  }
0xa5: {  	v3 =	vld [tilespmem:s25+$0x2030]  }
0xa6: {  	s31 =	smulhi.u32 $0xAAAAAAAB, s16;
	_ =	sdelay $0x1  }
0xa7: {  	s28 =	simm.s32 $0x1;
	s25 =	sshrl.u32 s31, $0x1  }
0xa8: {  	s28 =	simm.s32 @!p0 $0x0;
	s25 =	smul.u32 $0xFFFE8900, s25  }
0xa9: {  	s28 =	smul.u32 $0x7D00, s28;
	v3 =	vshift.insert v3, v4, s17  }
0xaa: {  	s25 =	sshra.s32 s25, $0x2  }
0xab: {  	s28 =	sshrl.u32 s28, $0x2;
	s30 =	sadd.s32 s25, s15;
	[tilespmem:s26+$0x10] =	vst.msk $0x1, v3  }
0xac: {  	s25 =	sadd.s32 $0x9D40, s28;
	v5 =	vld [tilespmem:s30+$0x0]  }
0xad: {  	v6 =	vld [tilespmem:s25+$0x0];
	_ =	sdelay $0x4  }
0xae: {  	vm4 =	vne.s32 v5, $0xFFFFFFFF;
	v6 =	vadd.s32 v4, v6;
	v4 =	vperm.xlane v3, v4  }
0xaf: {  	s26 =	sadd.s32 $0x5EC0, s28;
	(xrf0) =	vadd.seg.scan.s32 vm4, v6  }
0xb0: {  	vm5 =	veq.s32 v5, v2;
	v6 =	vld [tilespmem:s26+$0x0];
	vm6 =	veq.s32 v5, v4  }
0xb1: {  	vm7 =	vgt.u32 v5, $0xFFFFFFFD;
	vm6 =	vmor vm6, vm5  }
0xb2: {  	v7 =	vld [tilespmem:$0xA0];
	vm6 =	vmor vm6, vm7  }
0xb3: {  	v9 =	vld [tilespmem:$0x90];
	v5 =	vsel vm6, $0xFFFFFFFF, v5;
	_ =	sdelay $0x1  }
0xb4: {  	v6 =	vsel vm5, $0x0, v6;
	v8, _, _ =	vpop (xrf0)  }
0xb5: {  	s28 =	sadd.s32 $0xDBC0, s28;
	vm4 =	vmand vm4, vm3;
	v6 =	vadd.s32 v6, v8  }
0xb6: {  	s29 =	simm.s32 $0x0;
	s30 =	sadd.s32 $0x10, s30;
	vm6 =	veq.s32 v7, $0x1;
	[tilespmem:s28+$0x0] =	vst v6;
	(ifvalue) =	ssetifvalue $0xFFFFFFFF;
	v6 =	vsel vm4, $0x0, v8  }
0xb7: {  	vm4 =	vmor vm6, vm5;
	[hbm4b:s1+s13] =	stream.indirect_vreg.scatter [tilespmem:s28], [sflag:$0x2], $0x1, v5, vm0, $0x4038;
	v5 =	vsel vm5, v8, v9;
	v6 =	vshift.insert v6, v0, s17;
	[tilespmem:$0x11A60] =	vst v63  }
.LBB2_7:
0xb8: {  	v7 =	vld [tilespmem:s30+$0x0];
	s25 =	sadd.s32 $0x10, s25  }
0xb9: {  	s26 =	sadd.s32 $0x10, s26;
	v8 =	vld [tilespmem:s25+$0x0]  }
0xba: {  	s29 =	sadd.s32 $0x10, s29;
	v9 =	vld [tilespmem:s26+$0x0]  }
0xbb: {  	p2 =	slt.u32 s29, $0x1F30;
	_ =	sdelay $0x2  }
0xbc: {  	vm5 =	vne.s32 v7, $0xFFFFFFFF;
	v6 =	vadd.s32 v6, v8  }
0xbd: {  	vm6 =	vmand vm5, vm3;
	(xrf0) =	vadd.seg.scan.s32 vm5, v6  }
0xbe: {  	vm7 =	veq.s32 v7, v4;
	vm5 =	veq.s32 v7, v2  }
0xbf: {  	vm8 =	vgt.u32 v7, $0xFFFFFFFD;
	vm4 =	vmor vm4, vm5;
	vm7 =	vmor vm7, vm5  }
0xc0: {  	vm7 =	vmor vm7, vm8  }
0xc1: {  	v7 =	vsel vm7, $0xFFFFFFFF, v7  }
.Ltmp5:
0xc2: {  	(pc) =	sbr.rel @p2 .LBB2_7-.Ltmp5, $4  }
0xc3: {  	v6 =	vsel vm5, $0x0, v9;
	v8, _, _ =	vpop (xrf0)  }
0xc4: {  	s28 =	sadd.s32 $0x10, s28;
	v5 =	vsel vm5, v8, v5;
	v6 =	vadd.s32 v6, v8;
	v8 =	vsel vm6, $0x0, v8  }
0xc5: {  	s30 =	sadd.s32 $0x10, s30;
	[tilespmem:s28+$0x0] =	vst v6;
	v6 =	vshift.insert v8, v0, s17;
	(ifvalue) =	ssetifvalue $0xFFFFFFFF  }
0xc6: {  	[hbm4b:s1+s13] =	stream.indirect_vreg.scatter [tilespmem:s28], [sflag:$0x2], $0x1, v7, vm0, $0x4038;
	[tilespmem:$0x11A60] =	vst v63  }
.Ltmp6:
0xc7: {  	_ = 	snop;
	(pc) =	sbr.rel .LBB2_8-.Ltmp6, $1  }
0xc8: {  	_ =	sdelay $0x3  }
.LBB2_10:
0xc9: {  	_ =	sfence.sel $0x180000  }
0xca: {  	s2 =	simm.s32 $0x7;
	[bflag:$0x0] =	sbarrier.arrive $0xFFFF  }
0xcb: {  	s26 =	simm.s32 $0x8;
	[sflag:s2] =	ssyncpa.u1 $0x1  }
0xcc: {  	s28 =	simm.s32 $0x9;
	[sflag:s26] =	ssyncpa.u1 $0x1  }
0xcd: {  	[sflag:s28] =	ssyncpa.u1 $0x1  }
0xce: {  	_ =	sfence.stream.spmem  }
0xcf: {  	s29 =	simm.s32 $0x3;
	[bflag:$0x0] =	sbarrier.arrive $0xFFFF  }
0xd0: {  	s30 =	simm.s32 $0x4;
	[sflag:s29] =	ssyncpa.u1 $0x1  }
0xd1: {  	s31 =	simm.s32 $0x3C;
	[sflag:s30] =	ssyncpa.u1 $0x1  }
0xd2: {  	p0 =	sne.s32 s3, $0x0;
	[sflag:s31] =	ssyncpa.u1 $0x1  }
0xd3: {  	s0 =	simm.s32 @p0 $0x1;
	_ =	sfence @p0  }
0xd4: {  	[sflag:s0] =	ssyncpa.u1 @p0 $0x1;
	s0 =	simm.s32 @p0 $0x2  }
0xd5: {  	[sflag:s0] =	ssyncpa.u1 @p0 $0x1  }
0xd6: {  	_ =	strace @p0 $0x90000047  }
0xd7: {  	[bflag:$0x2] =	sbarrier.arrive @p0 $0xFFFF  }
0xd8: {  	_ =	shalt @p0  }
.LBB2_11:
0xd9: {  	_ =	sfence.stream.spmem;
	s4 =	simm.s32 $0x5  }
0xda: {  	s2 =	simm.s32 $0x80;
	s3 =	simm.s32 $0xC0;
	[sflag:s4] =	ssyncpa.u1 $0x0  }
0xdb: {  	[tilespmem:s3], [sflag:$0x5] =	stream.linear.gather [spmem:s2], $0x20, $0x38;
	[tilespmem:$0x11A60] =	vst v63  }
0xdc: {  	s2 =	simm.s32 $0x0;
	s3 =	simm.s32 $0xE0  }
0xdd: {  	[tilespmem:s3], [sflag:$0x5] =	stream.linear.gather [spmem:s2], $0x20, $0x38;
	[tilespmem:$0x11A60] =	vst v63  }
.Ltmp7:
0xde: {  	_ = 	snop;
	(pc) =	sbr.rel .LBB2_12-.Ltmp7, $4  }
0xdf: {  	_ =	swait.ge [sflag:s4], $0x40  }
0xe0: {  	[sflag:s4] =	ssyncset.done $0x0  }
0xe1: {  	s31 =	simm.s32 $0x6;
	[sflag:s4] =	ssyncadd.s32 $0xFFFFFFC0  }
0xe2: {  	s4 =	simm.s32 $0x0;
	[sflag:s31] =	ssyncpa.u1 $0x0  }
.LBB2_17:
0xe3: {  	p0 =	sgt.u32 s5, $0x61A7FF  }
0xe4: {  	s6 =	sshrl.u32 @!p0 s5, $0x3  }
0xe5: {  	s5 =	sand.u32 @!p0 $0x7, s5;
	s7 =	simm.s32 @!p0 $0xB0;
	s6 =	sadd.s32 @!p0 s1, s6  }
0xe6: {  	[tilespmem:s7], [sflag:$0x6] =	stream.linear.gather @!p0 [hbm4b:s6+s5], $0x1, $0x38;
	[tilespmem:$0x11A60] =	vst v63  }
0xe7: {  	s5 =	simm.s32 @!p0 $0x6  }
0xe8: {  	_ =	swait.ge @!p0 [sflag:s5], $0x1  }
0xe9: {  	[sflag:s5] =	ssyncset.done @!p0 $0x0  }
0xea: {  	[sflag:s5] =	ssyncadd.s32 @!p0 $0xFFFFFFFF  }
0xeb: {  	v2 =	vmov @!p0 s4;
	v1 =	vld.msk @!p0 [tilespmem:$0xB0], $0x1;
	_ =	sdelay $0x3  }
0xec: {  	s5 =	simm.s32 @!p0 $0xE0  }
0xed: {  	[tilespmem:v2+s5+$0x0], v1 =	vst.idx.ret.add.s32.msk @!p0 $0x1, v1  }
0xee: {  	[tilespmem:s2+$0xC0] =	vst.msk $0x1, v0  }
0xef: {  	v0 =	vld.msk [tilespmem:s4+$0xE0], $0x1;
	_ =	sdelay $0x4  }
0xf0: {  	[tilespmem:s2+$0xE0] =	vst.msk $0x1, v0;
	s2 =	sadd.s32 $0x1, s2  }
.LBB2_19:
0xf1: {  	s4 =	sadd.s32 $0x1, s4  }
0xf2: {  	p0 =	sne.s32 s4, $0x20  }
.Ltmp8:
0xf3: {  	_ = 	snop;
	(pc) =	sbr.rel @!p0 .LBB2_20-.Ltmp8, $1  }
0xf4: {  	_ =	sdelay $0x3  }
.LBB2_12:
0xf5: {  	v0 =	vld.msk [tilespmem:s4+$0xC0], $0x1;
	_ =	sdelay $0x4  }
0xf6: {  	(v2sf) =	vpush v0, $0x0;
	_ =	sdelay $0xe  }
0xf7: {  	s5 =	spop (v2sf)  }
0xf8: {  	p0 =	seq.s32 s5, $0xFFFFFFFF  }
.Ltmp9:
0xf9: {  	_ = 	snop;
	(pc) =	sbr.rel @p0 .LBB2_19-.Ltmp9, $1  }
0xfa: {  	_ =	sdelay $0x3  }
0xfb: {  	p0 =	slt.s32 s2, $0x1  }
.Ltmp10:
0xfc: {  	_ = 	snop;
	(pc) =	sbr.rel @p0 .LBB2_17-.Ltmp10, $1  }
0xfd: {  	_ =	sdelay $0x3  }
0xfe: {  	s6 =	simm.s32 $0xC0;
	p0 =	por $0x0, $0x0  }
0xff: {  	v1 =	vld.msk @!p0 [tilespmem:s6+$0x0], $0x1;
	_ =	sdelay $0x4  }
0x100: {  	(v2sf) =	vpush @!p0 v1, $0x0;
	_ =	sdelay $0xd  }
0x101: {  	p2 =	sne.s32 s2, $0x1  }
.Ltmp11:
0x102: {  	s7 =	spop @!p0 (v2sf);
	(pc) =	sbr.rel @!p2 .LBB2_16-.Ltmp11, $4  }
0x103: {  	p1 =	seq.s32 @!p0 s5, s7  }
0x104: {  	s7 =	simm.s32 $0x0;
	p1 =	por !p1, p0  }
0x105: {  	s9 =	simm.s32 $0xFFFFFFFF;
	s7 =	simm.s32 @p1 $0xFFFFFFFF  }
0x106: {  	s8 =	simm.s32 $0x1;
	s7 =	smov.u32 @p0 s9  }
.LBB2_15:
0x107: {  	s9 =	smov.u32 s7;
	p0 =	sne.s32 s7, $0xFFFFFFFF  }
0x108: {  	s6 =	sadd.s32 $0x1, s6;
	s7 =	smov.u32 s8;
	s8 =	sadd.s32 $0x1, s8  }
0x109: {  	p1 =	sne.s32 s2, s8;
	v1 =	vld.msk @!p0 [tilespmem:s6+$0x0], $0x1;
	_ =	sdelay $0x4  }
0x10a: {  	(v2sf) =	vpush @!p0 v1, $0x0;
	_ =	sdelay $0xe  }
.Ltmp12:
0x10b: {  	s10 =	spop @!p0 (v2sf);
	(pc) =	sbr.rel @p1 .LBB2_15-.Ltmp12, $4  }
0x10c: {  	p2 =	seq.s32 @!p0 s5, s10  }
0x10d: {  	p2 =	por !p2, p0  }
0x10e: {  	s7 =	simm.s32 @p2 $0xFFFFFFFF  }
0x10f: {  	s7 =	smov.u32 @p0 s9  }
.LBB2_16:
0x110: {  	p0 =	sne.s32 s7, $0xFFFFFFFF  }
.Ltmp13:
0x111: {  	_ = 	snop;
	(pc) =	sbr.rel @!p0 .LBB2_17-.Ltmp13, $1  }
0x112: {  	_ =	sdelay $0x3  }
0x113: {  	v0 =	vld.msk [tilespmem:s4+$0xE0], $0x1;
	v1 =	vmov s7  }
.Ltmp14:
0x114: {  	_ = 	snop;
	(pc) =	sbr.rel .LBB2_19-.Ltmp14, $2  }
0x115: {  	_ =	sdelay $0x2  }
0x116: {  	[tilespmem:v1+s3+$0x0], v0 =	vst.idx.ret.add.s32.msk $0x1, v0  }
.LBB2_20:
0x117: {  	p0 =	slt.s32 s2, $0x1  }
.Ltmp15:
0x118: {  	_ = 	snop;
	(pc) =	sbr.rel @p0 .LBB2_24-.Ltmp15, $3  }
0x119: {  	_ =	sdelay $0x1  }
0x11a: {  	s3 =	simm.s32 $0x6  }
0x11b: {  	[sflag:s3] =	ssyncpa.u1 $0x1;
	s3 =	simm.s32 $0x0  }
0x11c: {  	s4 =	simm.s32 $0xC0  }
0x11d: {  	v0 =	vld.msk [tilespmem:s4+$0x0], $0x1;
	_ =	sdelay $0x4  }
0x11e: {  	(v2sf) =	vpush v0, $0x0;
	_ =	sdelay $0xe  }
0x11f: {  	s2 =	sadd.s32 $0xFFFFFFFF, s2;
	s5 =	spop (v2sf)  }
0x120: {  	p1 =	sne.s32 s2, $0x0;
	p0 =	sgt.u32 s5, $0x61A7FF  }
.Ltmp16:
0x121: {  	s6 =	sshrl.u32 @!p0 s5, $0x3;
	(pc) =	sbr.rel @!p1 .LBB2_23-.Ltmp16, $4  }
0x122: {  	s4 =	simm.s32 $0xE0;
	s5 =	sand.u32 @!p0 $0x7, s5;
	s6 =	sadd.s32 @!p0 s1, s6  }
0x123: {  	[hbm4b:s6+s5] =	stream.linear.scatter @!p0 [tilespmem:s4], [sflag:$0x5], $0x1, $0x38;
	[tilespmem:$0x11A60] =	vst v63  }
0x124: {  	s6 =	simm.s32 $0x0  }
0x125: {  	s5 =	simm.s32 $0xC1;
	s6 =	simm.s32 @!p0 $0x4  }
.LBB2_22:
0x126: {  	v0 =	vld.msk [tilespmem:s5+$0x0], $0x1;
	s2 =	sadd.s32 $0xFFFFFFFF, s2;
	s3 =	sadd.s32 s3, s6  }
0x127: {  	p0 =	sne.s32 s2, $0x0;
	_ =	sdelay $0x3  }
0x128: {  	(v2sf) =	vpush v0, $0x0;
	_ =	sdelay $0xe  }
.Ltmp17:
0x129: {  	s7 =	spop (v2sf);
	(pc) =	sbr.rel @p0 .LBB2_22-.Ltmp17, $4  }
0x12a: {  	s6 =	simm.s32 $0x0;
	p1 =	sgt.u32 s7, $0x61A7FF  }
0x12b: {  	s4 =	sadd.s32 $0x1, s4;
	s6 =	simm.s32 @!p1 $0x4;
	s8 =	sshrl.u32 @!p1 s7, $0x3  }
0x12c: {  	s5 =	sadd.s32 $0x1, s5;
	s7 =	sand.u32 @!p1 $0x7, s7;
	s8 =	sadd.s32 @!p1 s1, s8  }
0x12d: {  	[hbm4b:s8+s7] =	stream.linear.scatter @!p1 [tilespmem:s4], [sflag:$0x5], $0x1, $0x38;
	[tilespmem:$0x11A60] =	vst v63  }
.LBB2_23:
0x12e: {  	s1 =	sadd.s32 s3, s6  }
0x12f: {  	s3 =	sshrl.u32 s1, $0x2  }
.LBB2_24:
0x130: {  	s1 =	simm.s32 $0x5  }
0x131: {  	_ =	swait.ge [sflag:s1], s3  }
0x132: {  	s2 =	ssub.s32 $0x0, s3;
	[sflag:s1] =	ssyncset.done $0x0  }
0x133: {  	[sflag:s1] =	ssyncadd.s32 s2  }
0x134: {  	[sflag:s1] =	ssyncpa.u1 $0x1  }
0x135: {  	s30 =	simm.s32 $0x1;
	_ =	sfence  }
0x136: {  	s31 =	simm.s32 $0x2;
	[sflag:s30] =	ssyncpa.u1 $0x1  }
0x137: {  	[sflag:s31] =	ssyncpa.u1 $0x1  }
0x138: {  	_ =	strace $0x90000047  }
0x139: {  	s0 =	sadd.s32 $0x100000, s0;
	[bflag:$0x2] =	sbarrier.arrive $0xFFFF  }
0x13a: {  	[sflag:s0] =	ssyncadd.tile.s32 $0x1;
	_ =	shalt  }
.Lfunc_end2:
_tile_overlayer_lowered:
.L_overlay_start_2:
0x13b: {  	(tag) =	ssettag $0x2  }
0x13c: {  	s0 =	rddreg [dreg:$0x0];
	s2 =	stileid.u32  }
0x13d: {  	s1 =	rddreg [dreg:$0x1];
	p0 =	sne.s32 s2, $0x0  }
0x13e: {  	s3 =	rddreg [dreg:$0x2];
	[bflag:$0x3] =	sbarrier.arrive $0xFFFF;
	s2 =	simm.s32 @!p0 $0x1C01  }
0x13f: {  	[timem:s3], [sflag:s2] =	dma.local @!p0 [hbm:s0], s1  }
0x140: {  	s0 =	simm.s32 @!p0 $0x1  }
0x141: {  	_ =	swait.ge @!p0 [sflag:s0], s1  }
0x142: {  	s1 =	ssub.s32 @!p0 $0x0, s1;
	[sflag:s0] =	ssyncset.done @!p0 $0x0  }
0x143: {  	[sflag:s0] =	ssyncadd.s32 @!p0 s1  }
0x144: {  	[bflag:$0x3] =	sbarrier.arrive $0xFFFF  }
0x145: {  	_ =	shalt  }

// kernel: sparse-core-data-format-call.cloned.1.call-start
scs
called_computation.1_lowered:
.L_overlay_start_0:
0x0: {  	s2 =	sld [smem:$0x3FD9]  }
0x1: {  	s3 =	sld [smem:$0x3FFE];
	_ =	sdelay $0x1  }
0x2: {  	s1 =	srdreg.scid  }
0x3: {  	s0 =	sand.u32 $0x1, s1  }
0x4: {  	s18 =	sshll.u32 s0, $0xA;
	s2 =	sadd.s32 s3, s2  }
0x5: {  	s2 =	sadd.s32 s2, s18  }
0x6: {  	[smem:$0x3FC5] =	sst s2  }
0x7: {  	_ = 	snop  }
0x8: {  	s2 =	sld [smem:$0x3FC8];
	(tm) =	ssettm $0x1  }
0x9: {  	s19 =	sld [smem:$0x3FFB];
	_ =	sdelay $0x3  }
0xa: {  	_ =	strace s19  }
0xb: {  	s3 =	sld [smem:$0x3FFC];
	_ =	sdelay $0x3  }
0xc: {  	_ =	strace s3  }
0xd: {  	s3 =	sld [smem:$0x3FFD];
	_ =	sdelay $0x3  }
0xe: {  	_ =	strace s3  }
0xf: {  	_ =	strace $0x8FFFFFFF  }
0x10: {  	s20 =	sld [smem:$0x3FDB];
	_ =	sdelay $0x1  }
0x11: {  	s4 =	simm.s32 $_scs_section_size  }
0x12: {  	s5 =	simm.s32 $_size__tile_overlayer_lowered;
	s6 =	simm.s32 $_tile_overlayer_lowered  }
0x13: {  	s23 =	simm.s32 $0x1BFF;
	s22 =	sshll.u32 s6, $0x1;
	s3 =	sadd.s32 s4, s20  }
0x14: {  	s7 =	simm.s32 $0x0;
	s21 =	sshll.u32 s5, $0x1;
	s5 =	sadd.s32 s22, s3  }
0x15: {  	[timem:s7], [sflag:s23] =	dma.local [hbm:s5], s21  }
0x16: {  	_ =	swait.ge [sflag:s23], s21  }
0x17: {  	s4 =	ssub.s32 $0x0, s21;
	[sflag:s23] =	ssyncset.done $0x0  }
0x18: {  	[sflag:s23] =	ssyncadd.s32 s4;
	_ =	sdelay $0x1  }
0x19: {  	s24 =	simm.s32 $0x1B8B  }
0x1a: {  	_ =	swait.ge [sflag:s24], $0x1  }
0x1b: {  	[sflag:s24] =	ssyncset.done $0x0  }
0x1c: {  	s26 =	simm.s32 $0x1B8E;
	s25 =	sld [smem:$0x3FFE];
	[sflag:s24] =	ssyncadd.s32 $0xFFFFFFFF  }
0x1d: {  	s27 =	simm.s32 $execute0_lowered;
	[smem:$0x3FD2] =	sst s26  }
0x1e: {  	s5 =	sshll.u32 s27, $0x1;
	_ =	strace $0x80000052;
	[dreg:$0x1] =	wrdreg $0xFFFFFFFF  }
0x1f: {  	s28 =	simm.s32 $_size_execute0_lowered;
	s3 =	sadd.s32 s3, s5;
	[dreg:$0x0] =	wrdreg $0x0  }
0x20: {  	s5 =	sshll.u32 s28, $0x1;
	[dreg:$0x2] =	wrdreg s3  }
0x21: {  	[dreg:$0x3] =	wrdreg s5  }
0x22: {  	[dreg:$0x4] =	wrdreg $0xC0  }
0x23: {  	_ =	task [dreg:s7], $0x5FFFF  }
0x24: {  	[dreg:$0x1] =	wrdreg $0xFFFFFFFF  }
0x25: {  	[dreg:$0x0] =	wrdreg $0x60  }
0x26: {  	[dreg:$0x2] =	wrdreg s2  }
0x27: {  	[dreg:$0x3] =	wrdreg s25  }
0x28: {  	[dreg:$0x4] =	wrdreg $0x9  }
0x29: {  	_ =	task.clear_ibuf [dreg:s7], $0x5FFFF;
	_ =	strace $0x90000052  }
0x2a: {  	s29 =	simm.s32 $0x9;
	_ =	strace $0x80000054  }
0x2b: {  	_ =	swait.ge [sflag:s29], $0x1  }
0x2c: {  	[sflag:s29] =	ssyncadd.s32 $0xFFFFFFFF  }
0x2d: {  	_ =	strace $0x90000054  }
0x2e: {  	_ =	sfence  }
0x2f: {  	s30 =	sld [smem:$0x0];
	_ =	sdelay $0x2  }
0x30: {  	s31 =	sshll.u32 s1, $0xD;
	s1 =	sshrl.u32 s1, $0x2  }
0x31: {  	s3 =	sand.u32 $0x4000, s31;
	s1 =	sadd.s32 s1, s30  }
0x32: {  	s0 =	sor.u32 s3, s0;
	s1 =	sshll.u32 s1, $0x11  }
0x33: {  	s0 =	sor.u32 s1, s0  }
0x34: {  	s0 =	sadd.s32 $0x8F2B, s0  }
0x35: {  	[sflag:s0] =	ssyncadd.remote.s32 $0x1  }
0x36: {  	_ =	sfence.sel $0xFFFF  }
0x37: {  	[dreg:$0x0] =	wrdreg $0xFFFFFFFF;
	(pc) =	sbr.abs _section_cstart, $3  }
0x38: {  	[dreg:$0x1] =	wrdreg $0xFFFFFFFF  }
0x39: {  	_ =	task.clear_ibuf [dreg:s7], $0x2FFFF;
	_ =	strace $0x9FFFFFFF  }
0x3a: {  	(tm) =	ssettm $0x7FFFFFFF  }
0x3b: {  	_ =	shalt  }
tec
execute0_lowered:
.L_overlay_start_1:
0x0: {  	(tag) =	ssettag $0x1  }
0x1: {  	s0 =	stileid.u32  }
0x2: {  	s1 =	srdreg.scid;
	s7 =	rddreg [dreg:$0x0]  }
0x3: {  	s4 =	rddreg [dreg:$0x1];
	s31 =	simm.s32 $0x2;
	s10 =	simm.s32 $0x0  }
0x4: {  	s14 =	simm.s32 $0x0;
	s15 =	simm.s32 $0x0;
	s11 =	simm.s32 $0x0  }
0x5: {  	s13 =	simm.s32 $0x0;
	s2 =	sand.u32 $0x1, s1;
	s3 =	sshll.u32 s0, $0x7  }
0x6: {  	s1 =	rddreg [dreg:$0x2];
	s30 =	ssub.s32 $0xC300, s3;
	s5 =	ssub.s32 $0x2, s2  }
.Ltmp0:
0x7: {  	s6 =	sshrl.u32 s30, $0xB;
	s8 =	sshrl.u32 s5, $0x1;
	(pc) =	sbr.rel .LBB1_1-.Ltmp0, $4  }
0x8: {  	_ =	strace $0x80000053;
	s6 =	sadd.s32 $0x1, s6;
	s8 =	ssub.s32 s5, s8  }
0x9: {  	s9 =	sshll.u32 s2, $0x4;
	s5 =	simm.s32 $0x1;
	s6 =	smul.u32 s6, s8  }
0xa: {  	s12 =	smov.u32 s3;
	s7 =	sadd.s32 s7, s9;
	[sflag:s5] =	ssyncpa.u1 $0x0  }
0xb: {  	s9 =	simm.s32 $0x0;
	[sflag:s31] =	ssyncpa.u1 $0x0;
	s8 =	sadd.s32 $0x1, s6  }
.LBB1_4:
0xc: {  	s21 =	simm.s32 $0x0  }
.LBB1_8:
0xd: {  	_ =	sdelay $0x3  }
0xe: {  	v6 =	vld [tilespmem:s18+$0xFFFFFFC0];
	[tilespmem:v0+s20+$0x30 ss:$0x1] =	vst.idx.msk @p0 $0xffff, v2  }
0xf: {  	v58 =	vld [tilespmem:s18+$0xFFFFFFD0];
	[tilespmem:v0+s20+$0x40 ss:$0x1] =	vst.idx.msk @p0 $0xffff, v3;
	s21 =	sadd.s32 @p0 $0x80, s21  }
0x10: {  	v59 =	vld [tilespmem:s18+$0xFFFFFFE0];
	[tilespmem:v0+s20+$0x50 ss:$0x1] =	vst.idx.msk @p0 $0xffff, v5;
	s19 =	smov.u32 @p0 s21  }
0x11: {  	v60 =	vld [tilespmem:s18+$0xFFFFFFF0];
	[tilespmem:v0+s20+$0x60 ss:$0x1] =	vst.idx.msk @p0 $0xffff, v4;
	s19 =	sand.u32 $0x3F80, s19  }
0x12: {  	v61 =	vld [tilespmem:s18+$0x0];
	[tilespmem:v0+s19+$0x70 ss:$0x1] =	vst.idx.msk $0xffff, v1  }
0x13: {  	v62 =	vld [tilespmem:s18+$0x10];
	[tilespmem:v0+s19+$0x0 ss:$0x1] =	vst.idx.msk $0xffff, v6  }
0x14: {  	v63 =	vld [tilespmem:s18+$0x20];
	[tilespmem:v0+s19+$0x10 ss:$0x1] =	vst.idx.msk $0xffff, v58  }
0x15: {  	[tilespmem:v0+s19+$0x20 ss:$0x1] =	vst.idx.msk $0xffff, v59  }
0x16: {  	[tilespmem:v0+s19+$0x30 ss:$0x1] =	vst.idx.msk $0xffff, v60  }
0x17: {  	[tilespmem:v0+s19+$0x40 ss:$0x1] =	vst.idx.msk $0xffff, v61  }
0x18: {  	[tilespmem:v0+s19+$0x50 ss:$0x1] =	vst.idx.msk $0xffff, v62  }
0x19: {  	[tilespmem:v0+s19+$0x60 ss:$0x1] =	vst.idx.msk $0xffff, v63  }
.LBB1_9:
0x1a: {  	s18 =	sand.u32 $0x1FFFFFF, s11  }
0x1b: {  	s19 =	smulhi.u32 $0x14F8B59, s18;
	_ =	sdelay $0x1  }
0x1c: {  	s19 =	sshrl.u32 s19, $0x8  }
0x1d: {  	s19 =	smul.u32 $0xC350, s19  }
0x1e: {  	s15 =	smul.u32 $0xC3500, s15  }
0x1f: {  	s18 =	ssub.s32 s18, s19  }
0x20: {  	s15 =	sadd.s32 s4, s15;
	s18 =	sshll.u32 s18, $0x4  }
0x21: {  	s15 =	sadd.s32 s18, s15  }
0x22: {  	[hbm4b:s15+s9] =	stream.linear.scatter [tilespmem:s17], [sflag:$0x2], s16, $0x38;
	[tilespmem:$0x10000] =	vst v63  }
.LBB1_10:
0x23: {  	p0 =	slt.u32 s13, $0x2  }
0x24: {  	p1 =	sgt.s32 @!p0 s14, $0xC2D0  }
0x25: {  	s15 =	smov.u32 s14;
	s16 =	sshra.s32 @!p0 s14, $0x1F;
	p1 =	por !p1, p0  }
0x26: {  	s14 =	sand.u32 @!p0 s16, s14;
	s15 =	simm.s32 @p1 $0xC2D0  }
0x27: {  	s14 =	ssub.s32 @!p0 s15, s14  }
0x28: {  	s14 =	sadd.s32 @!p0 $0xFFFF3D30, s14  }
0x29: {  	s15 =	sshll.u32 @!p0 s14, $0x7  }
0x2a: {  	p1 =	sgt.s32 @!p0 s14, $0x7F;
	s14 =	ssub.s32 @!p0 $0x4000, s15  }
0x2b: {  	s16 =	sadd.s32 $0x800, s12;
	p1 =	por !p1, p0;
	s14 =	sand.u32 @!p0 $0x3FFFFF80, s14  }
0x2c: {  	s14 =	simm.s32 @!p1 $0x0;
	p1 =	sgt.s32 s16, $0xC34F  }
0x2d: {  	s16 =	smov.u32 @p1 s3;
	p1 =	sne.s32 s13, s8  }
.Ltmp1:
0x2e: {  	_ = 	snop;
	(pc) =	sbr.rel @!p1 .LBB1_11-.Ltmp1, $4  }
0x2f: {  	s10 =	sadd.s32 $0x4000, s10;
	s15 =	simm.s32 @!p0 $0x2  }
0x30: {  	_ =	swait.ge @!p0 [sflag:s15], s14;
	s17 =	ssub.s32 @!p0 $0x0, s14;
	s14 =	smov.u32 s11  }
0x31: {  	s13 =	sadd.s32 $0x1, s13;
	s11 =	smov.u32 s12;
	[sflag:s15] =	ssyncset.done @!p0 $0x0  }
0x32: {  	s12 =	smov.u32 s16;
	[sflag:s15] =	ssyncadd.s32 @!p0 s17;
	s15 =	smov.u32 s2  }
.LBB1_1:
0x33: {  	p0 =	sge.u32 s13, s6  }
0x34: {  	p1 =	sgt.s32 @!p0 s12, $0xC2D0  }
0x35: {  	s16 =	smov.u32 s12;
	s17 =	sshra.s32 @!p0 s12, $0x1F;
	p1 =	por !p1, p0  }
0x36: {  	s17 =	sand.u32 @!p0 s17, s12;
	s16 =	simm.s32 @p1 $0xC2D0  }
0x37: {  	s16 =	ssub.s32 @!p0 s16, s17  }
0x38: {  	s31 =	sadd.s32 $0xFFFFFFFF, s13;
	s18 =	sxor.u32 @!p0 $0xFFFFFFFF, s13;
	s16 =	sadd.s32 @!p0 $0xFFFF3D30, s16  }
0x39: {  	s19 =	simm.s32 @!p0 $0x80;
	s20 =	simm.s32 @!p0 $0x100;
	s17 =	sshll.u32 @!p0 s16, $0x7  }
0x3a: {  	p1 =	sgt.s32 @!p0 s16, $0x7F;
	s16 =	ssub.s32 @!p0 $0x4000, s17;
	s17 =	sshll.u32 @!p0 s18, $0xE  }
0x3b: {  	p1 =	por !p1, p0;
	s18 =	sshll.u32 @!p0 s12, $0x5;
	s16 =	sand.u32 @!p0 $0x3FFFFF80, s16  }
0x3c: {  	s17 =	sand.u32 @!p0 $0x4000, s17;
	s18 =	sadd.s32 @!p0 s18, s7;
	s16 =	simm.s32 @!p1 $0x0  }
0x3d: {  	[tilespmem:s17], [sflag:$0x1] =	stream.strided.gather @!p0 [hbm4b:s18+s19], s16, s20, s19, $0x38;
	[tilespmem:$0x10000] =	vst v63  }
0x3e: {  	p0 =	sge.u32 s31, s6  }
.Ltmp2:
0x3f: {  	_ = 	snop;
	(pc) =	sbr.rel @p0 .LBB1_10-.Ltmp2, $1  }
0x40: {  	_ =	sdelay $0x3  }
0x41: {  	p0 =	sgt.s32 s11, $0xC2D0;
	s16 =	smov.u32 s11;
	s17 =	sshra.s32 s11, $0x1F  }
0x42: {  	s16 =	simm.s32 @!p0 $0xC2D0;
	s17 =	sand.u32 s17, s11  }
0x43: {  	s16 =	ssub.s32 s16, s17  }
0x44: {  	s16 =	sadd.s32 $0xFFFF3D30, s16  }
0x45: {  	s30 =	sshll.u32 s16, $0x7  }
0x46: {  	s17 =	ssub.s32 $0x4000, s30  }
0x47: {  	p0 =	sgt.s32 s16, $0x7F;
	s16 =	sand.u32 $0x3FFFFF80, s17;
	s17 =	sadd.s32 $0x80, s11  }
0x48: {  	s16 =	simm.s32 @p0 $0x0;
	p0 =	slt.s32 s17, $0xC350  }
0x49: {  	s17 =	simm.s32 @!p0 $0xC350  }
0x4a: {  	s20 =	ssub.s32 s17, s11  }
0x4b: {  	p0 =	slt.s32 s20, $0x1  }
.Ltmp3:
0x4c: {  	_ = 	snop;
	(pc) =	sbr.rel @p0 .LBB1_9-.Ltmp3, $4  }
0x4d: {  	_ = 	snop  }
0x4e: {  	s19 =	sshll.u32 s13, $0xE;
	_ =	swait.ge [sflag:s5], s16  }
0x4f: {  	s31 =	sand.u32 $0x4000, s19;
	s18 =	ssub.s32 $0x0, s16;
	[sflag:s5] =	ssyncset.done $0x0  }
0x50: {  	s17 =	sor.u32 $0x8000, s31;
	[sflag:s5] =	ssyncadd.s32 s18  }
0x51: {  	p1 =	sne.s32 s20, $0x1  }
.Ltmp4:
0x52: {  	v0 =	vmov s17;
	(pc) =	sbr.rel @!p1 .LBB1_4-.Ltmp4, $4  }
0x53: {  	_ = 	snop  }
0x54: {  	s18 =	sand.u32 $0x4000, s10  }
0x55: {  	s18 =	sor.u32 $0x40, s18  }
0x56: {  	s19 =	simm.s32 $0x0;
	s21 =	sadd.s32 $0xFFFFFFFF, s20;
	p0 =	por $0x0, $0x0;
	v1 =	vld [tilespmem:s18+$0x30]  }
0x57: {  	v4 =	vld [tilespmem:s18+$0xFFFFFFC0]  }
0x58: {  	v6 =	vld [tilespmem:s18+$0xFFFFFFD0]  }
0x59: {  	v7 =	vld [tilespmem:s18+$0xFFFFFFE0];
	p1 =	sne.s32 s21, $0x1  }
.Ltmp5:
0x5a: {  	v2 =	vld [tilespmem:s18+$0xFFFFFFF0];
	s20 =	sand.u32 $0x3F80, s19;
	(pc) =	sbr.rel @!p1 .LBB1_6-.Ltmp5, $4  }
0x5b: {  	v3 =	vld [tilespmem:s18+$0x0];
	[tilespmem:v0+s20+$0x70 ss:$0x1] =	vst.idx.msk $0xffff, v1  }
0x5c: {  	v5 =	vld [tilespmem:s18+$0x10];
	[tilespmem:v0+s20+$0x0 ss:$0x1] =	vst.idx.msk $0xffff, v4  }
0x5d: {  	v4 =	vld [tilespmem:s18+$0x20];
	[tilespmem:v0+s20+$0x10 ss:$0x1] =	vst.idx.msk $0xffff, v6;
	s18 =	sadd.s32 $0x80, s18  }
0x5e: {  	s22 =	sadd.s32 $0xFFFFFFFF, s21;
	p0 =	por $0x1, $0x1;
	s21 =	simm.s32 $0x0;
	[tilespmem:v0+s20+$0x20 ss:$0x1] =	vst.idx.msk $0xffff, v7;
	v1 =	vld [tilespmem:s18+$0x30]  }
.LBB1_7:
0x5f: {  	p1 =	sne.s32 s22, $0x1;
	v6 =	vld [tilespmem:s18+$0xFFFFFFC0];
	[tilespmem:v0+s20+$0x30 ss:$0x1] =	vst.idx.msk $0xffff, v2  }
0x60: {  	v7 =	vld [tilespmem:s18+$0xFFFFFFD0];
	[tilespmem:v0+s20+$0x40 ss:$0x1] =	vst.idx.msk $0xffff, v3  }
0x61: {  	s21 =	sadd.s32 $0x80, s21;
	v8 =	vld [tilespmem:s18+$0xFFFFFFE0];
	[tilespmem:v0+s20+$0x50 ss:$0x1] =	vst.idx.msk $0xffff, v5  }
.Ltmp6:
0x62: {  	v2 =	vld [tilespmem:s18+$0xFFFFFFF0];
	[tilespmem:v0+s20+$0x60 ss:$0x1] =	vst.idx.msk $0xffff, v4;
	s20 =	sand.u32 $0x3F80, s21;
	(pc) =	sbr.rel @p1 .LBB1_7-.Ltmp6, $4  }
0x63: {  	v3 =	vld [tilespmem:s18+$0x0];
	[tilespmem:v0+s20+$0x70 ss:$0x1] =	vst.idx.msk $0xffff, v1  }
0x64: {  	[tilespmem:v0+s20+$0x0 ss:$0x1] =	vst.idx.msk $0xffff, v6;
	v5 =	vld [tilespmem:s18+$0x10]  }
0x65: {  	[tilespmem:v0+s20+$0x10 ss:$0x1] =	vst.idx.msk $0xffff, v7;
	v4 =	vld [tilespmem:s18+$0x20];
	s18 =	sadd.s32 $0x80, s18  }
0x66: {  	s22 =	sadd.s32 $0xFFFFFFFF, s22;
	v1 =	vld [tilespmem:s18+$0x30];
	[tilespmem:v0+s20+$0x20 ss:$0x1] =	vst.idx.msk $0xffff, v8  }
.Ltmp7:
0x67: {  	_ = 	snop;
	(pc) =	sbr.rel .LBB1_8-.Ltmp7, $1  }
0x68: {  	_ =	sdelay $0x3  }
.LBB1_6:
.Ltmp8:
0x69: {  	(pc) =	sbr.rel .LBB1_8-.Ltmp8, $2  }
0x6a: {  	_ =	sdelay $0x2  }
0x6b: {  	s21 =	simm.s32 $0x0  }
.LBB1_11:
0x6c: {  	_ =	sfence.sel $0x180000  }
0x6d: {  	s2 =	simm.s32 $0x1;
	[bflag:$0x0] =	sbarrier.arrive $0xFFFF  }
0x6e: {  	s31 =	simm.s32 $0x2;
	[sflag:s2] =	ssyncpa.u1 $0x1  }
0x6f: {  	[sflag:s31] =	ssyncpa.u1 $0x1  }
0x70: {  	p0 =	sne.s32 s0, $0x0;
	_ =	strace $0x90000053  }
0x71: {  	s0 =	sadd.s32 @!p0 $0x100000, s1;
	[bflag:$0x2] =	sbarrier.arrive $0xFFFF  }
0x72: {  	[sflag:s0] =	ssyncadd.tile.s32 @!p0 $0x1;
	_ =	shalt  }
.Lfunc_end1:
_tile_overlayer_lowered:
.L_overlay_start_2:
0x73: {  	(tag) =	ssettag $0x2  }
0x74: {  	s0 =	rddreg [dreg:$0x0];
	s2 =	stileid.u32  }
0x75: {  	s1 =	rddreg [dreg:$0x1];
	p0 =	sne.s32 s2, $0x0  }
0x76: {  	s3 =	rddreg [dreg:$0x2];
	[bflag:$0x3] =	sbarrier.arrive $0xFFFF;
	s2 =	simm.s32 @!p0 $0x1C01  }
0x77: {  	[timem:s3], [sflag:s2] =	dma.local @!p0 [hbm:s0], s1  }
0x78: {  	s0 =	simm.s32 @!p0 $0x1  }
0x79: {  	_ =	swait.ge @!p0 [sflag:s0], s1  }
0x7a: {  	s1 =	ssub.s32 @!p0 $0x0, s1;
	[sflag:s0] =	ssyncset.done @!p0 $0x0  }
0x7b: {  	[sflag:s0] =	ssyncadd.s32 @!p0 s1  }
0x7c: {  	[bflag:$0x3] =	sbarrier.arrive $0xFFFF  }
0x7d: {  	_ =	shalt  }

</sc_bundles>
